<compile_context>
chip_gen: v7x
topology: tpu7x:2x2x1
jax: 0.10.2.dev20260603
libtpu: 0.0.44.dev20260713+nightly
codegen_flags: <defaults>
</compile_context>

<pallas_src>
import functools

import jax
import jax.numpy as jnp
from jax import lax
from jax.experimental import pallas as pl
from jax.experimental.pallas import tpu as pltpu
from jax.experimental.pallas import tpu_sc as plsc

_NC = 2
_NS = 16
_NW = _NC * _NS
_DS = 16384

_MESH = plsc.VectorSubcoreMesh(core_axis_name="c", subcore_axis_name="s")
_CP = pltpu.CompilerParams(use_tc_tiling_on_sc=False)


def _perm_idx(v):
    s = _DS
    lg = s.bit_length() - 1
    return ((v & jnp.int32(-2 * s))
            | ((v & jnp.int32(s - 1)) << 1)
            | ((v >> lg) & jnp.int32(1)))


def _detile_body(t0, t1, tout):
    x = jnp.concatenate([t0[...], t1[...]], axis=0)
    tout[...] = jnp.transpose(x)


def _detile(t):
    V, H = t.shape
    S = _DS
    assert H == 64
    grid = (V + 2 * S - 1) // (2 * S)
    last = (V + S - 1) // S - 1
    out = pl.pallas_call(
        _detile_body,
        grid=(grid,),
        in_specs=[
            pl.BlockSpec((H, S), lambda j: (0, jnp.minimum(2 * j, last))),
            pl.BlockSpec((H, S), lambda j: (0, jnp.minimum(2 * j + 1, last))),
        ],
        out_specs=pl.BlockSpec((S, 2 * H), lambda j: (j, 0)),
        out_shape=jax.ShapeDtypeStruct((grid * S, 2 * H), jnp.float32),
    )(t.T, t.T)
    return out.reshape(grid * 2 * S, H)


def _sc_small_gathers(user, cate, u_emb, c_emb):
    B = user.shape[0]
    H = u_emb.shape[1]
    nb = B // _NW
    f32 = jnp.float32
    out_t = jax.ShapeDtypeStruct((B, H), f32)

    @functools.partial(
        pl.kernel,
        mesh=_MESH,
        out_type=[out_t, out_t],
        compiler_params=_CP,
        scratch_types=[
            pltpu.VMEM((nb, H), f32),
            pltpu.VMEM((nb, H), f32),
            pltpu.VMEM((nb,), jnp.int32),
            pltpu.VMEM((nb,), jnp.int32),
            pltpu.SemaphoreType.DMA,
            pltpu.SemaphoreType.DMA,
        ],
    )
    def sc_a(user_h, cate_h, uemb_h, cemb_h, u_out, c_out,
             ubuf, cbuf, uidx, cidx, semu, semc):
        wid = lax.axis_index("s") * _NC + lax.axis_index("c")
        b0 = wid * nb
        pltpu.sync_copy(user_h.at[pl.ds(b0, nb)], uidx)
        pltpu.sync_copy(cate_h.at[pl.ds(b0, nb)], cidx)
        for ch in range(nb // 16):
            s = pl.ds(ch * 16, 16)
            uidx[s] = _perm_idx(uidx[s])
            cidx[s] = _perm_idx(cidx[s])
        pltpu.async_copy(uemb_h.at[uidx], ubuf, semu)
        pltpu.async_copy(cemb_h.at[cidx], cbuf, semc)
        pltpu.make_async_copy(uemb_h.at[uidx], ubuf, semu).wait()
        pltpu.sync_copy(ubuf, u_out.at[pl.ds(b0, nb)])
        pltpu.make_async_copy(cemb_h.at[cidx], cbuf, semc).wait()
        pltpu.sync_copy(cbuf, c_out.at[pl.ds(b0, nb)])

    return sc_a(user, cate, u_emb, c_emb)


def _sc_pool(item, hist, i_emb):
    L, B = hist.shape
    H = i_emb.shape[1]
    nb = B // _NW
    assert B % (8 * _NW) == 0 and L % 2 == 0 and L >= 6 and nb <= 128
    assert H % 16 == 0
    f32 = jnp.float32
    out_t = jax.ShapeDtypeStruct((B, H), f32)

    @functools.partial(
        pl.kernel,
        mesh=_MESH,
        out_type=[out_t, out_t],
        compiler_params=_CP,
        scratch_types=[
            pltpu.VMEM((L, nb), jnp.int32),
            pltpu.VMEM_SHARED((B // _NC, H), f32),
            pltpu.VMEM((nb, H), f32),
            pltpu.VMEM((nb, H), f32),
            pltpu.VMEM((nb, H), f32),
            pltpu.VMEM((nb, H), f32),
            pltpu.VMEM((nb, H), f32),
            pltpu.VMEM((nb, H), f32),
            pltpu.VMEM((nb, H), f32),
            pltpu.VMEM((nb, H), f32),
            pltpu.VMEM((nb, H), f32),
            pltpu.VMEM((nb,), jnp.int32),
            pltpu.VMEM((nb,), jnp.int32),
            pltpu.SemaphoreType.DMA,
            pltpu.SemaphoreType.DMA,
            pltpu.SemaphoreType.DMA,
            pltpu.SemaphoreType.DMA,
            pltpu.SemaphoreType.DMA,
            pltpu.SemaphoreType.DMA,
            pltpu.SemaphoreType.DMA,
            pltpu.SemaphoreType.DMA,
            pltpu.SemaphoreType.DMA,
        ],
    )
    def sc_b(item_h, hist_h, iemb_h, it_out, cur_out,
             hist_v, accum, buf0, buf1, buf2, buf3, buf4, buf5, buf6, buf7,
             ibuf, iidx, lidx,
             sem0, sem1, sem2, sem3, sem4, sem5, sem6, sem7, semi):
        sid = lax.axis_index("s")
        wid = sid * _NC + lax.axis_index("c")
        b0 = wid * nb
        a0 = sid * nb

        pltpu.sync_copy(hist_h.at[:, pl.ds(b0, nb)], hist_v)
        pltpu.sync_copy(item_h.at[pl.ds(b0, nb)], iidx)

        @pl.loop(0, L)
        def _(l):
            for ch in range(nb // 16):
                s = pl.ds(ch * 16, 16)
                hist_v[l, s] = _perm_idx(hist_v[l, s])

        for ch in range(nb // 16):
            s = pl.ds(ch * 16, 16)
            iidx[s] = _perm_idx(iidx[s])

        pltpu.async_copy(iemb_h.at[iidx], ibuf, semi)

        for j in range(nb // 16):
            lidx[pl.ds(j * 16, 16)] = lax.iota(jnp.int32, 16) + j * 16 + a0

        @pl.loop(0, nb)
        def _(i):
            for ch in range(H // 16):
                buf0[i, pl.ds(ch * 16, 16)] = jnp.zeros((16,), f32)

        pltpu.sync_copy(buf0, accum.at[pl.ds(a0, nb)])

        nring = 8
        bufs = (buf0, buf1, buf2, buf3, buf4, buf5, buf6, buf7)
        sems = (sem0, sem1, sem2, sem3, sem4, sem5, sem6, sem7)
        assert L % nring == 0 and L >= 2 * nring
        for k in range(nring):
            pltpu.async_copy(iemb_h.at[hist_v.at[k]], bufs[k], sems[k])

        @pl.loop(0, L - nring, step=nring)
        def _(l):
            for k in range(nring):
                pltpu.make_async_copy(
                    iemb_h.at[hist_v.at[l + k]], bufs[k], sems[k]).wait()
                pltpu.sync_copy(bufs[k], accum.at[lidx], add=True)
                pltpu.async_copy(
                    iemb_h.at[hist_v.at[l + nring + k]], bufs[k], sems[k])

        for k in range(nring):
            pltpu.make_async_copy(
                iemb_h.at[hist_v.at[L - nring + k]], bufs[k], sems[k]).wait()
            pltpu.sync_copy(bufs[k], accum.at[lidx], add=True)

        pltpu.make_async_copy(iemb_h.at[iidx], ibuf, semi).wait()
        pltpu.sync_copy(ibuf, it_out.at[pl.ds(b0, nb)])
        pltpu.sync_copy(accum.at[pl.ds(a0, nb)], cur_out.at[pl.ds(b0, nb)])

    return sc_b(item, hist, i_emb)


def _dice(x, alpha, eps=1e-8):
    mean = jnp.mean(x, axis=0, keepdims=True)
    var = jnp.mean((x - mean) ** 2, axis=0, keepdims=True)
    x_norm = (x - mean) / jnp.sqrt(var + eps)
    p = jax.nn.sigmoid(x_norm)
    return p * x + (1.0 - p) * alpha * x


def _mlp_body(u, it, c, cur, W1, b1, a1, W2, b2, a2, W3, b3, o):
    H = u.shape[1]
    f32 = jnp.float32
    x = jnp.dot(u[...], W1[0:H, :], preferred_element_type=f32)
    x = x + jnp.dot(it[...], W1[H:2 * H, :], preferred_element_type=f32)
    x = x + jnp.dot(c[...], W1[2 * H:3 * H, :], preferred_element_type=f32)
    x = x + jnp.dot(cur[...], W1[3 * H:4 * H, :], preferred_element_type=f32)
    x = x + b1[...]
    x = _dice(x, a1[...])
    x = jnp.dot(x, W2[...], preferred_element_type=f32) + b2[...]
    x = _dice(x, a2[...])
    o[...] = jnp.dot(x, W3[...], preferred_element_type=f32) + b3[...]


def kernel(user, hist, item, cate, u_emb, i_emb, c_emb, W1, b1, a1, W2, b2, a2, W3, b3):
    B = user.shape[0]
    u_emb = _detile(u_emb)
    c_emb = _detile(c_emb)
    u, c = _sc_small_gathers(user, cate, u_emb, c_emb)
    i_emb = _detile(i_emb)
    it, cur = _sc_pool(item, hist, i_emb)
    out = pl.pallas_call(
        _mlp_body,
        out_shape=jax.ShapeDtypeStruct((B, W3.shape[1]), jnp.float32),
    )(u, it, c, cur,
      W1, b1.reshape(1, -1), a1.reshape(1, -1),
      W2, b2.reshape(1, -1), a2.reshape(1, -1),
      W3, b3.reshape(1, -1))
    return out

# --- scband reference (transcript-rebuilt; emitter-appended) ---
"""Pipeline reference for scband-base-model-66194035966218 (READ-ONLY COPY).

The authoritative reference and input builder live on the scoring server;
editing this copy changes nothing except your own understanding.
"""

import jax, jax.numpy as jnp
import numpy as np

B = 4096
L = 200
H = 64
USER_NUM = 100000
ITEM_NUM = 1000000
CATE_NUM = 1000


def dice(x, alpha, eps=1e-8):
    # Dice activation (DIN): p = sigmoid(batchnorm(x)); out = p*x + (1-p)*alpha*x
    mean = jnp.mean(x, axis=0, keepdims=True)
    var = jnp.var(x, axis=0, keepdims=True)
    x_norm = (x - mean) / jnp.sqrt(var + eps)
    p = jax.nn.sigmoid(x_norm)
    return p * x + (1.0 - p) * alpha * x


def setup_inputs(seed: int = 0) -> dict:
    key = jax.random.key(seed)
    ks = jax.random.split(key, 16)
    user = jax.random.randint(ks[0], (B,), 0, USER_NUM, dtype=jnp.int64 if jax.config.jax_enable_x64 else jnp.int32)
    hist = jax.random.randint(ks[1], (L, B), 0, ITEM_NUM, dtype=jnp.int64 if jax.config.jax_enable_x64 else jnp.int32)
    item = jax.random.randint(ks[2], (B,), 0, ITEM_NUM, dtype=jnp.int64 if jax.config.jax_enable_x64 else jnp.int32)
    cate = jax.random.randint(ks[3], (B,), 0, CATE_NUM, dtype=jnp.int64 if jax.config.jax_enable_x64 else jnp.int32)
    u_emb = jax.random.normal(ks[4], (USER_NUM, H), jnp.float32) * 0.02
    i_emb = jax.random.normal(ks[5], (ITEM_NUM, H), jnp.float32) * 0.02
    c_emb = jax.random.normal(ks[6], (CATE_NUM, H), jnp.float32) * 0.02
    W1 = jax.random.normal(ks[7], (H * 4, 80), jnp.float32) * 0.05
    b1 = jnp.zeros((80,), jnp.float32)
    a1 = jnp.zeros((80,), jnp.float32)
    W2 = jax.random.normal(ks[8], (80, 40), jnp.float32) * 0.05
    b2 = jnp.zeros((40,), jnp.float32)
    a2 = jnp.zeros((40,), jnp.float32)
    W3 = jax.random.normal(ks[9], (40, 2), jnp.float32) * 0.05
    b3 = jnp.zeros((2,), jnp.float32)
    return {"user": user, "hist": hist, "item": item, "cate": cate,
            "u_emb": u_emb, "i_emb": i_emb, "c_emb": c_emb,
            "W1": W1, "b1": b1, "a1": a1,
            "W2": W2, "b2": b2, "a2": a2,
            "W3": W3, "b3": b3}


def reference(user, hist, item, cate, u_emb, i_emb, c_emb, W1, b1, a1, W2, b2, a2, W3, b3):
    u = jnp.take(u_emb, user, axis=0)            # [B, H]
    it = jnp.take(i_emb, item, axis=0)           # [B, H]
    c = jnp.take(c_emb, cate, axis=0)            # [B, H]
    # history: hist is [L, B]; original code loops over hist[i], embeds, and sums
    h = jnp.take(i_emb, hist, axis=0)            # [L, B, H]
    # original detaches history embeddings (numpy round-trip)
    cur = jnp.sum(jax.lax.stop_gradient(h), axis=0)  # [B, H]
    res = jnp.concatenate([u, it, c, cur], axis=-1)  # [B, 4H]
    x = res @ W1 + b1
    x = dice(x, a1)
    x = x @ W2 + b2
    x = dice(x, a2)
    x = x @ W3 + b3
    return x

if __name__ == "__main__":
    import jax
    _d = setup_inputs()
    print(jax.jit(kernel)(*tuple(_d.values())))

</pallas_src>

<mosaic_0001>
#map = affine_map<(d0, d1) -> (0)>
#map1 = affine_map<(d0, d1) -> (0, 0)>
module attributes {stable_mosaic.version = 14 : i64} {
  func.func @sc_b(%arg0: i32, %arg1: i32, %arg2: memref<4096xi32, #tpu.memory_space<hbm>>, %arg3: memref<200x4096xi32, #tpu.memory_space<hbm>>, %arg4: memref<1015808x64xf32, #tpu.memory_space<hbm>>, %arg5: memref<4096x64xf32, #tpu.memory_space<hbm>>, %arg6: memref<4096x64xf32, #tpu.memory_space<hbm>>, %arg7: memref<200x128xi32, #tpu.memory_space<vmem>>, %arg8: memref<2048x64xf32, #tpu.memory_space<vmem_shared>>, %arg9: memref<128x64xf32, #tpu.memory_space<vmem>>, %arg10: memref<128x64xf32, #tpu.memory_space<vmem>>, %arg11: memref<128x64xf32, #tpu.memory_space<vmem>>, %arg12: memref<128x64xf32, #tpu.memory_space<vmem>>, %arg13: memref<128x64xf32, #tpu.memory_space<vmem>>, %arg14: memref<128x64xf32, #tpu.memory_space<vmem>>, %arg15: memref<128x64xf32, #tpu.memory_space<vmem>>, %arg16: memref<128x64xf32, #tpu.memory_space<vmem>>, %arg17: memref<128x64xf32, #tpu.memory_space<vmem>>, %arg18: memref<128xi32, #tpu.memory_space<vmem>>, %arg19: memref<128xi32, #tpu.memory_space<vmem>>, %arg20: memref<!tpu.dma_semaphore, #tpu.memory_space<semaphore_mem>>, %arg21: memref<!tpu.dma_semaphore, #tpu.memory_space<semaphore_mem>>, %arg22: memref<!tpu.dma_semaphore, #tpu.memory_space<semaphore_mem>>, %arg23: memref<!tpu.dma_semaphore, #tpu.memory_space<semaphore_mem>>, %arg24: memref<!tpu.dma_semaphore, #tpu.memory_space<semaphore_mem>>, %arg25: memref<!tpu.dma_semaphore, #tpu.memory_space<semaphore_mem>>, %arg26: memref<!tpu.dma_semaphore, #tpu.memory_space<semaphore_mem>>, %arg27: memref<!tpu.dma_semaphore, #tpu.memory_space<semaphore_mem>>, %arg28: memref<!tpu.dma_semaphore, #tpu.memory_space<semaphore_mem>>) attributes {dimension_semantics = [#tpu.dimension_semantics<core_parallel>, #tpu.dimension_semantics<subcore_parallel>], iteration_bounds = array<i64: 2, 16>, scalar_prefetch = 0 : i64, scratch_operands = 22 : i64, tpu.core_type = #tpu.core_type<sc_vector_subcore>, window_params = [{transform_indices = #map}, {transform_indices = #map1}, {transform_indices = #map1}, {transform_indices = #map1}, {transform_indices = #map1}]} {
    %mul3A = arith.constant 2 : i32
    %mul3A_0 = arith.muli %arg1, %mul3A : i32
    %add3A = arith.addi %mul3A_0, %arg0 : i32
    %mul3A_1 = arith.constant 128 : i32
    %mul3A_2 = arith.muli %add3A, %mul3A_1 : i32
    %mul3A_3 = arith.constant 128 : i32
    %mul3A_4 = arith.muli %arg1, %mul3A_3 : i32
    "tpu.region"() ({
      %run_scoped3A = tpu.sem_alloc : memref<!tpu.dma_semaphore, #tpu.memory_space<semaphore_mem>>
      %dma_start3A_400 = arith.constant 0 : i32
      %dma_start3A_401 = tpu.memref_slice %arg3[%dma_start3A_400, %mul3A_2] : memref<200x4096xi32, #tpu.memory_space<hbm>> -> memref<200x128xi32, #tpu.memory_space<hbm>>
      %dma_start3A_402 = arith.constant 0 : i32
      %dma_start3A_403 = tpu.memref_slice %arg3[%dma_start3A_402, %mul3A_2] : memref<200x4096xi32, #tpu.memory_space<hbm>> -> memref<200x128xi32, #tpu.memory_space<hbm>>
      tpu.enqueue_dma source(%dma_start3A_403 : memref<200x128xi32, #tpu.memory_space<hbm>>) target(%arg7 : memref<200x128xi32, #tpu.memory_space<vmem>>) target_semaphore(%run_scoped3A : memref<!tpu.dma_semaphore, #tpu.memory_space<semaphore_mem>>)
      %dma_wait3A_404 = arith.constant 0 : i32
      %dma_wait3A_405 = tpu.memref_slice %arg3[%dma_wait3A_404, %mul3A_2] : memref<200x4096xi32, #tpu.memory_space<hbm>> -> memref<200x128xi32, #tpu.memory_space<hbm>>
      %dma_wait3A_406 = arith.constant 0 : i32
      %dma_wait3A_407 = tpu.memref_slice %arg3[%dma_wait3A_406, %mul3A_2] : memref<200x4096xi32, #tpu.memory_space<hbm>> -> memref<200x128xi32, #tpu.memory_space<hbm>>
      tpu.wait_dma2 semaphore(%run_scoped3A : memref<!tpu.dma_semaphore, #tpu.memory_space<semaphore_mem>>) src(%dma_wait3A_407 : memref<200x128xi32, #tpu.memory_space<hbm>>) dst(%arg7 : memref<200x128xi32, #tpu.memory_space<vmem>>)
      tpu.yield
    }) : () -> ()
    "tpu.region"() ({
      %run_scoped3A = tpu.sem_alloc : memref<!tpu.dma_semaphore, #tpu.memory_space<semaphore_mem>>
      %dma_start3A_400 = tpu.memref_slice %arg2[%mul3A_2] : memref<4096xi32, #tpu.memory_space<hbm>> -> memref<128xi32, #tpu.memory_space<hbm>>
      %dma_start3A_401 = tpu.memref_slice %arg2[%mul3A_2] : memref<4096xi32, #tpu.memory_space<hbm>> -> memref<128xi32, #tpu.memory_space<hbm>>
      tpu.enqueue_dma source(%dma_start3A_401 : memref<128xi32, #tpu.memory_space<hbm>>) target(%arg18 : memref<128xi32, #tpu.memory_space<vmem>>) target_semaphore(%run_scoped3A : memref<!tpu.dma_semaphore, #tpu.memory_space<semaphore_mem>>)
      %dma_wait3A_402 = tpu.memref_slice %arg2[%mul3A_2] : memref<4096xi32, #tpu.memory_space<hbm>> -> memref<128xi32, #tpu.memory_space<hbm>>
      %dma_wait3A_403 = tpu.memref_slice %arg2[%mul3A_2] : memref<4096xi32, #tpu.memory_space<hbm>> -> memref<128xi32, #tpu.memory_space<hbm>>
      tpu.wait_dma2 semaphore(%run_scoped3A : memref<!tpu.dma_semaphore, #tpu.memory_space<semaphore_mem>>) src(%dma_wait3A_403 : memref<128xi32, #tpu.memory_space<hbm>>) dst(%arg18 : memref<128xi32, #tpu.memory_space<vmem>>)
      tpu.yield
    }) : () -> ()
    %scan3A = arith.constant 0 : i32
    %scan3A_5 = arith.constant 200 : i32
    %scan3A_6 = arith.addi %scan3A, %scan3A_5 : i32
    %scan3A_7 = arith.constant 1 : i32
    scf.for %scan3A_400 = %scan3A to %scan3A_6 step %scan3A_7  : i32 {
      %mul3A_401 = arith.constant 1 : i32
      %mul3A_402 = arith.muli %scan3A_400, %mul3A_401 : i32
      %add3A_403 = arith.constant 0 : i32
      %add3A_404 = arith.addi %add3A_403, %mul3A_402 : i32
      %get3A_405 = arith.index_cast %add3A_404 : i32 to index
      %get3A_406 = arith.constant 0 : index
      %get3A_407 = tpu.vector_load %arg7[%get3A_405, %get3A_406] {strides = array<i32>} : memref<200x128xi32, #tpu.memory_space<vmem>>, vector<1x16xi32>,
      %get3A_408 = vector.shape_cast %get3A_407 : vector<1x16xi32> to vector<16xi32>
      %and3A_409 = arith.constant -32768 : i32
      %and3A_410 = vector.broadcast %and3A_409 : i32 to vector<16xi32>
      %and3A_411 = arith.andi %get3A_408, %and3A_410 : vector<16xi32>
      %and3A_412 = arith.constant 16383 : i32
      %and3A_413 = vector.broadcast %and3A_412 : i32 to vector<16xi32>
      %and3A_414 = arith.andi %get3A_408, %and3A_413 : vector<16xi32>
      %shift_left3A_415 = arith.constant 1 : i32
      %shift_left3A_416 = vector.broadcast %shift_left3A_415 : i32 to vector<16xi32>
      %shift_left3A_417 = arith.shli %and3A_414, %shift_left3A_416 : vector<16xi32>
      %or3A_418 = arith.ori %and3A_411, %shift_left3A_417 : vector<16xi32>
      %shift_right_arithmetic3A_419 = arith.constant 14 : i32
      %shift_right_arithmetic3A_420 = vector.broadcast %shift_right_arithmetic3A_419 : i32 to vector<16xi32>
      %shift_right_arithmetic3A_421 = arith.shrsi %get3A_408, %shift_right_arithmetic3A_420 : vector<16xi32>
      %and3A_422 = arith.constant 1 : i32
      %and3A_423 = vector.broadcast %and3A_422 : i32 to vector<16xi32>
      %and3A_424 = arith.andi %shift_right_arithmetic3A_421, %and3A_423 : vector<16xi32>
      %or3A_425 = arith.ori %or3A_418, %and3A_424 : vector<16xi32>
      %swap3A_426 = arith.index_cast %add3A_404 : i32 to index
      %swap3A_427 = arith.constant 0 : index
      %swap3A_428 = tpu.vector_load %arg7[%swap3A_426, %swap3A_427] {strides = array<i32>} : memref<200x128xi32, #tpu.memory_space<vmem>>, vector<1x16xi32>,
      %swap3A_429 = vector.shape_cast %swap3A_428 : vector<1x16xi32> to vector<16xi32>
      %swap3A_430 = vector.shape_cast %or3A_425 : vector<16xi32> to vector<1x16xi32>
      tpu.vector_store %arg7[%swap3A_426, %swap3A_427], %swap3A_430 {strides = array<i32>} : memref<200x128xi32, #tpu.memory_space<vmem>>, vector<1x16xi32>,
      %get3A_431 = arith.index_cast %add3A_404 : i32 to index
      %get3A_432 = arith.constant 16 : index
      %get3A_433 = tpu.vector_load %arg7[%get3A_431, %get3A_432] {strides = array<i32>} : memref<200x128xi32, #tpu.memory_space<vmem>>, vector<1x16xi32>,
      %get3A_434 = vector.shape_cast %get3A_433 : vector<1x16xi32> to vector<16xi32>
      %and3A_435 = arith.constant -32768 : i32
      %and3A_436 = vector.broadcast %and3A_435 : i32 to vector<16xi32>
      %and3A_437 = arith.andi %get3A_434, %and3A_436 : vector<16xi32>
      %and3A_438 = arith.constant 16383 : i32
      %and3A_439 = vector.broadcast %and3A_438 : i32 to vector<16xi32>
      %and3A_440 = arith.andi %get3A_434, %and3A_439 : vector<16xi32>
      %shift_left3A_441 = arith.constant 1 : i32
      %shift_left3A_442 = vector.broadcast %shift_left3A_441 : i32 to vector<16xi32>
      %shift_left3A_443 = arith.shli %and3A_440, %shift_left3A_442 : vector<16xi32>
      %or3A_444 = arith.ori %and3A_437, %shift_left3A_443 : vector<16xi32>
      %shift_right_arithmetic3A_445 = arith.constant 14 : i32
      %shift_right_arithmetic3A_446 = vector.broadcast %shift_right_arithmetic3A_445 : i32 to vector<16xi32>
      %shift_right_arithmetic3A_447 = arith.shrsi %get3A_434, %shift_right_arithmetic3A_446 : vector<16xi32>
      %and3A_448 = arith.constant 1 : i32
      %and3A_449 = vector.broadcast %and3A_448 : i32 to vector<16xi32>
      %and3A_450 = arith.andi %shift_right_arithmetic3A_447, %and3A_449 : vector<16xi32>
      %or3A_451 = arith.ori %or3A_444, %and3A_450 : vector<16xi32>
      %swap3A_452 = arith.index_cast %add3A_404 : i32 to index
      %swap3A_453 = arith.constant 16 : index
      %swap3A_454 = tpu.vector_load %arg7[%swap3A_452, %swap3A_453] {strides = array<i32>} : memref<200x128xi32, #tpu.memory_space<vmem>>, vector<1x16xi32>,
      %swap3A_455 = vector.shape_cast %swap3A_454 : vector<1x16xi32> to vector<16xi32>
      %swap3A_456 = vector.shape_cast %or3A_451 : vector<16xi32> to vector<1x16xi32>
      tpu.vector_store %arg7[%swap3A_452, %swap3A_453], %swap3A_456 {strides = array<i32>} : memref<200x128xi32, #tpu.memory_space<vmem>>, vector<1x16xi32>,
      %get3A_457 = arith.index_cast %add3A_404 : i32 to index
      %get3A_458 = arith.constant 32 : index
      %get3A_459 = tpu.vector_load %arg7[%get3A_457, %get3A_458] {strides = array<i32>} : memref<200x128xi32, #tpu.memory_space<vmem>>, vector<1x16xi32>,
      %get3A_460 = vector.shape_cast %get3A_459 : vector<1x16xi32> to vector<16xi32>
      %and3A_461 = arith.constant -32768 : i32
      %and3A_462 = vector.broadcast %and3A_461 : i32 to vector<16xi32>
      %and3A_463 = arith.andi %get3A_460, %and3A_462 : vector<16xi32>
      %and3A_464 = arith.constant 16383 : i32
      %and3A_465 = vector.broadcast %and3A_464 : i32 to vector<16xi32>
      %and3A_466 = arith.andi %get3A_460, %and3A_465 : vector<16xi32>
      %shift_left3A_467 = arith.constant 1 : i32
      %shift_left3A_468 = vector.broadcast %shift_left3A_467 : i32 to vector<16xi32>
      %shift_left3A_469 = arith.shli %and3A_466, %shift_left3A_468 : vector<16xi32>
      %or3A_470 = arith.ori %and3A_463, %shift_left3A_469 : vector<16xi32>
      %shift_right_arithmetic3A_471 = arith.constant 14 : i32
      %shift_right_arithmetic3A_472 = vector.broadcast %shift_right_arithmetic3A_471 : i32 to vector<16xi32>
      %shift_right_arithmetic3A_473 = arith.shrsi %get3A_460, %shift_right_arithmetic3A_472 : vector<16xi32>
      %and3A_474 = arith.constant 1 : i32
      %and3A_475 = vector.broadcast %and3A_474 : i32 to vector<16xi32>
      %and3A_476 = arith.andi %shift_right_arithmetic3A_473, %and3A_475 : vector<16xi32>
      %or3A_477 = arith.ori %or3A_470, %and3A_476 : vector<16xi32>
      %swap3A_478 = arith.index_cast %add3A_404 : i32 to index
      %swap3A_479 = arith.constant 32 : index
      %swap3A_480 = tpu.vector_load %arg7[%swap3A_478, %swap3A_479] {strides = array<i32>} : memref<200x128xi32, #tpu.memory_space<vmem>>, vector<1x16xi32>,
      %swap3A_481 = vector.shape_cast %swap3A_480 : vector<1x16xi32> to vector<16xi32>
      %swap3A_482 = vector.shape_cast %or3A_477 : vector<16xi32> to vector<1x16xi32>
      tpu.vector_store %arg7[%swap3A_478, %swap3A_479], %swap3A_482 {strides = array<i32>} : memref<200x128xi32, #tpu.memory_space<vmem>>, vector<1x16xi32>,
      %get3A_483 = arith.index_cast %add3A_404 : i32 to index
      %get3A_484 = arith.constant 48 : index
      %get3A_485 = tpu.vector_load %arg7[%get3A_483, %get3A_484] {strides = array<i32>} : memref<200x128xi32, #tpu.memory_space<vmem>>, vector<1x16xi32>,
      %get3A_486 = vector.shape_cast %get3A_485 : vector<1x16xi32> to vector<16xi32>
      %and3A_487 = arith.constant -32768 : i32
      %and3A_488 = vector.broadcast %and3A_487 : i32 to vector<16xi32>
      %and3A_489 = arith.andi %get3A_486, %and3A_488 : vector<16xi32>
      %and3A_490 = arith.constant 16383 : i32
      %and3A_491 = vector.broadcast %and3A_490 : i32 to vector<16xi32>
      %and3A_492 = arith.andi %get3A_486, %and3A_491 : vector<16xi32>
      %shift_left3A_493 = arith.constant 1 : i32
      %shift_left3A_494 = vector.broadcast %shift_left3A_493 : i32 to vector<16xi32>
      %shift_left3A_495 = arith.shli %and3A_492, %shift_left3A_494 : vector<16xi32>
      %or3A_496 = arith.ori %and3A_489, %shift_left3A_495 : vector<16xi32>
      %shift_right_arithmetic3A_497 = arith.constant 14 : i32
      %shift_right_arithmetic3A_498 = vector.broadcast %shift_right_arithmetic3A_497 : i32 to vector<16xi32>
      %shift_right_arithmetic3A_499 = arith.shrsi %get3A_486, %shift_right_arithmetic3A_498 : vector<16xi32>
      %and3A_500 = arith.constant 1 : i32
      %and3A_501 = vector.broadcast %and3A_500 : i32 to vector<16xi32>
      %and3A_502 = arith.andi %shift_right_arithmetic3A_499, %and3A_501 : vector<16xi32>
      %or3A_503 = arith.ori %or3A_496, %and3A_502 : vector<16xi32>
      %swap3A_504 = arith.index_cast %add3A_404 : i32 to index
      %swap3A_505 = arith.constant 48 : index
      %swap3A_506 = tpu.vector_load %arg7[%swap3A_504, %swap3A_505] {strides = array<i32>} : memref<200x128xi32, #tpu.memory_space<vmem>>, vector<1x16xi32>,
      %swap3A_507 = vector.shape_cast %swap3A_506 : vector<1x16xi32> to vector<16xi32>
      %swap3A_508 = vector.shape_cast %or3A_503 : vector<16xi32> to vector<1x16xi32>
      tpu.vector_store %arg7[%swap3A_504, %swap3A_505], %swap3A_508 {strides = array<i32>} : memref<200x128xi32, #tpu.memory_space<vmem>>, vector<1x16xi32>,
      %get3A_509 = arith.index_cast %add3A_404 : i32 to index
      %get3A_510 = arith.constant 64 : index
      %get3A_511 = tpu.vector_load %arg7[%get3A_509, %get3A_510] {strides = array<i32>} : memref<200x128xi32, #tpu.memory_space<vmem>>, vector<1x16xi32>,
      %get3A_512 = vector.shape_cast %get3A_511 : vector<1x16xi32> to vector<16xi32>
      %and3A_513 = arith.constant -32768 : i32
      %and3A_514 = vector.broadcast %and3A_513 : i32 to vector<16xi32>
      %and3A_515 = arith.andi %get3A_512, %and3A_514 : vector<16xi32>
      %and3A_516 = arith.constant 16383 : i32
      %and3A_517 = vector.broadcast %and3A_516 : i32 to vector<16xi32>
      %and3A_518 = arith.andi %get3A_512, %and3A_517 : vector<16xi32>
      %shift_left3A_519 = arith.constant 1 : i32
      %shift_left3A_520 = vector.broadcast %shift_left3A_519 : i32 to vector<16xi32>
      %shift_left3A_521 = arith.shli %and3A_518, %shift_left3A_520 : vector<16xi32>
      %or3A_522 = arith.ori %and3A_515, %shift_left3A_521 : vector<16xi32>
      %shift_right_arithmetic3A_523 = arith.constant 14 : i32
      %shift_right_arithmetic3A_524 = vector.broadcast %shift_right_arithmetic3A_523 : i32 to vector<16xi32>
      %shift_right_arithmetic3A_525 = arith.shrsi %get3A_512, %shift_right_arithmetic3A_524 : vector<16xi32>
      %and3A_526 = arith.constant 1 : i32
      %and3A_527 = vector.broadcast %and3A_526 : i32 to vector<16xi32>
      %and3A_528 = arith.andi %shift_right_arithmetic3A_525, %and3A_527 : vector<16xi32>
      %or3A_529 = arith.ori %or3A_522, %and3A_528 : vector<16xi32>
      %swap3A_530 = arith.index_cast %add3A_404 : i32 to index
      %swap3A_531 = arith.constant 64 : index
      %swap3A_532 = tpu.vector_load %arg7[%swap3A_530, %swap3A_531] {strides = array<i32>} : memref<200x128xi32, #tpu.memory_space<vmem>>, vector<1x16xi32>,
      %swap3A_533 = vector.shape_cast %swap3A_532 : vector<1x16xi32> to vector<16xi32>
      %swap3A_534 = vector.shape_cast %or3A_529 : vector<16xi32> to vector<1x16xi32>
      tpu.vector_store %arg7[%swap3A_530, %swap3A_531], %swap3A_534 {strides = array<i32>} : memref<200x128xi32, #tpu.memory_space<vmem>>, vector<1x16xi32>,
      %get3A_535 = arith.index_cast %add3A_404 : i32 to index
      %get3A_536 = arith.constant 80 : index
      %get3A_537 = tpu.vector_load %arg7[%get3A_535, %get3A_536] {strides = array<i32>} : memref<200x128xi32, #tpu.memory_space<vmem>>, vector<1x16xi32>,
      %get3A_538 = vector.shape_cast %get3A_537 : vector<1x16xi32> to vector<16xi32>
      %and3A_539 = arith.constant -32768 : i32
      %and3A_540 = vector.broadcast %and3A_539 : i32 to vector<16xi32>
      %and3A_541 = arith.andi %get3A_538, %and3A_540 : vector<16xi32>
      %and3A_542 = arith.constant 16383 : i32
      %and3A_543 = vector.broadcast %and3A_542 : i32 to vector<16xi32>
      %and3A_544 = arith.andi %get3A_538, %and3A_543 : vector<16xi32>
      %shift_left3A_545 = arith.constant 1 : i32
      %shift_left3A_546 = vector.broadcast %shift_left3A_545 : i32 to vector<16xi32>
      %shift_left3A_547 = arith.shli %and3A_544, %shift_left3A_546 : vector<16xi32>
      %or3A_548 = arith.ori %and3A_541, %shift_left3A_547 : vector<16xi32>
      %shift_right_arithmetic3A_549 = arith.constant 14 : i32
      %shift_right_arithmetic3A_550 = vector.broadcast %shift_right_arithmetic3A_549 : i32 to vector<16xi32>
      %shift_right_arithmetic3A_551 = arith.shrsi %get3A_538, %shift_right_arithmetic3A_550 : vector<16xi32>
      %and3A_552 = arith.constant 1 : i32
      %and3A_553 = vector.broadcast %and3A_552 : i32 to vector<16xi32>
      %and3A_554 = arith.andi %shift_right_arithmetic3A_551, %and3A_553 : vector<16xi32>
      %or3A_555 = arith.ori %or3A_548, %and3A_554 : vector<16xi32>
      %swap3A_556 = arith.index_cast %add3A_404 : i32 to index
      %swap3A_557 = arith.constant 80 : index
      %swap3A_558 = tpu.vector_load %arg7[%swap3A_556, %swap3A_557] {strides = array<i32>} : memref<200x128xi32, #tpu.memory_space<vmem>>, vector<1x16xi32>,
      %swap3A_559 = vector.shape_cast %swap3A_558 : vector<1x16xi32> to vector<16xi32>
      %swap3A_560 = vector.shape_cast %or3A_555 : vector<16xi32> to vector<1x16xi32>
      tpu.vector_store %arg7[%swap3A_556, %swap3A_557], %swap3A_560 {strides = array<i32>} : memref<200x128xi32, #tpu.memory_space<vmem>>, vector<1x16xi32>,
      %get3A_561 = arith.index_cast %add3A_404 : i32 to index
      %get3A_562 = arith.constant 96 : index
      %get3A_563 = tpu.vector_load %arg7[%get3A_561, %get3A_562] {strides = array<i32>} : memref<200x128xi32, #tpu.memory_space<vmem>>, vector<1x16xi32>,
      %get3A_564 = vector.shape_cast %get3A_563 : vector<1x16xi32> to vector<16xi32>
      %and3A_565 = arith.constant -32768 : i32
      %and3A_566 = vector.broadcast %and3A_565 : i32 to vector<16xi32>
      %and3A_567 = arith.andi %get3A_564, %and3A_566 : vector<16xi32>
      %and3A_568 = arith.constant 16383 : i32
      %and3A_569 = vector.broadcast %and3A_568 : i32 to vector<16xi32>
      %and3A_570 = arith.andi %get3A_564, %and3A_569 : vector<16xi32>
      %shift_left3A_571 = arith.constant 1 : i32
      %shift_left3A_572 = vector.broadcast %shift_left3A_571 : i32 to vector<16xi32>
      %shift_left3A_573 = arith.shli %and3A_570, %shift_left3A_572 : vector<16xi32>
      %or3A_574 = arith.ori %and3A_567, %shift_left3A_573 : vector<16xi32>
      %shift_right_arithmetic3A_575 = arith.constant 14 : i32
      %shift_right_arithmetic3A_576 = vector.broadcast %shift_right_arithmetic3A_575 : i32 to vector<16xi32>
      %shift_right_arithmetic3A_577 = arith.shrsi %get3A_564, %shift_right_arithmetic3A_576 : vector<16xi32>
      %and3A_578 = arith.constant 1 : i32
      %and3A_579 = vector.broadcast %and3A_578 : i32 to vector<16xi32>
      %and3A_580 = arith.andi %shift_right_arithmetic3A_577, %and3A_579 : vector<16xi32>
      %or3A_581 = arith.ori %or3A_574, %and3A_580 : vector<16xi32>
      %swap3A_582 = arith.index_cast %add3A_404 : i32 to index
      %swap3A_583 = arith.constant 96 : index
      %swap3A_584 = tpu.vector_load %arg7[%swap3A_582, %swap3A_583] {strides = array<i32>} : memref<200x128xi32, #tpu.memory_space<vmem>>, vector<1x16xi32>,
      %swap3A_585 = vector.shape_cast %swap3A_584 : vector<1x16xi32> to vector<16xi32>
      %swap3A_586 = vector.shape_cast %or3A_581 : vector<16xi32> to vector<1x16xi32>
      tpu.vector_store %arg7[%swap3A_582, %swap3A_583], %swap3A_586 {strides = array<i32>} : memref<200x128xi32, #tpu.memory_space<vmem>>, vector<1x16xi32>,
      %get3A_587 = arith.index_cast %add3A_404 : i32 to index
      %get3A_588 = arith.constant 112 : index
      %get3A_589 = tpu.vector_load %arg7[%get3A_587, %get3A_588] {strides = array<i32>} : memref<200x128xi32, #tpu.memory_space<vmem>>, vector<1x16xi32>,
      %get3A_590 = vector.shape_cast %get3A_589 : vector<1x16xi32> to vector<16xi32>
      %and3A_591 = arith.constant -32768 : i32
      %and3A_592 = vector.broadcast %and3A_591 : i32 to vector<16xi32>
      %and3A_593 = arith.andi %get3A_590, %and3A_592 : vector<16xi32>
      %and3A_594 = arith.constant 16383 : i32
      %and3A_595 = vector.broadcast %and3A_594 : i32 to vector<16xi32>
      %and3A_596 = arith.andi %get3A_590, %and3A_595 : vector<16xi32>
      %shift_left3A_597 = arith.constant 1 : i32
      %shift_left3A_598 = vector.broadcast %shift_left3A_597 : i32 to vector<16xi32>
      %shift_left3A_599 = arith.shli %and3A_596, %shift_left3A_598 : vector<16xi32>
      %or3A_600 = arith.ori %and3A_593, %shift_left3A_599 : vector<16xi32>
      %shift_right_arithmetic3A_601 = arith.constant 14 : i32
      %shift_right_arithmetic3A_602 = vector.broadcast %shift_right_arithmetic3A_601 : i32 to vector<16xi32>
      %shift_right_arithmetic3A_603 = arith.shrsi %get3A_590, %shift_right_arithmetic3A_602 : vector<16xi32>
      %and3A_604 = arith.constant 1 : i32
      %and3A_605 = vector.broadcast %and3A_604 : i32 to vector<16xi32>
      %and3A_606 = arith.andi %shift_right_arithmetic3A_603, %and3A_605 : vector<16xi32>
      %or3A_607 = arith.ori %or3A_600, %and3A_606 : vector<16xi32>
      %swap3A_608 = arith.index_cast %add3A_404 : i32 to index
      %swap3A_609 = arith.constant 112 : index
      %swap3A_610 = tpu.vector_load %arg7[%swap3A_608, %swap3A_609] {strides = array<i32>} : memref<200x128xi32, #tpu.memory_space<vmem>>, vector<1x16xi32>,
      %swap3A_611 = vector.shape_cast %swap3A_610 : vector<1x16xi32> to vector<16xi32>
      %swap3A_612 = vector.shape_cast %or3A_607 : vector<16xi32> to vector<1x16xi32>
      tpu.vector_store %arg7[%swap3A_608, %swap3A_609], %swap3A_612 {strides = array<i32>} : memref<200x128xi32, #tpu.memory_space<vmem>>, vector<1x16xi32>,
    }
    %scan3A_8 = arith.constant 200 : i32
    %get3A = arith.constant 0 : index
    %get3A_9 = tpu.vector_load %arg18[%get3A] {strides = array<i32>} : memref<128xi32, #tpu.memory_space<vmem>>, vector<16xi32>,
    %get3A_10 = vector.shape_cast %get3A_9 : vector<16xi32> to vector<16xi32>
    %and3A = arith.constant -32768 : i32
    %and3A_11 = vector.broadcast %and3A : i32 to vector<16xi32>
    %and3A_12 = arith.andi %get3A_10, %and3A_11 : vector<16xi32>
    %and3A_13 = arith.constant 16383 : i32
    %and3A_14 = vector.broadcast %and3A_13 : i32 to vector<16xi32>
    %and3A_15 = arith.andi %get3A_10, %and3A_14 : vector<16xi32>
    %shift_left3A = arith.constant 1 : i32
    %shift_left3A_16 = vector.broadcast %shift_left3A : i32 to vector<16xi32>
    %shift_left3A_17 = arith.shli %and3A_15, %shift_left3A_16 : vector<16xi32>
    %or3A = arith.ori %and3A_12, %shift_left3A_17 : vector<16xi32>
    %shift_right_arithmetic3A = arith.constant 14 : i32
    %shift_right_arithmetic3A_18 = vector.broadcast %shift_right_arithmetic3A : i32 to vector<16xi32>
    %shift_right_arithmetic3A_19 = arith.shrsi %get3A_10, %shift_right_arithmetic3A_18 : vector<16xi32>
    %and3A_20 = arith.constant 1 : i32
    %and3A_21 = vector.broadcast %and3A_20 : i32 to vector<16xi32>
    %and3A_22 = arith.andi %shift_right_arithmetic3A_19, %and3A_21 : vector<16xi32>
    %or3A_23 = arith.ori %or3A, %and3A_22 : vector<16xi32>
    %swap3A = arith.constant 0 : index
    %swap3A_24 = tpu.vector_load %arg18[%swap3A] {strides = array<i32>} : memref<128xi32, #tpu.memory_space<vmem>>, vector<16xi32>,
    %swap3A_25 = vector.shape_cast %swap3A_24 : vector<16xi32> to vector<16xi32>
    %swap3A_26 = vector.shape_cast %or3A_23 : vector<16xi32> to vector<16xi32>
    tpu.vector_store %arg18[%swap3A], %swap3A_26 {strides = array<i32>} : memref<128xi32, #tpu.memory_space<vmem>>, vector<16xi32>,
    %get3A_27 = arith.constant 16 : index
    %get3A_28 = tpu.vector_load %arg18[%get3A_27] {strides = array<i32>} : memref<128xi32, #tpu.memory_space<vmem>>, vector<16xi32>,
    %get3A_29 = vector.shape_cast %get3A_28 : vector<16xi32> to vector<16xi32>
    %and3A_30 = arith.constant -32768 : i32
    %and3A_31 = vector.broadcast %and3A_30 : i32 to vector<16xi32>
    %and3A_32 = arith.andi %get3A_29, %and3A_31 : vector<16xi32>
    %and3A_33 = arith.constant 16383 : i32
    %and3A_34 = vector.broadcast %and3A_33 : i32 to vector<16xi32>
    %and3A_35 = arith.andi %get3A_29, %and3A_34 : vector<16xi32>
    %shift_left3A_36 = arith.constant 1 : i32
    %shift_left3A_37 = vector.broadcast %shift_left3A_36 : i32 to vector<16xi32>
    %shift_left3A_38 = arith.shli %and3A_35, %shift_left3A_37 : vector<16xi32>
    %or3A_39 = arith.ori %and3A_32, %shift_left3A_38 : vector<16xi32>
    %shift_right_arithmetic3A_40 = arith.constant 14 : i32
    %shift_right_arithmetic3A_41 = vector.broadcast %shift_right_arithmetic3A_40 : i32 to vector<16xi32>
    %shift_right_arithmetic3A_42 = arith.shrsi %get3A_29, %shift_right_arithmetic3A_41 : vector<16xi32>
    %and3A_43 = arith.constant 1 : i32
    %and3A_44 = vector.broadcast %and3A_43 : i32 to vector<16xi32>
    %and3A_45 = arith.andi %shift_right_arithmetic3A_42, %and3A_44 : vector<16xi32>
    %or3A_46 = arith.ori %or3A_39, %and3A_45 : vector<16xi32>
    %swap3A_47 = arith.constant 16 : index
    %swap3A_48 = tpu.vector_load %arg18[%swap3A_47] {strides = array<i32>} : memref<128xi32, #tpu.memory_space<vmem>>, vector<16xi32>,
    %swap3A_49 = vector.shape_cast %swap3A_48 : vector<16xi32> to vector<16xi32>
    %swap3A_50 = vector.shape_cast %or3A_46 : vector<16xi32> to vector<16xi32>
    tpu.vector_store %arg18[%swap3A_47], %swap3A_50 {strides = array<i32>} : memref<128xi32, #tpu.memory_space<vmem>>, vector<16xi32>,
    %get3A_51 = arith.constant 32 : index
    %get3A_52 = tpu.vector_load %arg18[%get3A_51] {strides = array<i32>} : memref<128xi32, #tpu.memory_space<vmem>>, vector<16xi32>,
    %get3A_53 = vector.shape_cast %get3A_52 : vector<16xi32> to vector<16xi32>
    %and3A_54 = arith.constant -32768 : i32
    %and3A_55 = vector.broadcast %and3A_54 : i32 to vector<16xi32>
    %and3A_56 = arith.andi %get3A_53, %and3A_55 : vector<16xi32>
    %and3A_57 = arith.constant 16383 : i32
    %and3A_58 = vector.broadcast %and3A_57 : i32 to vector<16xi32>
    %and3A_59 = arith.andi %get3A_53, %and3A_58 : vector<16xi32>
    %shift_left3A_60 = arith.constant 1 : i32
    %shift_left3A_61 = vector.broadcast %shift_left3A_60 : i32 to vector<16xi32>
    %shift_left3A_62 = arith.shli %and3A_59, %shift_left3A_61 : vector<16xi32>
    %or3A_63 = arith.ori %and3A_56, %shift_left3A_62 : vector<16xi32>
    %shift_right_arithmetic3A_64 = arith.constant 14 : i32
    %shift_right_arithmetic3A_65 = vector.broadcast %shift_right_arithmetic3A_64 : i32 to vector<16xi32>
    %shift_right_arithmetic3A_66 = arith.shrsi %get3A_53, %shift_right_arithmetic3A_65 : vector<16xi32>
    %and3A_67 = arith.constant 1 : i32
    %and3A_68 = vector.broadcast %and3A_67 : i32 to vector<16xi32>
    %and3A_69 = arith.andi %shift_right_arithmetic3A_66, %and3A_68 : vector<16xi32>
    %or3A_70 = arith.ori %or3A_63, %and3A_69 : vector<16xi32>
    %swap3A_71 = arith.constant 32 : index
    %swap3A_72 = tpu.vector_load %arg18[%swap3A_71] {strides = array<i32>} : memref<128xi32, #tpu.memory_space<vmem>>, vector<16xi32>,
    %swap3A_73 = vector.shape_cast %swap3A_72 : vector<16xi32> to vector<16xi32>
    %swap3A_74 = vector.shape_cast %or3A_70 : vector<16xi32> to vector<16xi32>
    tpu.vector_store %arg18[%swap3A_71], %swap3A_74 {strides = array<i32>} : memref<128xi32, #tpu.memory_space<vmem>>, vector<16xi32>,
    %get3A_75 = arith.constant 48 : index
    %get3A_76 = tpu.vector_load %arg18[%get3A_75] {strides = array<i32>} : memref<128xi32, #tpu.memory_space<vmem>>, vector<16xi32>,
    %get3A_77 = vector.shape_cast %get3A_76 : vector<16xi32> to vector<16xi32>
    %and3A_78 = arith.constant -32768 : i32
    %and3A_79 = vector.broadcast %and3A_78 : i32 to vector<16xi32>
    %and3A_80 = arith.andi %get3A_77, %and3A_79 : vector<16xi32>
    %and3A_81 = arith.constant 16383 : i32
    %and3A_82 = vector.broadcast %and3A_81 : i32 to vector<16xi32>
    %and3A_83 = arith.andi %get3A_77, %and3A_82 : vector<16xi32>
    %shift_left3A_84 = arith.constant 1 : i32
    %shift_left3A_85 = vector.broadcast %shift_left3A_84 : i32 to vector<16xi32>
    %shift_left3A_86 = arith.shli %and3A_83, %shift_left3A_85 : vector<16xi32>
    %or3A_87 = arith.ori %and3A_80, %shift_left3A_86 : vector<16xi32>
    %shift_right_arithmetic3A_88 = arith.constant 14 : i32
    %shift_right_arithmetic3A_89 = vector.broadcast %shift_right_arithmetic3A_88 : i32 to vector<16xi32>
    %shift_right_arithmetic3A_90 = arith.shrsi %get3A_77, %shift_right_arithmetic3A_89 : vector<16xi32>
    %and3A_91 = arith.constant 1 : i32
    %and3A_92 = vector.broadcast %and3A_91 : i32 to vector<16xi32>
    %and3A_93 = arith.andi %shift_right_arithmetic3A_90, %and3A_92 : vector<16xi32>
    %or3A_94 = arith.ori %or3A_87, %and3A_93 : vector<16xi32>
    %swap3A_95 = arith.constant 48 : index
    %swap3A_96 = tpu.vector_load %arg18[%swap3A_95] {strides = array<i32>} : memref<128xi32, #tpu.memory_space<vmem>>, vector<16xi32>,
    %swap3A_97 = vector.shape_cast %swap3A_96 : vector<16xi32> to vector<16xi32>
    %swap3A_98 = vector.shape_cast %or3A_94 : vector<16xi32> to vector<16xi32>
    tpu.vector_store %arg18[%swap3A_95], %swap3A_98 {strides = array<i32>} : memref<128xi32, #tpu.memory_space<vmem>>, vector<16xi32>,
    %get3A_99 = arith.constant 64 : index
    %get3A_100 = tpu.vector_load %arg18[%get3A_99] {strides = array<i32>} : memref<128xi32, #tpu.memory_space<vmem>>, vector<16xi32>,
    %get3A_101 = vector.shape_cast %get3A_100 : vector<16xi32> to vector<16xi32>
    %and3A_102 = arith.constant -32768 : i32
    %and3A_103 = vector.broadcast %and3A_102 : i32 to vector<16xi32>
    %and3A_104 = arith.andi %get3A_101, %and3A_103 : vector<16xi32>
    %and3A_105 = arith.constant 16383 : i32
    %and3A_106 = vector.broadcast %and3A_105 : i32 to vector<16xi32>
    %and3A_107 = arith.andi %get3A_101, %and3A_106 : vector<16xi32>
    %shift_left3A_108 = arith.constant 1 : i32
    %shift_left3A_109 = vector.broadcast %shift_left3A_108 : i32 to vector<16xi32>
    %shift_left3A_110 = arith.shli %and3A_107, %shift_left3A_109 : vector<16xi32>
    %or3A_111 = arith.ori %and3A_104, %shift_left3A_110 : vector<16xi32>
    %shift_right_arithmetic3A_112 = arith.constant 14 : i32
    %shift_right_arithmetic3A_113 = vector.broadcast %shift_right_arithmetic3A_112 : i32 to vector<16xi32>
    %shift_right_arithmetic3A_114 = arith.shrsi %get3A_101, %shift_right_arithmetic3A_113 : vector<16xi32>
    %and3A_115 = arith.constant 1 : i32
    %and3A_116 = vector.broadcast %and3A_115 : i32 to vector<16xi32>
    %and3A_117 = arith.andi %shift_right_arithmetic3A_114, %and3A_116 : vector<16xi32>
    %or3A_118 = arith.ori %or3A_111, %and3A_117 : vector<16xi32>
    %swap3A_119 = arith.constant 64 : index
    %swap3A_120 = tpu.vector_load %arg18[%swap3A_119] {strides = array<i32>} : memref<128xi32, #tpu.memory_space<vmem>>, vector<16xi32>,
    %swap3A_121 = vector.shape_cast %swap3A_120 : vector<16xi32> to vector<16xi32>
    %swap3A_122 = vector.shape_cast %or3A_118 : vector<16xi32> to vector<16xi32>
    tpu.vector_store %arg18[%swap3A_119], %swap3A_122 {strides = array<i32>} : memref<128xi32, #tpu.memory_space<vmem>>, vector<16xi32>,
    %get3A_123 = arith.constant 80 : index
    %get3A_124 = tpu.vector_load %arg18[%get3A_123] {strides = array<i32>} : memref<128xi32, #tpu.memory_space<vmem>>, vector<16xi32>,
    %get3A_125 = vector.shape_cast %get3A_124 : vector<16xi32> to vector<16xi32>
    %and3A_126 = arith.constant -32768 : i32
    %and3A_127 = vector.broadcast %and3A_126 : i32 to vector<16xi32>
    %and3A_128 = arith.andi %get3A_125, %and3A_127 : vector<16xi32>
    %and3A_129 = arith.constant 16383 : i32
    %and3A_130 = vector.broadcast %and3A_129 : i32 to vector<16xi32>
    %and3A_131 = arith.andi %get3A_125, %and3A_130 : vector<16xi32>
    %shift_left3A_132 = arith.constant 1 : i32
    %shift_left3A_133 = vector.broadcast %shift_left3A_132 : i32 to vector<16xi32>
    %shift_left3A_134 = arith.shli %and3A_131, %shift_left3A_133 : vector<16xi32>
    %or3A_135 = arith.ori %and3A_128, %shift_left3A_134 : vector<16xi32>
    %shift_right_arithmetic3A_136 = arith.constant 14 : i32
    %shift_right_arithmetic3A_137 = vector.broadcast %shift_right_arithmetic3A_136 : i32 to vector<16xi32>
    %shift_right_arithmetic3A_138 = arith.shrsi %get3A_125, %shift_right_arithmetic3A_137 : vector<16xi32>
    %and3A_139 = arith.constant 1 : i32
    %and3A_140 = vector.broadcast %and3A_139 : i32 to vector<16xi32>
    %and3A_141 = arith.andi %shift_right_arithmetic3A_138, %and3A_140 : vector<16xi32>
    %or3A_142 = arith.ori %or3A_135, %and3A_141 : vector<16xi32>
    %swap3A_143 = arith.constant 80 : index
    %swap3A_144 = tpu.vector_load %arg18[%swap3A_143] {strides = array<i32>} : memref<128xi32, #tpu.memory_space<vmem>>, vector<16xi32>,
    %swap3A_145 = vector.shape_cast %swap3A_144 : vector<16xi32> to vector<16xi32>
    %swap3A_146 = vector.shape_cast %or3A_142 : vector<16xi32> to vector<16xi32>
    tpu.vector_store %arg18[%swap3A_143], %swap3A_146 {strides = array<i32>} : memref<128xi32, #tpu.memory_space<vmem>>, vector<16xi32>,
    %get3A_147 = arith.constant 96 : index
    %get3A_148 = tpu.vector_load %arg18[%get3A_147] {strides = array<i32>} : memref<128xi32, #tpu.memory_space<vmem>>, vector<16xi32>,
    %get3A_149 = vector.shape_cast %get3A_148 : vector<16xi32> to vector<16xi32>
    %and3A_150 = arith.constant -32768 : i32
    %and3A_151 = vector.broadcast %and3A_150 : i32 to vector<16xi32>
    %and3A_152 = arith.andi %get3A_149, %and3A_151 : vector<16xi32>
    %and3A_153 = arith.constant 16383 : i32
    %and3A_154 = vector.broadcast %and3A_153 : i32 to vector<16xi32>
    %and3A_155 = arith.andi %get3A_149, %and3A_154 : vector<16xi32>
    %shift_left3A_156 = arith.constant 1 : i32
    %shift_left3A_157 = vector.broadcast %shift_left3A_156 : i32 to vector<16xi32>
    %shift_left3A_158 = arith.shli %and3A_155, %shift_left3A_157 : vector<16xi32>
    %or3A_159 = arith.ori %and3A_152, %shift_left3A_158 : vector<16xi32>
    %shift_right_arithmetic3A_160 = arith.constant 14 : i32
    %shift_right_arithmetic3A_161 = vector.broadcast %shift_right_arithmetic3A_160 : i32 to vector<16xi32>
    %shift_right_arithmetic3A_162 = arith.shrsi %get3A_149, %shift_right_arithmetic3A_161 : vector<16xi32>
    %and3A_163 = arith.constant 1 : i32
    %and3A_164 = vector.broadcast %and3A_163 : i32 to vector<16xi32>
    %and3A_165 = arith.andi %shift_right_arithmetic3A_162, %and3A_164 : vector<16xi32>
    %or3A_166 = arith.ori %or3A_159, %and3A_165 : vector<16xi32>
    %swap3A_167 = arith.constant 96 : index
    %swap3A_168 = tpu.vector_load %arg18[%swap3A_167] {strides = array<i32>} : memref<128xi32, #tpu.memory_space<vmem>>, vector<16xi32>,
    %swap3A_169 = vector.shape_cast %swap3A_168 : vector<16xi32> to vector<16xi32>
    %swap3A_170 = vector.shape_cast %or3A_166 : vector<16xi32> to vector<16xi32>
    tpu.vector_store %arg18[%swap3A_167], %swap3A_170 {strides = array<i32>} : memref<128xi32, #tpu.memory_space<vmem>>, vector<16xi32>,
    %get3A_171 = arith.constant 112 : index
    %get3A_172 = tpu.vector_load %arg18[%get3A_171] {strides = array<i32>} : memref<128xi32, #tpu.memory_space<vmem>>, vector<16xi32>,
    %get3A_173 = vector.shape_cast %get3A_172 : vector<16xi32> to vector<16xi32>
    %and3A_174 = arith.constant -32768 : i32
    %and3A_175 = vector.broadcast %and3A_174 : i32 to vector<16xi32>
    %and3A_176 = arith.andi %get3A_173, %and3A_175 : vector<16xi32>
    %and3A_177 = arith.constant 16383 : i32
    %and3A_178 = vector.broadcast %and3A_177 : i32 to vector<16xi32>
    %and3A_179 = arith.andi %get3A_173, %and3A_178 : vector<16xi32>
    %shift_left3A_180 = arith.constant 1 : i32
    %shift_left3A_181 = vector.broadcast %shift_left3A_180 : i32 to vector<16xi32>
    %shift_left3A_182 = arith.shli %and3A_179, %shift_left3A_181 : vector<16xi32>
    %or3A_183 = arith.ori %and3A_176, %shift_left3A_182 : vector<16xi32>
    %shift_right_arithmetic3A_184 = arith.constant 14 : i32
    %shift_right_arithmetic3A_185 = vector.broadcast %shift_right_arithmetic3A_184 : i32 to vector<16xi32>
    %shift_right_arithmetic3A_186 = arith.shrsi %get3A_173, %shift_right_arithmetic3A_185 : vector<16xi32>
    %and3A_187 = arith.constant 1 : i32
    %and3A_188 = vector.broadcast %and3A_187 : i32 to vector<16xi32>
    %and3A_189 = arith.andi %shift_right_arithmetic3A_186, %and3A_188 : vector<16xi32>
    %or3A_190 = arith.ori %or3A_183, %and3A_189 : vector<16xi32>
    %swap3A_191 = arith.constant 112 : index
    %swap3A_192 = tpu.vector_load %arg18[%swap3A_191] {strides = array<i32>} : memref<128xi32, #tpu.memory_space<vmem>>, vector<16xi32>,
    %swap3A_193 = vector.shape_cast %swap3A_192 : vector<16xi32> to vector<16xi32>
    %swap3A_194 = vector.shape_cast %or3A_190 : vector<16xi32> to vector<16xi32>
    tpu.vector_store %arg18[%swap3A_191], %swap3A_194 {strides = array<i32>} : memref<128xi32, #tpu.memory_space<vmem>>, vector<16xi32>,
    %dma_start3A = arith.constant 0 : i32
    %dma_start3A_195 = arith.constant 0 : i32
    %dma_start3A_196 = tpu.memref_slice %arg4[%dma_start3A, %dma_start3A_195] : memref<1015808x64xf32, #tpu.memory_space<hbm>> -> memref<1015808x64xf32, #tpu.memory_space<hbm>>
    tpu.enqueue_indirect_dma source(%dma_start3A_196 : memref<1015808x64xf32, #tpu.memory_space<hbm>>) target(%arg17 : memref<128x64xf32, #tpu.memory_space<vmem>>) offsets(%arg18 : memref<128xi32, #tpu.memory_space<vmem>>) semaphore(%arg28 : memref<!tpu.dma_semaphore, #tpu.memory_space<semaphore_mem>>)
    %iota3A = tpu.iota {dimensions = array<i32: 0>} : vector<16xi32>
    %add3A_197 = arith.constant 0 : i32
    %add3A_198 = vector.broadcast %add3A_197 : i32 to vector<16xi32>
    %add3A_199 = arith.addi %iota3A, %add3A_198 : vector<16xi32>
    %add3A_200 = vector.broadcast %mul3A_4 : i32 to vector<16xi32>
    %add3A_201 = arith.addi %add3A_199, %add3A_200 : vector<16xi32>
    %swap3A_202 = arith.constant 0 : index
    %swap3A_203 = tpu.vector_load %arg19[%swap3A_202] {strides = array<i32>} : memref<128xi32, #tpu.memory_space<vmem>>, vector<16xi32>,
    %swap3A_204 = vector.shape_cast %swap3A_203 : vector<16xi32> to vector<16xi32>
    %swap3A_205 = vector.shape_cast %add3A_201 : vector<16xi32> to vector<16xi32>
    tpu.vector_store %arg19[%swap3A_202], %swap3A_205 {strides = array<i32>} : memref<128xi32, #tpu.memory_space<vmem>>, vector<16xi32>,
    %iota3A_206 = tpu.iota {dimensions = array<i32: 0>} : vector<16xi32>
    %add3A_207 = arith.constant 16 : i32
    %add3A_208 = vector.broadcast %add3A_207 : i32 to vector<16xi32>
    %add3A_209 = arith.addi %iota3A_206, %add3A_208 : vector<16xi32>
    %add3A_210 = vector.broadcast %mul3A_4 : i32 to vector<16xi32>
    %add3A_211 = arith.addi %add3A_209, %add3A_210 : vector<16xi32>
    %swap3A_212 = arith.constant 16 : index
    %swap3A_213 = tpu.vector_load %arg19[%swap3A_212] {strides = array<i32>} : memref<128xi32, #tpu.memory_space<vmem>>, vector<16xi32>,
    %swap3A_214 = vector.shape_cast %swap3A_213 : vector<16xi32> to vector<16xi32>
    %swap3A_215 = vector.shape_cast %add3A_211 : vector<16xi32> to vector<16xi32>
    tpu.vector_store %arg19[%swap3A_212], %swap3A_215 {strides = array<i32>} : memref<128xi32, #tpu.memory_space<vmem>>, vector<16xi32>,
    %iota3A_216 = tpu.iota {dimensions = array<i32: 0>} : vector<16xi32>
    %add3A_217 = arith.constant 32 : i32
    %add3A_218 = vector.broadcast %add3A_217 : i32 to vector<16xi32>
    %add3A_219 = arith.addi %iota3A_216, %add3A_218 : vector<16xi32>
    %add3A_220 = vector.broadcast %mul3A_4 : i32 to vector<16xi32>
    %add3A_221 = arith.addi %add3A_219, %add3A_220 : vector<16xi32>
    %swap3A_222 = arith.constant 32 : index
    %swap3A_223 = tpu.vector_load %arg19[%swap3A_222] {strides = array<i32>} : memref<128xi32, #tpu.memory_space<vmem>>, vector<16xi32>,
    %swap3A_224 = vector.shape_cast %swap3A_223 : vector<16xi32> to vector<16xi32>
    %swap3A_225 = vector.shape_cast %add3A_221 : vector<16xi32> to vector<16xi32>
    tpu.vector_store %arg19[%swap3A_222], %swap3A_225 {strides = array<i32>} : memref<128xi32, #tpu.memory_space<vmem>>, vector<16xi32>,
    %iota3A_226 = tpu.iota {dimensions = array<i32: 0>} : vector<16xi32>
    %add3A_227 = arith.constant 48 : i32
    %add3A_228 = vector.broadcast %add3A_227 : i32 to vector<16xi32>
    %add3A_229 = arith.addi %iota3A_226, %add3A_228 : vector<16xi32>
    %add3A_230 = vector.broadcast %mul3A_4 : i32 to vector<16xi32>
    %add3A_231 = arith.addi %add3A_229, %add3A_230 : vector<16xi32>
    %swap3A_232 = arith.constant 48 : index
    %swap3A_233 = tpu.vector_load %arg19[%swap3A_232] {strides = array<i32>} : memref<128xi32, #tpu.memory_space<vmem>>, vector<16xi32>,
    %swap3A_234 = vector.shape_cast %swap3A_233 : vector<16xi32> to vector<16xi32>
    %swap3A_235 = vector.shape_cast %add3A_231 : vector<16xi32> to vector<16xi32>
    tpu.vector_store %arg19[%swap3A_232], %swap3A_235 {strides = array<i32>} : memref<128xi32, #tpu.memory_space<vmem>>, vector<16xi32>,
    %iota3A_236 = tpu.iota {dimensions = array<i32: 0>} : vector<16xi32>
    %add3A_237 = arith.constant 64 : i32
    %add3A_238 = vector.broadcast %add3A_237 : i32 to vector<16xi32>
    %add3A_239 = arith.addi %iota3A_236, %add3A_238 : vector<16xi32>
    %add3A_240 = vector.broadcast %mul3A_4 : i32 to vector<16xi32>
    %add3A_241 = arith.addi %add3A_239, %add3A_240 : vector<16xi32>
    %swap3A_242 = arith.constant 64 : index
    %swap3A_243 = tpu.vector_load %arg19[%swap3A_242] {strides = array<i32>} : memref<128xi32, #tpu.memory_space<vmem>>, vector<16xi32>,
    %swap3A_244 = vector.shape_cast %swap3A_243 : vector<16xi32> to vector<16xi32>
    %swap3A_245 = vector.shape_cast %add3A_241 : vector<16xi32> to vector<16xi32>
    tpu.vector_store %arg19[%swap3A_242], %swap3A_245 {strides = array<i32>} : memref<128xi32, #tpu.memory_space<vmem>>, vector<16xi32>,
    %iota3A_246 = tpu.iota {dimensions = array<i32: 0>} : vector<16xi32>
    %add3A_247 = arith.constant 80 : i32
    %add3A_248 = vector.broadcast %add3A_247 : i32 to vector<16xi32>
    %add3A_249 = arith.addi %iota3A_246, %add3A_248 : vector<16xi32>
    %add3A_250 = vector.broadcast %mul3A_4 : i32 to vector<16xi32>
    %add3A_251 = arith.addi %add3A_249, %add3A_250 : vector<16xi32>
    %swap3A_252 = arith.constant 80 : index
    %swap3A_253 = tpu.vector_load %arg19[%swap3A_252] {strides = array<i32>} : memref<128xi32, #tpu.memory_space<vmem>>, vector<16xi32>,
    %swap3A_254 = vector.shape_cast %swap3A_253 : vector<16xi32> to vector<16xi32>
    %swap3A_255 = vector.shape_cast %add3A_251 : vector<16xi32> to vector<16xi32>
    tpu.vector_store %arg19[%swap3A_252], %swap3A_255 {strides = array<i32>} : memref<128xi32, #tpu.memory_space<vmem>>, vector<16xi32>,
    %iota3A_256 = tpu.iota {dimensions = array<i32: 0>} : vector<16xi32>
    %add3A_257 = arith.constant 96 : i32
    %add3A_258 = vector.broadcast %add3A_257 : i32 to vector<16xi32>
    %add3A_259 = arith.addi %iota3A_256, %add3A_258 : vector<16xi32>
    %add3A_260 = vector.broadcast %mul3A_4 : i32 to vector<16xi32>
    %add3A_261 = arith.addi %add3A_259, %add3A_260 : vector<16xi32>
    %swap3A_262 = arith.constant 96 : index
    %swap3A_263 = tpu.vector_load %arg19[%swap3A_262] {strides = array<i32>} : memref<128xi32, #tpu.memory_space<vmem>>, vector<16xi32>,
    %swap3A_264 = vector.shape_cast %swap3A_263 : vector<16xi32> to vector<16xi32>
    %swap3A_265 = vector.shape_cast %add3A_261 : vector<16xi32> to vector<16xi32>
    tpu.vector_store %arg19[%swap3A_262], %swap3A_265 {strides = array<i32>} : memref<128xi32, #tpu.memory_space<vmem>>, vector<16xi32>,
    %iota3A_266 = tpu.iota {dimensions = array<i32: 0>} : vector<16xi32>
    %add3A_267 = arith.constant 112 : i32
    %add3A_268 = vector.broadcast %add3A_267 : i32 to vector<16xi32>
    %add3A_269 = arith.addi %iota3A_266, %add3A_268 : vector<16xi32>
    %add3A_270 = vector.broadcast %mul3A_4 : i32 to vector<16xi32>
    %add3A_271 = arith.addi %add3A_269, %add3A_270 : vector<16xi32>
    %swap3A_272 = arith.constant 112 : index
    %swap3A_273 = tpu.vector_load %arg19[%swap3A_272] {strides = array<i32>} : memref<128xi32, #tpu.memory_space<vmem>>, vector<16xi32>,
    %swap3A_274 = vector.shape_cast %swap3A_273 : vector<16xi32> to vector<16xi32>
    %swap3A_275 = vector.shape_cast %add3A_271 : vector<16xi32> to vector<16xi32>
    tpu.vector_store %arg19[%swap3A_272], %swap3A_275 {strides = array<i32>} : memref<128xi32, #tpu.memory_space<vmem>>, vector<16xi32>,
    %scan3A_276 = arith.constant 0 : i32
    %scan3A_277 = arith.constant 128 : i32
    %scan3A_278 = arith.addi %scan3A_276, %scan3A_277 : i32
    %scan3A_279 = arith.constant 1 : i32
    scf.for %scan3A_400 = %scan3A_276 to %scan3A_278 step %scan3A_279  : i32 {
      %mul3A_401 = arith.constant 1 : i32
      %mul3A_402 = arith.muli %scan3A_400, %mul3A_401 : i32
      %add3A_403 = arith.constant 0 : i32
      %add3A_404 = arith.addi %add3A_403, %mul3A_402 : i32
      %broadcast_in_dim3A = arith.constant 0.000000e+00 : f32
      %broadcast_in_dim3A_405 = vector.broadcast %broadcast_in_dim3A : f32 to vector<16xf32>
      %swap3A_406 = arith.index_cast %add3A_404 : i32 to index
      %swap3A_407 = arith.constant 0 : index
      %swap3A_408 = tpu.vector_load %arg9[%swap3A_406, %swap3A_407] {strides = array<i32>} : memref<128x64xf32, #tpu.memory_space<vmem>>, vector<1x16xf32>,
      %swap3A_409 = vector.shape_cast %swap3A_408 : vector<1x16xf32> to vector<16xf32>
      %swap3A_410 = vector.shape_cast %broadcast_in_dim3A_405 : vector<16xf32> to vector<1x16xf32>
      tpu.vector_store %arg9[%swap3A_406, %swap3A_407], %swap3A_410 {strides = array<i32>} : memref<128x64xf32, #tpu.memory_space<vmem>>, vector<1x16xf32>,
      %broadcast_in_dim3A_411 = arith.constant 0.000000e+00 : f32
      %broadcast_in_dim3A_412 = vector.broadcast %broadcast_in_dim3A_411 : f32 to vector<16xf32>
      %swap3A_413 = arith.index_cast %add3A_404 : i32 to index
      %swap3A_414 = arith.constant 16 : index
      %swap3A_415 = tpu.vector_load %arg9[%swap3A_413, %swap3A_414] {strides = array<i32>} : memref<128x64xf32, #tpu.memory_space<vmem>>, vector<1x16xf32>,
      %swap3A_416 = vector.shape_cast %swap3A_415 : vector<1x16xf32> to vector<16xf32>
      %swap3A_417 = vector.shape_cast %broadcast_in_dim3A_412 : vector<16xf32> to vector<1x16xf32>
      tpu.vector_store %arg9[%swap3A_413, %swap3A_414], %swap3A_417 {strides = array<i32>} : memref<128x64xf32, #tpu.memory_space<vmem>>, vector<1x16xf32>,
      %broadcast_in_dim3A_418 = arith.constant 0.000000e+00 : f32
      %broadcast_in_dim3A_419 = vector.broadcast %broadcast_in_dim3A_418 : f32 to vector<16xf32>
      %swap3A_420 = arith.index_cast %add3A_404 : i32 to index
      %swap3A_421 = arith.constant 32 : index
      %swap3A_422 = tpu.vector_load %arg9[%swap3A_420, %swap3A_421] {strides = array<i32>} : memref<128x64xf32, #tpu.memory_space<vmem>>, vector<1x16xf32>,
      %swap3A_423 = vector.shape_cast %swap3A_422 : vector<1x16xf32> to vector<16xf32>
      %swap3A_424 = vector.shape_cast %broadcast_in_dim3A_419 : vector<16xf32> to vector<1x16xf32>
      tpu.vector_store %arg9[%swap3A_420, %swap3A_421], %swap3A_424 {strides = array<i32>} : memref<128x64xf32, #tpu.memory_space<vmem>>, vector<1x16xf32>,
      %broadcast_in_dim3A_425 = arith.constant 0.000000e+00 : f32
      %broadcast_in_dim3A_426 = vector.broadcast %broadcast_in_dim3A_425 : f32 to vector<16xf32>
      %swap3A_427 = arith.index_cast %add3A_404 : i32 to index
      %swap3A_428 = arith.constant 48 : index
      %swap3A_429 = tpu.vector_load %arg9[%swap3A_427, %swap3A_428] {strides = array<i32>} : memref<128x64xf32, #tpu.memory_space<vmem>>, vector<1x16xf32>,
      %swap3A_430 = vector.shape_cast %swap3A_429 : vector<1x16xf32> to vector<16xf32>
      %swap3A_431 = vector.shape_cast %broadcast_in_dim3A_426 : vector<16xf32> to vector<1x16xf32>
      tpu.vector_store %arg9[%swap3A_427, %swap3A_428], %swap3A_431 {strides = array<i32>} : memref<128x64xf32, #tpu.memory_space<vmem>>, vector<1x16xf32>,
    }
    %scan3A_280 = arith.constant 128 : i32
    "tpu.region"() ({
      %run_scoped3A = tpu.sem_alloc : memref<!tpu.dma_semaphore, #tpu.memory_space<semaphore_mem>>
      %dma_start3A_400 = arith.constant 0 : i32
      %dma_start3A_401 = tpu.memref_slice %arg8[%mul3A_4, %dma_start3A_400] : memref<2048x64xf32, #tpu.memory_space<vmem_shared>> -> memref<128x64xf32, #tpu.memory_space<vmem_shared>>
      %dma_start3A_402 = arith.constant 0 : i32
      %dma_start3A_403 = tpu.memref_slice %arg8[%mul3A_4, %dma_start3A_402] : memref<2048x64xf32, #tpu.memory_space<vmem_shared>> -> memref<128x64xf32, #tpu.memory_space<vmem_shared>>
      tpu.enqueue_dma source(%arg9 : memref<128x64xf32, #tpu.memory_space<vmem>>) target(%dma_start3A_403 : memref<128x64xf32, #tpu.memory_space<vmem_shared>>) target_semaphore(%run_scoped3A : memref<!tpu.dma_semaphore, #tpu.memory_space<semaphore_mem>>)
      %dma_wait3A_404 = arith.constant 0 : i32
      %dma_wait3A_405 = tpu.memref_slice %arg8[%mul3A_4, %dma_wait3A_404] : memref<2048x64xf32, #tpu.memory_space<vmem_shared>> -> memref<128x64xf32, #tpu.memory_space<vmem_shared>>
      %dma_wait3A_406 = arith.constant 0 : i32
      %dma_wait3A_407 = tpu.memref_slice %arg8[%mul3A_4, %dma_wait3A_406] : memref<2048x64xf32, #tpu.memory_space<vmem_shared>> -> memref<128x64xf32, #tpu.memory_space<vmem_shared>>
      tpu.wait_dma2 semaphore(%run_scoped3A : memref<!tpu.dma_semaphore, #tpu.memory_space<semaphore_mem>>) src(%arg9 : memref<128x64xf32, #tpu.memory_space<vmem>>) dst(%dma_wait3A_407 : memref<128x64xf32, #tpu.memory_space<vmem_shared>>)
      tpu.yield
    }) : () -> ()
    %dma_start3A_281 = arith.constant 0 : i32
    %dma_start3A_282 = arith.constant 0 : i32
    %dma_start3A_283 = tpu.memref_slice %arg7[%dma_start3A_281, %dma_start3A_282] : memref<200x128xi32, #tpu.memory_space<vmem>> -> memref<1x128xi32, #tpu.memory_space<vmem>>
    %dma_start3A_284 = tpu.memref_squeeze %dma_start3A_283 : memref<1x128xi32, #tpu.memory_space<vmem>> -> memref<128xi32, #tpu.memory_space<vmem>>
    %dma_start3A_285 = arith.constant 0 : i32
    %dma_start3A_286 = arith.constant 0 : i32
    %dma_start3A_287 = tpu.memref_slice %arg4[%dma_start3A_285, %dma_start3A_286] : memref<1015808x64xf32, #tpu.memory_space<hbm>> -> memref<1015808x64xf32, #tpu.memory_space<hbm>>
    tpu.enqueue_indirect_dma source(%dma_start3A_287 : memref<1015808x64xf32, #tpu.memory_space<hbm>>) target(%arg9 : memref<128x64xf32, #tpu.memory_space<vmem>>) offsets(%dma_start3A_284 : memref<128xi32, #tpu.memory_space<vmem>>) semaphore(%arg20 : memref<!tpu.dma_semaphore, #tpu.memory_space<semaphore_mem>>)
    %dma_start3A_288 = arith.constant 1 : i32
    %dma_start3A_289 = arith.constant 0 : i32
    %dma_start3A_290 = tpu.memref_slice %arg7[%dma_start3A_288, %dma_start3A_289] : memref<200x128xi32, #tpu.memory_space<vmem>> -> memref<1x128xi32, #tpu.memory_space<vmem>>
    %dma_start3A_291 = tpu.memref_squeeze %dma_start3A_290 : memref<1x128xi32, #tpu.memory_space<vmem>> -> memref<128xi32, #tpu.memory_space<vmem>>
    %dma_start3A_292 = arith.constant 0 : i32
    %dma_start3A_293 = arith.constant 0 : i32
    %dma_start3A_294 = tpu.memref_slice %arg4[%dma_start3A_292, %dma_start3A_293] : memref<1015808x64xf32, #tpu.memory_space<hbm>> -> memref<1015808x64xf32, #tpu.memory_space<hbm>>
    tpu.enqueue_indirect_dma source(%dma_start3A_294 : memref<1015808x64xf32, #tpu.memory_space<hbm>>) target(%arg10 : memref<128x64xf32, #tpu.memory_space<vmem>>) offsets(%dma_start3A_291 : memref<128xi32, #tpu.memory_space<vmem>>) semaphore(%arg21 : memref<!tpu.dma_semaphore, #tpu.memory_space<semaphore_mem>>)
    %dma_start3A_295 = arith.constant 2 : i32
    %dma_start3A_296 = arith.constant 0 : i32
    %dma_start3A_297 = tpu.memref_slice %arg7[%dma_start3A_295, %dma_start3A_296] : memref<200x128xi32, #tpu.memory_space<vmem>> -> memref<1x128xi32, #tpu.memory_space<vmem>>
    %dma_start3A_298 = tpu.memref_squeeze %dma_start3A_297 : memref<1x128xi32, #tpu.memory_space<vmem>> -> memref<128xi32, #tpu.memory_space<vmem>>
    %dma_start3A_299 = arith.constant 0 : i32
    %dma_start3A_300 = arith.constant 0 : i32
    %dma_start3A_301 = tpu.memref_slice %arg4[%dma_start3A_299, %dma_start3A_300] : memref<1015808x64xf32, #tpu.memory_space<hbm>> -> memref<1015808x64xf32, #tpu.memory_space<hbm>>
    tpu.enqueue_indirect_dma source(%dma_start3A_301 : memref<1015808x64xf32, #tpu.memory_space<hbm>>) target(%arg11 : memref<128x64xf32, #tpu.memory_space<vmem>>) offsets(%dma_start3A_298 : memref<128xi32, #tpu.memory_space<vmem>>) semaphore(%arg22 : memref<!tpu.dma_semaphore, #tpu.memory_space<semaphore_mem>>)
    %dma_start3A_302 = arith.constant 3 : i32
    %dma_start3A_303 = arith.constant 0 : i32
    %dma_start3A_304 = tpu.memref_slice %arg7[%dma_start3A_302, %dma_start3A_303] : memref<200x128xi32, #tpu.memory_space<vmem>> -> memref<1x128xi32, #tpu.memory_space<vmem>>
    %dma_start3A_305 = tpu.memref_squeeze %dma_start3A_304 : memref<1x128xi32, #tpu.memory_space<vmem>> -> memref<128xi32, #tpu.memory_space<vmem>>
    %dma_start3A_306 = arith.constant 0 : i32
    %dma_start3A_307 = arith.constant 0 : i32
    %dma_start3A_308 = tpu.memref_slice %arg4[%dma_start3A_306, %dma_start3A_307] : memref<1015808x64xf32, #tpu.memory_space<hbm>> -> memref<1015808x64xf32, #tpu.memory_space<hbm>>
    tpu.enqueue_indirect_dma source(%dma_start3A_308 : memref<1015808x64xf32, #tpu.memory_space<hbm>>) target(%arg12 : memref<128x64xf32, #tpu.memory_space<vmem>>) offsets(%dma_start3A_305 : memref<128xi32, #tpu.memory_space<vmem>>) semaphore(%arg23 : memref<!tpu.dma_semaphore, #tpu.memory_space<semaphore_mem>>)
    %dma_start3A_309 = arith.constant 4 : i32
    %dma_start3A_310 = arith.constant 0 : i32
    %dma_start3A_311 = tpu.memref_slice %arg7[%dma_start3A_309, %dma_start3A_310] : memref<200x128xi32, #tpu.memory_space<vmem>> -> memref<1x128xi32, #tpu.memory_space<vmem>>
    %dma_start3A_312 = tpu.memref_squeeze %dma_start3A_311 : memref<1x128xi32, #tpu.memory_space<vmem>> -> memref<128xi32, #tpu.memory_space<vmem>>
    %dma_start3A_313 = arith.constant 0 : i32
    %dma_start3A_314 = arith.constant 0 : i32
    %dma_start3A_315 = tpu.memref_slice %arg4[%dma_start3A_313, %dma_start3A_314] : memref<1015808x64xf32, #tpu.memory_space<hbm>> -> memref<1015808x64xf32, #tpu.memory_space<hbm>>
    tpu.enqueue_indirect_dma source(%dma_start3A_315 : memref<1015808x64xf32, #tpu.memory_space<hbm>>) target(%arg13 : memref<128x64xf32, #tpu.memory_space<vmem>>) offsets(%dma_start3A_312 : memref<128xi32, #tpu.memory_space<vmem>>) semaphore(%arg24 : memref<!tpu.dma_semaphore, #tpu.memory_space<semaphore_mem>>)
    %dma_start3A_316 = arith.constant 5 : i32
    %dma_start3A_317 = arith.constant 0 : i32
    %dma_start3A_318 = tpu.memref_slice %arg7[%dma_start3A_316, %dma_start3A_317] : memref<200x128xi32, #tpu.memory_space<vmem>> -> memref<1x128xi32, #tpu.memory_space<vmem>>
    %dma_start3A_319 = tpu.memref_squeeze %dma_start3A_318 : memref<1x128xi32, #tpu.memory_space<vmem>> -> memref<128xi32, #tpu.memory_space<vmem>>
    %dma_start3A_320 = arith.constant 0 : i32
    %dma_start3A_321 = arith.constant 0 : i32
    %dma_start3A_322 = tpu.memref_slice %arg4[%dma_start3A_320, %dma_start3A_321] : memref<1015808x64xf32, #tpu.memory_space<hbm>> -> memref<1015808x64xf32, #tpu.memory_space<hbm>>
    tpu.enqueue_indirect_dma source(%dma_start3A_322 : memref<1015808x64xf32, #tpu.memory_space<hbm>>) target(%arg14 : memref<128x64xf32, #tpu.memory_space<vmem>>) offsets(%dma_start3A_319 : memref<128xi32, #tpu.memory_space<vmem>>) semaphore(%arg25 : memref<!tpu.dma_semaphore, #tpu.memory_space<semaphore_mem>>)
    %dma_start3A_323 = arith.constant 6 : i32
    %dma_start3A_324 = arith.constant 0 : i32
    %dma_start3A_325 = tpu.memref_slice %arg7[%dma_start3A_323, %dma_start3A_324] : memref<200x128xi32, #tpu.memory_space<vmem>> -> memref<1x128xi32, #tpu.memory_space<vmem>>
    %dma_start3A_326 = tpu.memref_squeeze %dma_start3A_325 : memref<1x128xi32, #tpu.memory_space<vmem>> -> memref<128xi32, #tpu.memory_space<vmem>>
    %dma_start3A_327 = arith.constant 0 : i32
    %dma_start3A_328 = arith.constant 0 : i32
    %dma_start3A_329 = tpu.memref_slice %arg4[%dma_start3A_327, %dma_start3A_328] : memref<1015808x64xf32, #tpu.memory_space<hbm>> -> memref<1015808x64xf32, #tpu.memory_space<hbm>>
    tpu.enqueue_indirect_dma source(%dma_start3A_329 : memref<1015808x64xf32, #tpu.memory_space<hbm>>) target(%arg15 : memref<128x64xf32, #tpu.memory_space<vmem>>) offsets(%dma_start3A_326 : memref<128xi32, #tpu.memory_space<vmem>>) semaphore(%arg26 : memref<!tpu.dma_semaphore, #tpu.memory_space<semaphore_mem>>)
    %dma_start3A_330 = arith.constant 7 : i32
    %dma_start3A_331 = arith.constant 0 : i32
    %dma_start3A_332 = tpu.memref_slice %arg7[%dma_start3A_330, %dma_start3A_331] : memref<200x128xi32, #tpu.memory_space<vmem>> -> memref<1x128xi32, #tpu.memory_space<vmem>>
    %dma_start3A_333 = tpu.memref_squeeze %dma_start3A_332 : memref<1x128xi32, #tpu.memory_space<vmem>> -> memref<128xi32, #tpu.memory_space<vmem>>
    %dma_start3A_334 = arith.constant 0 : i32
    %dma_start3A_335 = arith.constant 0 : i32
    %dma_start3A_336 = tpu.memref_slice %arg4[%dma_start3A_334, %dma_start3A_335] : memref<1015808x64xf32, #tpu.memory_space<hbm>> -> memref<1015808x64xf32, #tpu.memory_space<hbm>>
    tpu.enqueue_indirect_dma source(%dma_start3A_336 : memref<1015808x64xf32, #tpu.memory_space<hbm>>) target(%arg16 : memref<128x64xf32, #tpu.memory_space<vmem>>) offsets(%dma_start3A_333 : memref<128xi32, #tpu.memory_space<vmem>>) semaphore(%arg27 : memref<!tpu.dma_semaphore, #tpu.memory_space<semaphore_mem>>)
    %scan3A_337 = arith.constant 0 : i32
    %scan3A_338 = arith.constant 24 : i32
    %scan3A_339 = arith.addi %scan3A_337, %scan3A_338 : i32
    %scan3A_340 = arith.constant 1 : i32
    scf.for %scan3A_400 = %scan3A_337 to %scan3A_339 step %scan3A_340  : i32 {
      %mul3A_401 = arith.constant 8 : i32
      %mul3A_402 = arith.muli %scan3A_400, %mul3A_401 : i32
      %add3A_403 = arith.constant 0 : i32
      %add3A_404 = arith.addi %add3A_403, %mul3A_402 : i32
      %add3A_405 = arith.constant 0 : i32
      %add3A_406 = arith.addi %add3A_404, %add3A_405 : i32
      %dma_wait3A_407 = arith.constant 0 : i32
      %dma_wait3A_408 = tpu.memref_slice %arg7[%add3A_406, %dma_wait3A_407] : memref<200x128xi32, #tpu.memory_space<vmem>> -> memref<1x128xi32, #tpu.memory_space<vmem>>
      %dma_wait3A_409 = tpu.memref_squeeze %dma_wait3A_408 : memref<1x128xi32, #tpu.memory_space<vmem>> -> memref<128xi32, #tpu.memory_space<vmem>>
      %dma_wait3A_410 = arith.constant 0 : i32
      %dma_wait3A_411 = arith.constant 0 : i32
      %dma_wait3A_412 = tpu.memref_slice %arg4[%dma_wait3A_410, %dma_wait3A_411] : memref<1015808x64xf32, #tpu.memory_space<hbm>> -> memref<1015808x64xf32, #tpu.memory_space<hbm>>
      tpu.wait_indirect_dma semaphore(%arg20 : memref<!tpu.dma_semaphore, #tpu.memory_space<semaphore_mem>>) src(%dma_wait3A_412 : memref<1015808x64xf32, #tpu.memory_space<hbm>>) dst(%arg9 : memref<128x64xf32, #tpu.memory_space<vmem>>)
      "tpu.region"() ({
        %run_scoped3A = tpu.sem_alloc : memref<!tpu.dma_semaphore, #tpu.memory_space<semaphore_mem>>
        %dma_start3A_549 = arith.constant 0 : i32
        %dma_start3A_550 = arith.constant 0 : i32
        %dma_start3A_551 = tpu.memref_slice %arg8[%dma_start3A_549, %dma_start3A_550] : memref<2048x64xf32, #tpu.memory_space<vmem_shared>> -> memref<2048x64xf32, #tpu.memory_space<vmem_shared>>
        tpu.enqueue_indirect_dma source(%arg9 : memref<128x64xf32, #tpu.memory_space<vmem>>) target(%dma_start3A_551 : memref<2048x64xf32, #tpu.memory_space<vmem_shared>>) offsets(%arg19 : memref<128xi32, #tpu.memory_space<vmem>>) semaphore(%run_scoped3A : memref<!tpu.dma_semaphore, #tpu.memory_space<semaphore_mem>>) {add = true}
        %dma_wait3A_552 = arith.constant 0 : i32
        %dma_wait3A_553 = arith.constant 0 : i32
        %dma_wait3A_554 = tpu.memref_slice %arg8[%dma_wait3A_552, %dma_wait3A_553] : memref<2048x64xf32, #tpu.memory_space<vmem_shared>> -> memref<2048x64xf32, #tpu.memory_space<vmem_shared>>
        tpu.wait_indirect_dma semaphore(%run_scoped3A : memref<!tpu.dma_semaphore, #tpu.memory_space<semaphore_mem>>) src(%arg9 : memref<128x64xf32, #tpu.memory_space<vmem>>) dst(%dma_wait3A_554 : memref<2048x64xf32, #tpu.memory_space<vmem_shared>>)
        tpu.yield
      }) : () -> ()
      %add3A_413 = arith.constant 8 : i32
      %add3A_414 = arith.addi %add3A_404, %add3A_413 : i32
      %add3A_415 = arith.constant 0 : i32
      %add3A_416 = arith.addi %add3A_414, %add3A_415 : i32
      %dma_start3A_417 = arith.constant 0 : i32
      %dma_start3A_418 = tpu.memref_slice %arg7[%add3A_416, %dma_start3A_417] : memref<200x128xi32, #tpu.memory_space<vmem>> -> memref<1x128xi32, #tpu.memory_space<vmem>>
      %dma_start3A_419 = tpu.memref_squeeze %dma_start3A_418 : memref<1x128xi32, #tpu.memory_space<vmem>> -> memref<128xi32, #tpu.memory_space<vmem>>
      %dma_start3A_420 = arith.constant 0 : i32
      %dma_start3A_421 = arith.constant 0 : i32
      %dma_start3A_422 = tpu.memref_slice %arg4[%dma_start3A_420, %dma_start3A_421] : memref<1015808x64xf32, #tpu.memory_space<hbm>> -> memref<1015808x64xf32, #tpu.memory_space<hbm>>
      tpu.enqueue_indirect_dma source(%dma_start3A_422 : memref<1015808x64xf32, #tpu.memory_space<hbm>>) target(%arg9 : memref<128x64xf32, #tpu.memory_space<vmem>>) offsets(%dma_start3A_419 : memref<128xi32, #tpu.memory_space<vmem>>) semaphore(%arg20 : memref<!tpu.dma_semaphore, #tpu.memory_space<semaphore_mem>>)
      %add3A_423 = arith.constant 1 : i32
      %add3A_424 = arith.addi %add3A_404, %add3A_423 : i32
      %dma_wait3A_425 = arith.constant 0 : i32
      %dma_wait3A_426 = tpu.memref_slice %arg7[%add3A_424, %dma_wait3A_425] : memref<200x128xi32, #tpu.memory_space<vmem>> -> memref<1x128xi32, #tpu.memory_space<vmem>>
      %dma_wait3A_427 = tpu.memref_squeeze %dma_wait3A_426 : memref<1x128xi32, #tpu.memory_space<vmem>> -> memref<128xi32, #tpu.memory_space<vmem>>
      %dma_wait3A_428 = arith.constant 0 : i32
      %dma_wait3A_429 = arith.constant 0 : i32
      %dma_wait3A_430 = tpu.memref_slice %arg4[%dma_wait3A_428, %dma_wait3A_429] : memref<1015808x64xf32, #tpu.memory_space<hbm>> -> memref<1015808x64xf32, #tpu.memory_space<hbm>>
      tpu.wait_indirect_dma semaphore(%arg21 : memref<!tpu.dma_semaphore, #tpu.memory_space<semaphore_mem>>) src(%dma_wait3A_430 : memref<1015808x64xf32, #tpu.memory_space<hbm>>) dst(%arg10 : memref<128x64xf32, #tpu.memory_space<vmem>>)
      "tpu.region"() ({
        %run_scoped3A = tpu.sem_alloc : memref<!tpu.dma_semaphore, #tpu.memory_space<semaphore_mem>>
        %dma_start3A_549 = arith.constant 0 : i32
        %dma_start3A_550 = arith.constant 0 : i32
        %dma_start3A_551 = tpu.memref_slice %arg8[%dma_start3A_549, %dma_start3A_550] : memref<2048x64xf32, #tpu.memory_space<vmem_shared>> -> memref<2048x64xf32, #tpu.memory_space<vmem_shared>>
        tpu.enqueue_indirect_dma source(%arg10 : memref<128x64xf32, #tpu.memory_space<vmem>>) target(%dma_start3A_551 : memref<2048x64xf32, #tpu.memory_space<vmem_shared>>) offsets(%arg19 : memref<128xi32, #tpu.memory_space<vmem>>) semaphore(%run_scoped3A : memref<!tpu.dma_semaphore, #tpu.memory_space<semaphore_mem>>) {add = true}
        %dma_wait3A_552 = arith.constant 0 : i32
        %dma_wait3A_553 = arith.constant 0 : i32
        %dma_wait3A_554 = tpu.memref_slice %arg8[%dma_wait3A_552, %dma_wait3A_553] : memref<2048x64xf32, #tpu.memory_space<vmem_shared>> -> memref<2048x64xf32, #tpu.memory_space<vmem_shared>>
        tpu.wait_indirect_dma semaphore(%run_scoped3A : memref<!tpu.dma_semaphore, #tpu.memory_space<semaphore_mem>>) src(%arg10 : memref<128x64xf32, #tpu.memory_space<vmem>>) dst(%dma_wait3A_554 : memref<2048x64xf32, #tpu.memory_space<vmem_shared>>)
        tpu.yield
      }) : () -> ()
      %add3A_431 = arith.constant 8 : i32
      %add3A_432 = arith.addi %add3A_404, %add3A_431 : i32
      %add3A_433 = arith.constant 1 : i32
      %add3A_434 = arith.addi %add3A_432, %add3A_433 : i32
      %dma_start3A_435 = arith.constant 0 : i32
      %dma_start3A_436 = tpu.memref_slice %arg7[%add3A_434, %dma_start3A_435] : memref<200x128xi32, #tpu.memory_space<vmem>> -> memref<1x128xi32, #tpu.memory_space<vmem>>
      %dma_start3A_437 = tpu.memref_squeeze %dma_start3A_436 : memref<1x128xi32, #tpu.memory_space<vmem>> -> memref<128xi32, #tpu.memory_space<vmem>>
      %dma_start3A_438 = arith.constant 0 : i32
      %dma_start3A_439 = arith.constant 0 : i32
      %dma_start3A_440 = tpu.memref_slice %arg4[%dma_start3A_438, %dma_start3A_439] : memref<1015808x64xf32, #tpu.memory_space<hbm>> -> memref<1015808x64xf32, #tpu.memory_space<hbm>>
      tpu.enqueue_indirect_dma source(%dma_start3A_440 : memref<1015808x64xf32, #tpu.memory_space<hbm>>) target(%arg10 : memref<128x64xf32, #tpu.memory_space<vmem>>) offsets(%dma_start3A_437 : memref<128xi32, #tpu.memory_space<vmem>>) semaphore(%arg21 : memref<!tpu.dma_semaphore, #tpu.memory_space<semaphore_mem>>)
      %add3A_441 = arith.constant 2 : i32
      %add3A_442 = arith.addi %add3A_404, %add3A_441 : i32
      %dma_wait3A_443 = arith.constant 0 : i32
      %dma_wait3A_444 = tpu.memref_slice %arg7[%add3A_442, %dma_wait3A_443] : memref<200x128xi32, #tpu.memory_space<vmem>> -> memref<1x128xi32, #tpu.memory_space<vmem>>
      %dma_wait3A_445 = tpu.memref_squeeze %dma_wait3A_444 : memref<1x128xi32, #tpu.memory_space<vmem>> -> memref<128xi32, #tpu.memory_space<vmem>>
      %dma_wait3A_446 = arith.constant 0 : i32
      %dma_wait3A_447 = arith.constant 0 : i32
      %dma_wait3A_448 = tpu.memref_slice %arg4[%dma_wait3A_446, %dma_wait3A_447] : memref<1015808x64xf32, #tpu.memory_space<hbm>> -> memref<1015808x64xf32, #tpu.memory_space<hbm>>
      tpu.wait_indirect_dma semaphore(%arg22 : memref<!tpu.dma_semaphore, #tpu.memory_space<semaphore_mem>>) src(%dma_wait3A_448 : memref<1015808x64xf32, #tpu.memory_space<hbm>>) dst(%arg11 : memref<128x64xf32, #tpu.memory_space<vmem>>)
      "tpu.region"() ({
        %run_scoped3A = tpu.sem_alloc : memref<!tpu.dma_semaphore, #tpu.memory_space<semaphore_mem>>
        %dma_start3A_549 = arith.constant 0 : i32
        %dma_start3A_550 = arith.constant 0 : i32
        %dma_start3A_551 = tpu.memref_slice %arg8[%dma_start3A_549, %dma_start3A_550] : memref<2048x64xf32, #tpu.memory_space<vmem_shared>> -> memref<2048x64xf32, #tpu.memory_space<vmem_shared>>
        tpu.enqueue_indirect_dma source(%arg11 : memref<128x64xf32, #tpu.memory_space<vmem>>) target(%dma_start3A_551 : memref<2048x64xf32, #tpu.memory_space<vmem_shared>>) offsets(%arg19 : memref<128xi32, #tpu.memory_space<vmem>>) semaphore(%run_scoped3A : memref<!tpu.dma_semaphore, #tpu.memory_space<semaphore_mem>>) {add = true}
        %dma_wait3A_552 = arith.constant 0 : i32
        %dma_wait3A_553 = arith.constant 0 : i32
        %dma_wait3A_554 = tpu.memref_slice %arg8[%dma_wait3A_552, %dma_wait3A_553] : memref<2048x64xf32, #tpu.memory_space<vmem_shared>> -> memref<2048x64xf32, #tpu.memory_space<vmem_shared>>
        tpu.wait_indirect_dma semaphore(%run_scoped3A : memref<!tpu.dma_semaphore, #tpu.memory_space<semaphore_mem>>) src(%arg11 : memref<128x64xf32, #tpu.memory_space<vmem>>) dst(%dma_wait3A_554 : memref<2048x64xf32, #tpu.memory_space<vmem_shared>>)
        tpu.yield
      }) : () -> ()
      %add3A_449 = arith.constant 8 : i32
      %add3A_450 = arith.addi %add3A_404, %add3A_449 : i32
      %add3A_451 = arith.constant 2 : i32
      %add3A_452 = arith.addi %add3A_450, %add3A_451 : i32
      %dma_start3A_453 = arith.constant 0 : i32
      %dma_start3A_454 = tpu.memref_slice %arg7[%add3A_452, %dma_start3A_453] : memref<200x128xi32, #tpu.memory_space<vmem>> -> memref<1x128xi32, #tpu.memory_space<vmem>>
      %dma_start3A_455 = tpu.memref_squeeze %dma_start3A_454 : memref<1x128xi32, #tpu.memory_space<vmem>> -> memref<128xi32, #tpu.memory_space<vmem>>
      %dma_start3A_456 = arith.constant 0 : i32
      %dma_start3A_457 = arith.constant 0 : i32
      %dma_start3A_458 = tpu.memref_slice %arg4[%dma_start3A_456, %dma_start3A_457] : memref<1015808x64xf32, #tpu.memory_space<hbm>> -> memref<1015808x64xf32, #tpu.memory_space<hbm>>
      tpu.enqueue_indirect_dma source(%dma_start3A_458 : memref<1015808x64xf32, #tpu.memory_space<hbm>>) target(%arg11 : memref<128x64xf32, #tpu.memory_space<vmem>>) offsets(%dma_start3A_455 : memref<128xi32, #tpu.memory_space<vmem>>) semaphore(%arg22 : memref<!tpu.dma_semaphore, #tpu.memory_space<semaphore_mem>>)
      %add3A_459 = arith.constant 3 : i32
      %add3A_460 = arith.addi %add3A_404, %add3A_459 : i32
      %dma_wait3A_461 = arith.constant 0 : i32
      %dma_wait3A_462 = tpu.memref_slice %arg7[%add3A_460, %dma_wait3A_461] : memref<200x128xi32, #tpu.memory_space<vmem>> -> memref<1x128xi32, #tpu.memory_space<vmem>>
      %dma_wait3A_463 = tpu.memref_squeeze %dma_wait3A_462 : memref<1x128xi32, #tpu.memory_space<vmem>> -> memref<128xi32, #tpu.memory_space<vmem>>
      %dma_wait3A_464 = arith.constant 0 : i32
      %dma_wait3A_465 = arith.constant 0 : i32
      %dma_wait3A_466 = tpu.memref_slice %arg4[%dma_wait3A_464, %dma_wait3A_465] : memref<1015808x64xf32, #tpu.memory_space<hbm>> -> memref<1015808x64xf32, #tpu.memory_space<hbm>>
      tpu.wait_indirect_dma semaphore(%arg23 : memref<!tpu.dma_semaphore, #tpu.memory_space<semaphore_mem>>) src(%dma_wait3A_466 : memref<1015808x64xf32, #tpu.memory_space<hbm>>) dst(%arg12 : memref<128x64xf32, #tpu.memory_space<vmem>>)
      "tpu.region"() ({
        %run_scoped3A = tpu.sem_alloc : memref<!tpu.dma_semaphore, #tpu.memory_space<semaphore_mem>>
        %dma_start3A_549 = arith.constant 0 : i32
        %dma_start3A_550 = arith.constant 0 : i32
        %dma_start3A_551 = tpu.memref_slice %arg8[%dma_start3A_549, %dma_start3A_550] : memref<2048x64xf32, #tpu.memory_space<vmem_shared>> -> memref<2048x64xf32, #tpu.memory_space<vmem_shared>>
        tpu.enqueue_indirect_dma source(%arg12 : memref<128x64xf32, #tpu.memory_space<vmem>>) target(%dma_start3A_551 : memref<2048x64xf32, #tpu.memory_space<vmem_shared>>) offsets(%arg19 : memref<128xi32, #tpu.memory_space<vmem>>) semaphore(%run_scoped3A : memref<!tpu.dma_semaphore, #tpu.memory_space<semaphore_mem>>) {add = true}
        %dma_wait3A_552 = arith.constant 0 : i32
        %dma_wait3A_553 = arith.constant 0 : i32
        %dma_wait3A_554 = tpu.memref_slice %arg8[%dma_wait3A_552, %dma_wait3A_553] : memref<2048x64xf32, #tpu.memory_space<vmem_shared>> -> memref<2048x64xf32, #tpu.memory_space<vmem_shared>>
        tpu.wait_indirect_dma semaphore(%run_scoped3A : memref<!tpu.dma_semaphore, #tpu.memory_space<semaphore_mem>>) src(%arg12 : memref<128x64xf32, #tpu.memory_space<vmem>>) dst(%dma_wait3A_554 : memref<2048x64xf32, #tpu.memory_space<vmem_shared>>)
        tpu.yield
      }) : () -> ()
      %add3A_467 = arith.constant 8 : i32
      %add3A_468 = arith.addi %add3A_404, %add3A_467 : i32
      %add3A_469 = arith.constant 3 : i32
      %add3A_470 = arith.addi %add3A_468, %add3A_469 : i32
      %dma_start3A_471 = arith.constant 0 : i32
      %dma_start3A_472 = tpu.memref_slice %arg7[%add3A_470, %dma_start3A_471] : memref<200x128xi32, #tpu.memory_space<vmem>> -> memref<1x128xi32, #tpu.memory_space<vmem>>
      %dma_start3A_473 = tpu.memref_squeeze %dma_start3A_472 : memref<1x128xi32, #tpu.memory_space<vmem>> -> memref<128xi32, #tpu.memory_space<vmem>>
      %dma_start3A_474 = arith.constant 0 : i32
      %dma_start3A_475 = arith.constant 0 : i32
      %dma_start3A_476 = tpu.memref_slice %arg4[%dma_start3A_474, %dma_start3A_475] : memref<1015808x64xf32, #tpu.memory_space<hbm>> -> memref<1015808x64xf32, #tpu.memory_space<hbm>>
      tpu.enqueue_indirect_dma source(%dma_start3A_476 : memref<1015808x64xf32, #tpu.memory_space<hbm>>) target(%arg12 : memref<128x64xf32, #tpu.memory_space<vmem>>) offsets(%dma_start3A_473 : memref<128xi32, #tpu.memory_space<vmem>>) semaphore(%arg23 : memref<!tpu.dma_semaphore, #tpu.memory_space<semaphore_mem>>)
      %add3A_477 = arith.constant 4 : i32
      %add3A_478 = arith.addi %add3A_404, %add3A_477 : i32
      %dma_wait3A_479 = arith.constant 0 : i32
      %dma_wait3A_480 = tpu.memref_slice %arg7[%add3A_478, %dma_wait3A_479] : memref<200x128xi32, #tpu.memory_space<vmem>> -> memref<1x128xi32, #tpu.memory_space<vmem>>
      %dma_wait3A_481 = tpu.memref_squeeze %dma_wait3A_480 : memref<1x128xi32, #tpu.memory_space<vmem>> -> memref<128xi32, #tpu.memory_space<vmem>>
      %dma_wait3A_482 = arith.constant 0 : i32
      %dma_wait3A_483 = arith.constant 0 : i32
      %dma_wait3A_484 = tpu.memref_slice %arg4[%dma_wait3A_482, %dma_wait3A_483] : memref<1015808x64xf32, #tpu.memory_space<hbm>> -> memref<1015808x64xf32, #tpu.memory_space<hbm>>
      tpu.wait_indirect_dma semaphore(%arg24 : memref<!tpu.dma_semaphore, #tpu.memory_space<semaphore_mem>>) src(%dma_wait3A_484 : memref<1015808x64xf32, #tpu.memory_space<hbm>>) dst(%arg13 : memref<128x64xf32, #tpu.memory_space<vmem>>)
      "tpu.region"() ({
        %run_scoped3A = tpu.sem_alloc : memref<!tpu.dma_semaphore, #tpu.memory_space<semaphore_mem>>
        %dma_start3A_549 = arith.constant 0 : i32
        %dma_start3A_550 = arith.constant 0 : i32
        %dma_start3A_551 = tpu.memref_slice %arg8[%dma_start3A_549, %dma_start3A_550] : memref<2048x64xf32, #tpu.memory_space<vmem_shared>> -> memref<2048x64xf32, #tpu.memory_space<vmem_shared>>
        tpu.enqueue_indirect_dma source(%arg13 : memref<128x64xf32, #tpu.memory_space<vmem>>) target(%dma_start3A_551 : memref<2048x64xf32, #tpu.memory_space<vmem_shared>>) offsets(%arg19 : memref<128xi32, #tpu.memory_space<vmem>>) semaphore(%run_scoped3A : memref<!tpu.dma_semaphore, #tpu.memory_space<semaphore_mem>>) {add = true}
        %dma_wait3A_552 = arith.constant 0 : i32
        %dma_wait3A_553 = arith.constant 0 : i32
        %dma_wait3A_554 = tpu.memref_slice %arg8[%dma_wait3A_552, %dma_wait3A_553] : memref<2048x64xf32, #tpu.memory_space<vmem_shared>> -> memref<2048x64xf32, #tpu.memory_space<vmem_shared>>
        tpu.wait_indirect_dma semaphore(%run_scoped3A : memref<!tpu.dma_semaphore, #tpu.memory_space<semaphore_mem>>) src(%arg13 : memref<128x64xf32, #tpu.memory_space<vmem>>) dst(%dma_wait3A_554 : memref<2048x64xf32, #tpu.memory_space<vmem_shared>>)
        tpu.yield
      }) : () -> ()
      %add3A_485 = arith.constant 8 : i32
      %add3A_486 = arith.addi %add3A_404, %add3A_485 : i32
      %add3A_487 = arith.constant 4 : i32
      %add3A_488 = arith.addi %add3A_486, %add3A_487 : i32
      %dma_start3A_489 = arith.constant 0 : i32
      %dma_start3A_490 = tpu.memref_slice %arg7[%add3A_488, %dma_start3A_489] : memref<200x128xi32, #tpu.memory_space<vmem>> -> memref<1x128xi32, #tpu.memory_space<vmem>>
      %dma_start3A_491 = tpu.memref_squeeze %dma_start3A_490 : memref<1x128xi32, #tpu.memory_space<vmem>> -> memref<128xi32, #tpu.memory_space<vmem>>
      %dma_start3A_492 = arith.constant 0 : i32
      %dma_start3A_493 = arith.constant 0 : i32
      %dma_start3A_494 = tpu.memref_slice %arg4[%dma_start3A_492, %dma_start3A_493] : memref<1015808x64xf32, #tpu.memory_space<hbm>> -> memref<1015808x64xf32, #tpu.memory_space<hbm>>
      tpu.enqueue_indirect_dma source(%dma_start3A_494 : memref<1015808x64xf32, #tpu.memory_space<hbm>>) target(%arg13 : memref<128x64xf32, #tpu.memory_space<vmem>>) offsets(%dma_start3A_491 : memref<128xi32, #tpu.memory_space<vmem>>) semaphore(%arg24 : memref<!tpu.dma_semaphore, #tpu.memory_space<semaphore_mem>>)
      %add3A_495 = arith.constant 5 : i32
      %add3A_496 = arith.addi %add3A_404, %add3A_495 : i32
      %dma_wait3A_497 = arith.constant 0 : i32
      %dma_wait3A_498 = tpu.memref_slice %arg7[%add3A_496, %dma_wait3A_497] : memref<200x128xi32, #tpu.memory_space<vmem>> -> memref<1x128xi32, #tpu.memory_space<vmem>>
      %dma_wait3A_499 = tpu.memref_squeeze %dma_wait3A_498 : memref<1x128xi32, #tpu.memory_space<vmem>> -> memref<128xi32, #tpu.memory_space<vmem>>
      %dma_wait3A_500 = arith.constant 0 : i32
      %dma_wait3A_501 = arith.constant 0 : i32
      %dma_wait3A_502 = tpu.memref_slice %arg4[%dma_wait3A_500, %dma_wait3A_501] : memref<1015808x64xf32, #tpu.memory_space<hbm>> -> memref<1015808x64xf32, #tpu.memory_space<hbm>>
      tpu.wait_indirect_dma semaphore(%arg25 : memref<!tpu.dma_semaphore, #tpu.memory_space<semaphore_mem>>) src(%dma_wait3A_502 : memref<1015808x64xf32, #tpu.memory_space<hbm>>) dst(%arg14 : memref<128x64xf32, #tpu.memory_space<vmem>>)
      "tpu.region"() ({
        %run_scoped3A = tpu.sem_alloc : memref<!tpu.dma_semaphore, #tpu.memory_space<semaphore_mem>>
        %dma_start3A_549 = arith.constant 0 : i32
        %dma_start3A_550 = arith.constant 0 : i32
        %dma_start3A_551 = tpu.memref_slice %arg8[%dma_start3A_549, %dma_start3A_550] : memref<2048x64xf32, #tpu.memory_space<vmem_shared>> -> memref<2048x64xf32, #tpu.memory_space<vmem_shared>>
        tpu.enqueue_indirect_dma source(%arg14 : memref<128x64xf32, #tpu.memory_space<vmem>>) target(%dma_start3A_551 : memref<2048x64xf32, #tpu.memory_space<vmem_shared>>) offsets(%arg19 : memref<128xi32, #tpu.memory_space<vmem>>) semaphore(%run_scoped3A : memref<!tpu.dma_semaphore, #tpu.memory_space<semaphore_mem>>) {add = true}
        %dma_wait3A_552 = arith.constant 0 : i32
        %dma_wait3A_553 = arith.constant 0 : i32
        %dma_wait3A_554 = tpu.memref_slice %arg8[%dma_wait3A_552, %dma_wait3A_553] : memref<2048x64xf32, #tpu.memory_space<vmem_shared>> -> memref<2048x64xf32, #tpu.memory_space<vmem_shared>>
        tpu.wait_indirect_dma semaphore(%run_scoped3A : memref<!tpu.dma_semaphore, #tpu.memory_space<semaphore_mem>>) src(%arg14 : memref<128x64xf32, #tpu.memory_space<vmem>>) dst(%dma_wait3A_554 : memref<2048x64xf32, #tpu.memory_space<vmem_shared>>)
        tpu.yield
      }) : () -> ()
      %add3A_503 = arith.constant 8 : i32
      %add3A_504 = arith.addi %add3A_404, %add3A_503 : i32
      %add3A_505 = arith.constant 5 : i32
      %add3A_506 = arith.addi %add3A_504, %add3A_505 : i32
      %dma_start3A_507 = arith.constant 0 : i32
      %dma_start3A_508 = tpu.memref_slice %arg7[%add3A_506, %dma_start3A_507] : memref<200x128xi32, #tpu.memory_space<vmem>> -> memref<1x128xi32, #tpu.memory_space<vmem>>
      %dma_start3A_509 = tpu.memref_squeeze %dma_start3A_508 : memref<1x128xi32, #tpu.memory_space<vmem>> -> memref<128xi32, #tpu.memory_space<vmem>>
      %dma_start3A_510 = arith.constant 0 : i32
      %dma_start3A_511 = arith.constant 0 : i32
      %dma_start3A_512 = tpu.memref_slice %arg4[%dma_start3A_510, %dma_start3A_511] : memref<1015808x64xf32, #tpu.memory_space<hbm>> -> memref<1015808x64xf32, #tpu.memory_space<hbm>>
      tpu.enqueue_indirect_dma source(%dma_start3A_512 : memref<1015808x64xf32, #tpu.memory_space<hbm>>) target(%arg14 : memref<128x64xf32, #tpu.memory_space<vmem>>) offsets(%dma_start3A_509 : memref<128xi32, #tpu.memory_space<vmem>>) semaphore(%arg25 : memref<!tpu.dma_semaphore, #tpu.memory_space<semaphore_mem>>)
      %add3A_513 = arith.constant 6 : i32
      %add3A_514 = arith.addi %add3A_404, %add3A_513 : i32
      %dma_wait3A_515 = arith.constant 0 : i32
      %dma_wait3A_516 = tpu.memref_slice %arg7[%add3A_514, %dma_wait3A_515] : memref<200x128xi32, #tpu.memory_space<vmem>> -> memref<1x128xi32, #tpu.memory_space<vmem>>
      %dma_wait3A_517 = tpu.memref_squeeze %dma_wait3A_516 : memref<1x128xi32, #tpu.memory_space<vmem>> -> memref<128xi32, #tpu.memory_space<vmem>>
      %dma_wait3A_518 = arith.constant 0 : i32
      %dma_wait3A_519 = arith.constant 0 : i32
      %dma_wait3A_520 = tpu.memref_slice %arg4[%dma_wait3A_518, %dma_wait3A_519] : memref<1015808x64xf32, #tpu.memory_space<hbm>> -> memref<1015808x64xf32, #tpu.memory_space<hbm>>
      tpu.wait_indirect_dma semaphore(%arg26 : memref<!tpu.dma_semaphore, #tpu.memory_space<semaphore_mem>>) src(%dma_wait3A_520 : memref<1015808x64xf32, #tpu.memory_space<hbm>>) dst(%arg15 : memref<128x64xf32, #tpu.memory_space<vmem>>)
      "tpu.region"() ({
        %run_scoped3A = tpu.sem_alloc : memref<!tpu.dma_semaphore, #tpu.memory_space<semaphore_mem>>
        %dma_start3A_549 = arith.constant 0 : i32
        %dma_start3A_550 = arith.constant 0 : i32
        %dma_start3A_551 = tpu.memref_slice %arg8[%dma_start3A_549, %dma_start3A_550] : memref<2048x64xf32, #tpu.memory_space<vmem_shared>> -> memref<2048x64xf32, #tpu.memory_space<vmem_shared>>
        tpu.enqueue_indirect_dma source(%arg15 : memref<128x64xf32, #tpu.memory_space<vmem>>) target(%dma_start3A_551 : memref<2048x64xf32, #tpu.memory_space<vmem_shared>>) offsets(%arg19 : memref<128xi32, #tpu.memory_space<vmem>>) semaphore(%run_scoped3A : memref<!tpu.dma_semaphore, #tpu.memory_space<semaphore_mem>>) {add = true}
        %dma_wait3A_552 = arith.constant 0 : i32
        %dma_wait3A_553 = arith.constant 0 : i32
        %dma_wait3A_554 = tpu.memref_slice %arg8[%dma_wait3A_552, %dma_wait3A_553] : memref<2048x64xf32, #tpu.memory_space<vmem_shared>> -> memref<2048x64xf32, #tpu.memory_space<vmem_shared>>
        tpu.wait_indirect_dma semaphore(%run_scoped3A : memref<!tpu.dma_semaphore, #tpu.memory_space<semaphore_mem>>) src(%arg15 : memref<128x64xf32, #tpu.memory_space<vmem>>) dst(%dma_wait3A_554 : memref<2048x64xf32, #tpu.memory_space<vmem_shared>>)
        tpu.yield
      }) : () -> ()
      %add3A_521 = arith.constant 8 : i32
      %add3A_522 = arith.addi %add3A_404, %add3A_521 : i32
      %add3A_523 = arith.constant 6 : i32
      %add3A_524 = arith.addi %add3A_522, %add3A_523 : i32
      %dma_start3A_525 = arith.constant 0 : i32
      %dma_start3A_526 = tpu.memref_slice %arg7[%add3A_524, %dma_start3A_525] : memref<200x128xi32, #tpu.memory_space<vmem>> -> memref<1x128xi32, #tpu.memory_space<vmem>>
      %dma_start3A_527 = tpu.memref_squeeze %dma_start3A_526 : memref<1x128xi32, #tpu.memory_space<vmem>> -> memref<128xi32, #tpu.memory_space<vmem>>
      %dma_start3A_528 = arith.constant 0 : i32
      %dma_start3A_529 = arith.constant 0 : i32
      %dma_start3A_530 = tpu.memref_slice %arg4[%dma_start3A_528, %dma_start3A_529] : memref<1015808x64xf32, #tpu.memory_space<hbm>> -> memref<1015808x64xf32, #tpu.memory_space<hbm>>
      tpu.enqueue_indirect_dma source(%dma_start3A_530 : memref<1015808x64xf32, #tpu.memory_space<hbm>>) target(%arg15 : memref<128x64xf32, #tpu.memory_space<vmem>>) offsets(%dma_start3A_527 : memref<128xi32, #tpu.memory_space<vmem>>) semaphore(%arg26 : memref<!tpu.dma_semaphore, #tpu.memory_space<semaphore_mem>>)
      %add3A_531 = arith.constant 7 : i32
      %add3A_532 = arith.addi %add3A_404, %add3A_531 : i32
      %dma_wait3A_533 = arith.constant 0 : i32
      %dma_wait3A_534 = tpu.memref_slice %arg7[%add3A_532, %dma_wait3A_533] : memref<200x128xi32, #tpu.memory_space<vmem>> -> memref<1x128xi32, #tpu.memory_space<vmem>>
      %dma_wait3A_535 = tpu.memref_squeeze %dma_wait3A_534 : memref<1x128xi32, #tpu.memory_space<vmem>> -> memref<128xi32, #tpu.memory_space<vmem>>
      %dma_wait3A_536 = arith.constant 0 : i32
      %dma_wait3A_537 = arith.constant 0 : i32
      %dma_wait3A_538 = tpu.memref_slice %arg4[%dma_wait3A_536, %dma_wait3A_537] : memref<1015808x64xf32, #tpu.memory_space<hbm>> -> memref<1015808x64xf32, #tpu.memory_space<hbm>>
      tpu.wait_indirect_dma semaphore(%arg27 : memref<!tpu.dma_semaphore, #tpu.memory_space<semaphore_mem>>) src(%dma_wait3A_538 : memref<1015808x64xf32, #tpu.memory_space<hbm>>) dst(%arg16 : memref<128x64xf32, #tpu.memory_space<vmem>>)
      "tpu.region"() ({
        %run_scoped3A = tpu.sem_alloc : memref<!tpu.dma_semaphore, #tpu.memory_space<semaphore_mem>>
        %dma_start3A_549 = arith.constant 0 : i32
        %dma_start3A_550 = arith.constant 0 : i32
        %dma_start3A_551 = tpu.memref_slice %arg8[%dma_start3A_549, %dma_start3A_550] : memref<2048x64xf32, #tpu.memory_space<vmem_shared>> -> memref<2048x64xf32, #tpu.memory_space<vmem_shared>>
        tpu.enqueue_indirect_dma source(%arg16 : memref<128x64xf32, #tpu.memory_space<vmem>>) target(%dma_start3A_551 : memref<2048x64xf32, #tpu.memory_space<vmem_shared>>) offsets(%arg19 : memref<128xi32, #tpu.memory_space<vmem>>) semaphore(%run_scoped3A : memref<!tpu.dma_semaphore, #tpu.memory_space<semaphore_mem>>) {add = true}
        %dma_wait3A_552 = arith.constant 0 : i32
        %dma_wait3A_553 = arith.constant 0 : i32
        %dma_wait3A_554 = tpu.memref_slice %arg8[%dma_wait3A_552, %dma_wait3A_553] : memref<2048x64xf32, #tpu.memory_space<vmem_shared>> -> memref<2048x64xf32, #tpu.memory_space<vmem_shared>>
        tpu.wait_indirect_dma semaphore(%run_scoped3A : memref<!tpu.dma_semaphore, #tpu.memory_space<semaphore_mem>>) src(%arg16 : memref<128x64xf32, #tpu.memory_space<vmem>>) dst(%dma_wait3A_554 : memref<2048x64xf32, #tpu.memory_space<vmem_shared>>)
        tpu.yield
      }) : () -> ()
      %add3A_539 = arith.constant 8 : i32
      %add3A_540 = arith.addi %add3A_404, %add3A_539 : i32
      %add3A_541 = arith.constant 7 : i32
      %add3A_542 = arith.addi %add3A_540, %add3A_541 : i32
      %dma_start3A_543 = arith.constant 0 : i32
      %dma_start3A_544 = tpu.memref_slice %arg7[%add3A_542, %dma_start3A_543] : memref<200x128xi32, #tpu.memory_space<vmem>> -> memref<1x128xi32, #tpu.memory_space<vmem>>
      %dma_start3A_545 = tpu.memref_squeeze %dma_start3A_544 : memref<1x128xi32, #tpu.memory_space<vmem>> -> memref<128xi32, #tpu.memory_space<vmem>>
      %dma_start3A_546 = arith.constant 0 : i32
      %dma_start3A_547 = arith.constant 0 : i32
      %dma_start3A_548 = tpu.memref_slice %arg4[%dma_start3A_546, %dma_start3A_547] : memref<1015808x64xf32, #tpu.memory_space<hbm>> -> memref<1015808x64xf32, #tpu.memory_space<hbm>>
      tpu.enqueue_indirect_dma source(%dma_start3A_548 : memref<1015808x64xf32, #tpu.memory_space<hbm>>) target(%arg16 : memref<128x64xf32, #tpu.memory_space<vmem>>) offsets(%dma_start3A_545 : memref<128xi32, #tpu.memory_space<vmem>>) semaphore(%arg27 : memref<!tpu.dma_semaphore, #tpu.memory_space<semaphore_mem>>)
    }
    %scan3A_341 = arith.constant 24 : i32
    %dma_wait3A = arith.constant 192 : i32
    %dma_wait3A_342 = arith.constant 0 : i32
    %dma_wait3A_343 = tpu.memref_slice %arg7[%dma_wait3A, %dma_wait3A_342] : memref<200x128xi32, #tpu.memory_space<vmem>> -> memref<1x128xi32, #tpu.memory_space<vmem>>
    %dma_wait3A_344 = tpu.memref_squeeze %dma_wait3A_343 : memref<1x128xi32, #tpu.memory_space<vmem>> -> memref<128xi32, #tpu.memory_space<vmem>>
    %dma_wait3A_345 = arith.constant 0 : i32
    %dma_wait3A_346 = arith.constant 0 : i32
    %dma_wait3A_347 = tpu.memref_slice %arg4[%dma_wait3A_345, %dma_wait3A_346] : memref<1015808x64xf32, #tpu.memory_space<hbm>> -> memref<1015808x64xf32, #tpu.memory_space<hbm>>
    tpu.wait_indirect_dma semaphore(%arg20 : memref<!tpu.dma_semaphore, #tpu.memory_space<semaphore_mem>>) src(%dma_wait3A_347 : memref<1015808x64xf32, #tpu.memory_space<hbm>>) dst(%arg9 : memref<128x64xf32, #tpu.memory_space<vmem>>)
    "tpu.region"() ({
      %run_scoped3A = tpu.sem_alloc : memref<!tpu.dma_semaphore, #tpu.memory_space<semaphore_mem>>
      %dma_start3A_400 = arith.constant 0 : i32
      %dma_start3A_401 = arith.constant 0 : i32
      %dma_start3A_402 = tpu.memref_slice %arg8[%dma_start3A_400, %dma_start3A_401] : memref<2048x64xf32, #tpu.memory_space<vmem_shared>> -> memref<2048x64xf32, #tpu.memory_space<vmem_shared>>
      tpu.enqueue_indirect_dma source(%arg9 : memref<128x64xf32, #tpu.memory_space<vmem>>) target(%dma_start3A_402 : memref<2048x64xf32, #tpu.memory_space<vmem_shared>>) offsets(%arg19 : memref<128xi32, #tpu.memory_space<vmem>>) semaphore(%run_scoped3A : memref<!tpu.dma_semaphore, #tpu.memory_space<semaphore_mem>>) {add = true}
      %dma_wait3A_403 = arith.constant 0 : i32
      %dma_wait3A_404 = arith.constant 0 : i32
      %dma_wait3A_405 = tpu.memref_slice %arg8[%dma_wait3A_403, %dma_wait3A_404] : memref<2048x64xf32, #tpu.memory_space<vmem_shared>> -> memref<2048x64xf32, #tpu.memory_space<vmem_shared>>
      tpu.wait_indirect_dma semaphore(%run_scoped3A : memref<!tpu.dma_semaphore, #tpu.memory_space<semaphore_mem>>) src(%arg9 : memref<128x64xf32, #tpu.memory_space<vmem>>) dst(%dma_wait3A_405 : memref<2048x64xf32, #tpu.memory_space<vmem_shared>>)
      tpu.yield
    }) : () -> ()
    %dma_wait3A_348 = arith.constant 193 : i32
    %dma_wait3A_349 = arith.constant 0 : i32
    %dma_wait3A_350 = tpu.memref_slice %arg7[%dma_wait3A_348, %dma_wait3A_349] : memref<200x128xi32, #tpu.memory_space<vmem>> -> memref<1x128xi32, #tpu.memory_space<vmem>>
    %dma_wait3A_351 = tpu.memref_squeeze %dma_wait3A_350 : memref<1x128xi32, #tpu.memory_space<vmem>> -> memref<128xi32, #tpu.memory_space<vmem>>
    %dma_wait3A_352 = arith.constant 0 : i32
    %dma_wait3A_353 = arith.constant 0 : i32
    %dma_wait3A_354 = tpu.memref_slice %arg4[%dma_wait3A_352, %dma_wait3A_353] : memref<1015808x64xf32, #tpu.memory_space<hbm>> -> memref<1015808x64xf32, #tpu.memory_space<hbm>>
    tpu.wait_indirect_dma semaphore(%arg21 : memref<!tpu.dma_semaphore, #tpu.memory_space<semaphore_mem>>) src(%dma_wait3A_354 : memref<1015808x64xf32, #tpu.memory_space<hbm>>) dst(%arg10 : memref<128x64xf32, #tpu.memory_space<vmem>>)
    "tpu.region"() ({
      %run_scoped3A = tpu.sem_alloc : memref<!tpu.dma_semaphore, #tpu.memory_space<semaphore_mem>>
      %dma_start3A_400 = arith.constant 0 : i32
      %dma_start3A_401 = arith.constant 0 : i32
      %dma_start3A_402 = tpu.memref_slice %arg8[%dma_start3A_400, %dma_start3A_401] : memref<2048x64xf32, #tpu.memory_space<vmem_shared>> -> memref<2048x64xf32, #tpu.memory_space<vmem_shared>>
      tpu.enqueue_indirect_dma source(%arg10 : memref<128x64xf32, #tpu.memory_space<vmem>>) target(%dma_start3A_402 : memref<2048x64xf32, #tpu.memory_space<vmem_shared>>) offsets(%arg19 : memref<128xi32, #tpu.memory_space<vmem>>) semaphore(%run_scoped3A : memref<!tpu.dma_semaphore, #tpu.memory_space<semaphore_mem>>) {add = true}
      %dma_wait3A_403 = arith.constant 0 : i32
      %dma_wait3A_404 = arith.constant 0 : i32
      %dma_wait3A_405 = tpu.memref_slice %arg8[%dma_wait3A_403, %dma_wait3A_404] : memref<2048x64xf32, #tpu.memory_space<vmem_shared>> -> memref<2048x64xf32, #tpu.memory_space<vmem_shared>>
      tpu.wait_indirect_dma semaphore(%run_scoped3A : memref<!tpu.dma_semaphore, #tpu.memory_space<semaphore_mem>>) src(%arg10 : memref<128x64xf32, #tpu.memory_space<vmem>>) dst(%dma_wait3A_405 : memref<2048x64xf32, #tpu.memory_space<vmem_shared>>)
      tpu.yield
    }) : () -> ()
    %dma_wait3A_355 = arith.constant 194 : i32
    %dma_wait3A_356 = arith.constant 0 : i32
    %dma_wait3A_357 = tpu.memref_slice %arg7[%dma_wait3A_355, %dma_wait3A_356] : memref<200x128xi32, #tpu.memory_space<vmem>> -> memref<1x128xi32, #tpu.memory_space<vmem>>
    %dma_wait3A_358 = tpu.memref_squeeze %dma_wait3A_357 : memref<1x128xi32, #tpu.memory_space<vmem>> -> memref<128xi32, #tpu.memory_space<vmem>>
    %dma_wait3A_359 = arith.constant 0 : i32
    %dma_wait3A_360 = arith.constant 0 : i32
    %dma_wait3A_361 = tpu.memref_slice %arg4[%dma_wait3A_359, %dma_wait3A_360] : memref<1015808x64xf32, #tpu.memory_space<hbm>> -> memref<1015808x64xf32, #tpu.memory_space<hbm>>
    tpu.wait_indirect_dma semaphore(%arg22 : memref<!tpu.dma_semaphore, #tpu.memory_space<semaphore_mem>>) src(%dma_wait3A_361 : memref<1015808x64xf32, #tpu.memory_space<hbm>>) dst(%arg11 : memref<128x64xf32, #tpu.memory_space<vmem>>)
    "tpu.region"() ({
      %run_scoped3A = tpu.sem_alloc : memref<!tpu.dma_semaphore, #tpu.memory_space<semaphore_mem>>
      %dma_start3A_400 = arith.constant 0 : i32
      %dma_start3A_401 = arith.constant 0 : i32
      %dma_start3A_402 = tpu.memref_slice %arg8[%dma_start3A_400, %dma_start3A_401] : memref<2048x64xf32, #tpu.memory_space<vmem_shared>> -> memref<2048x64xf32, #tpu.memory_space<vmem_shared>>
      tpu.enqueue_indirect_dma source(%arg11 : memref<128x64xf32, #tpu.memory_space<vmem>>) target(%dma_start3A_402 : memref<2048x64xf32, #tpu.memory_space<vmem_shared>>) offsets(%arg19 : memref<128xi32, #tpu.memory_space<vmem>>) semaphore(%run_scoped3A : memref<!tpu.dma_semaphore, #tpu.memory_space<semaphore_mem>>) {add = true}
      %dma_wait3A_403 = arith.constant 0 : i32
      %dma_wait3A_404 = arith.constant 0 : i32
      %dma_wait3A_405 = tpu.memref_slice %arg8[%dma_wait3A_403, %dma_wait3A_404] : memref<2048x64xf32, #tpu.memory_space<vmem_shared>> -> memref<2048x64xf32, #tpu.memory_space<vmem_shared>>
      tpu.wait_indirect_dma semaphore(%run_scoped3A : memref<!tpu.dma_semaphore, #tpu.memory_space<semaphore_mem>>) src(%arg11 : memref<128x64xf32, #tpu.memory_space<vmem>>) dst(%dma_wait3A_405 : memref<2048x64xf32, #tpu.memory_space<vmem_shared>>)
      tpu.yield
    }) : () -> ()
    %dma_wait3A_362 = arith.constant 195 : i32
    %dma_wait3A_363 = arith.constant 0 : i32
    %dma_wait3A_364 = tpu.memref_slice %arg7[%dma_wait3A_362, %dma_wait3A_363] : memref<200x128xi32, #tpu.memory_space<vmem>> -> memref<1x128xi32, #tpu.memory_space<vmem>>
    %dma_wait3A_365 = tpu.memref_squeeze %dma_wait3A_364 : memref<1x128xi32, #tpu.memory_space<vmem>> -> memref<128xi32, #tpu.memory_space<vmem>>
    %dma_wait3A_366 = arith.constant 0 : i32
    %dma_wait3A_367 = arith.constant 0 : i32
    %dma_wait3A_368 = tpu.memref_slice %arg4[%dma_wait3A_366, %dma_wait3A_367] : memref<1015808x64xf32, #tpu.memory_space<hbm>> -> memref<1015808x64xf32, #tpu.memory_space<hbm>>
    tpu.wait_indirect_dma semaphore(%arg23 : memref<!tpu.dma_semaphore, #tpu.memory_space<semaphore_mem>>) src(%dma_wait3A_368 : memref<1015808x64xf32, #tpu.memory_space<hbm>>) dst(%arg12 : memref<128x64xf32, #tpu.memory_space<vmem>>)
    "tpu.region"() ({
      %run_scoped3A = tpu.sem_alloc : memref<!tpu.dma_semaphore, #tpu.memory_space<semaphore_mem>>
      %dma_start3A_400 = arith.constant 0 : i32
      %dma_start3A_401 = arith.constant 0 : i32
      %dma_start3A_402 = tpu.memref_slice %arg8[%dma_start3A_400, %dma_start3A_401] : memref<2048x64xf32, #tpu.memory_space<vmem_shared>> -> memref<2048x64xf32, #tpu.memory_space<vmem_shared>>
      tpu.enqueue_indirect_dma source(%arg12 : memref<128x64xf32, #tpu.memory_space<vmem>>) target(%dma_start3A_402 : memref<2048x64xf32, #tpu.memory_space<vmem_shared>>) offsets(%arg19 : memref<128xi32, #tpu.memory_space<vmem>>) semaphore(%run_scoped3A : memref<!tpu.dma_semaphore, #tpu.memory_space<semaphore_mem>>) {add = true}
      %dma_wait3A_403 = arith.constant 0 : i32
      %dma_wait3A_404 = arith.constant 0 : i32
      %dma_wait3A_405 = tpu.memref_slice %arg8[%dma_wait3A_403, %dma_wait3A_404] : memref<2048x64xf32, #tpu.memory_space<vmem_shared>> -> memref<2048x64xf32, #tpu.memory_space<vmem_shared>>
      tpu.wait_indirect_dma semaphore(%run_scoped3A : memref<!tpu.dma_semaphore, #tpu.memory_space<semaphore_mem>>) src(%arg12 : memref<128x64xf32, #tpu.memory_space<vmem>>) dst(%dma_wait3A_405 : memref<2048x64xf32, #tpu.memory_space<vmem_shared>>)
      tpu.yield
    }) : () -> ()
    %dma_wait3A_369 = arith.constant 196 : i32
    %dma_wait3A_370 = arith.constant 0 : i32
    %dma_wait3A_371 = tpu.memref_slice %arg7[%dma_wait3A_369, %dma_wait3A_370] : memref<200x128xi32, #tpu.memory_space<vmem>> -> memref<1x128xi32, #tpu.memory_space<vmem>>
    %dma_wait3A_372 = tpu.memref_squeeze %dma_wait3A_371 : memref<1x128xi32, #tpu.memory_space<vmem>> -> memref<128xi32, #tpu.memory_space<vmem>>
    %dma_wait3A_373 = arith.constant 0 : i32
    %dma_wait3A_374 = arith.constant 0 : i32
    %dma_wait3A_375 = tpu.memref_slice %arg4[%dma_wait3A_373, %dma_wait3A_374] : memref<1015808x64xf32, #tpu.memory_space<hbm>> -> memref<1015808x64xf32, #tpu.memory_space<hbm>>
    tpu.wait_indirect_dma semaphore(%arg24 : memref<!tpu.dma_semaphore, #tpu.memory_space<semaphore_mem>>) src(%dma_wait3A_375 : memref<1015808x64xf32, #tpu.memory_space<hbm>>) dst(%arg13 : memref<128x64xf32, #tpu.memory_space<vmem>>)
    "tpu.region"() ({
      %run_scoped3A = tpu.sem_alloc : memref<!tpu.dma_semaphore, #tpu.memory_space<semaphore_mem>>
      %dma_start3A_400 = arith.constant 0 : i32
      %dma_start3A_401 = arith.constant 0 : i32
      %dma_start3A_402 = tpu.memref_slice %arg8[%dma_start3A_400, %dma_start3A_401] : memref<2048x64xf32, #tpu.memory_space<vmem_shared>> -> memref<2048x64xf32, #tpu.memory_space<vmem_shared>>
      tpu.enqueue_indirect_dma source(%arg13 : memref<128x64xf32, #tpu.memory_space<vmem>>) target(%dma_start3A_402 : memref<2048x64xf32, #tpu.memory_space<vmem_shared>>) offsets(%arg19 : memref<128xi32, #tpu.memory_space<vmem>>) semaphore(%run_scoped3A : memref<!tpu.dma_semaphore, #tpu.memory_space<semaphore_mem>>) {add = true}
      %dma_wait3A_403 = arith.constant 0 : i32
      %dma_wait3A_404 = arith.constant 0 : i32
      %dma_wait3A_405 = tpu.memref_slice %arg8[%dma_wait3A_403, %dma_wait3A_404] : memref<2048x64xf32, #tpu.memory_space<vmem_shared>> -> memref<2048x64xf32, #tpu.memory_space<vmem_shared>>
      tpu.wait_indirect_dma semaphore(%run_scoped3A : memref<!tpu.dma_semaphore, #tpu.memory_space<semaphore_mem>>) src(%arg13 : memref<128x64xf32, #tpu.memory_space<vmem>>) dst(%dma_wait3A_405 : memref<2048x64xf32, #tpu.memory_space<vmem_shared>>)
      tpu.yield
    }) : () -> ()
    %dma_wait3A_376 = arith.constant 197 : i32
    %dma_wait3A_377 = arith.constant 0 : i32
    %dma_wait3A_378 = tpu.memref_slice %arg7[%dma_wait3A_376, %dma_wait3A_377] : memref<200x128xi32, #tpu.memory_space<vmem>> -> memref<1x128xi32, #tpu.memory_space<vmem>>
    %dma_wait3A_379 = tpu.memref_squeeze %dma_wait3A_378 : memref<1x128xi32, #tpu.memory_space<vmem>> -> memref<128xi32, #tpu.memory_space<vmem>>
    %dma_wait3A_380 = arith.constant 0 : i32
    %dma_wait3A_381 = arith.constant 0 : i32
    %dma_wait3A_382 = tpu.memref_slice %arg4[%dma_wait3A_380, %dma_wait3A_381] : memref<1015808x64xf32, #tpu.memory_space<hbm>> -> memref<1015808x64xf32, #tpu.memory_space<hbm>>
    tpu.wait_indirect_dma semaphore(%arg25 : memref<!tpu.dma_semaphore, #tpu.memory_space<semaphore_mem>>) src(%dma_wait3A_382 : memref<1015808x64xf32, #tpu.memory_space<hbm>>) dst(%arg14 : memref<128x64xf32, #tpu.memory_space<vmem>>)
    "tpu.region"() ({
      %run_scoped3A = tpu.sem_alloc : memref<!tpu.dma_semaphore, #tpu.memory_space<semaphore_mem>>
      %dma_start3A_400 = arith.constant 0 : i32
      %dma_start3A_401 = arith.constant 0 : i32
      %dma_start3A_402 = tpu.memref_slice %arg8[%dma_start3A_400, %dma_start3A_401] : memref<2048x64xf32, #tpu.memory_space<vmem_shared>> -> memref<2048x64xf32, #tpu.memory_space<vmem_shared>>
      tpu.enqueue_indirect_dma source(%arg14 : memref<128x64xf32, #tpu.memory_space<vmem>>) target(%dma_start3A_402 : memref<2048x64xf32, #tpu.memory_space<vmem_shared>>) offsets(%arg19 : memref<128xi32, #tpu.memory_space<vmem>>) semaphore(%run_scoped3A : memref<!tpu.dma_semaphore, #tpu.memory_space<semaphore_mem>>) {add = true}
      %dma_wait3A_403 = arith.constant 0 : i32
      %dma_wait3A_404 = arith.constant 0 : i32
      %dma_wait3A_405 = tpu.memref_slice %arg8[%dma_wait3A_403, %dma_wait3A_404] : memref<2048x64xf32, #tpu.memory_space<vmem_shared>> -> memref<2048x64xf32, #tpu.memory_space<vmem_shared>>
      tpu.wait_indirect_dma semaphore(%run_scoped3A : memref<!tpu.dma_semaphore, #tpu.memory_space<semaphore_mem>>) src(%arg14 : memref<128x64xf32, #tpu.memory_space<vmem>>) dst(%dma_wait3A_405 : memref<2048x64xf32, #tpu.memory_space<vmem_shared>>)
      tpu.yield
    }) : () -> ()
    %dma_wait3A_383 = arith.constant 198 : i32
    %dma_wait3A_384 = arith.constant 0 : i32
    %dma_wait3A_385 = tpu.memref_slice %arg7[%dma_wait3A_383, %dma_wait3A_384] : memref<200x128xi32, #tpu.memory_space<vmem>> -> memref<1x128xi32, #tpu.memory_space<vmem>>
    %dma_wait3A_386 = tpu.memref_squeeze %dma_wait3A_385 : memref<1x128xi32, #tpu.memory_space<vmem>> -> memref<128xi32, #tpu.memory_space<vmem>>
    %dma_wait3A_387 = arith.constant 0 : i32
    %dma_wait3A_388 = arith.constant 0 : i32
    %dma_wait3A_389 = tpu.memref_slice %arg4[%dma_wait3A_387, %dma_wait3A_388] : memref<1015808x64xf32, #tpu.memory_space<hbm>> -> memref<1015808x64xf32, #tpu.memory_space<hbm>>
    tpu.wait_indirect_dma semaphore(%arg26 : memref<!tpu.dma_semaphore, #tpu.memory_space<semaphore_mem>>) src(%dma_wait3A_389 : memref<1015808x64xf32, #tpu.memory_space<hbm>>) dst(%arg15 : memref<128x64xf32, #tpu.memory_space<vmem>>)
    "tpu.region"() ({
      %run_scoped3A = tpu.sem_alloc : memref<!tpu.dma_semaphore, #tpu.memory_space<semaphore_mem>>
      %dma_start3A_400 = arith.constant 0 : i32
      %dma_start3A_401 = arith.constant 0 : i32
      %dma_start3A_402 = tpu.memref_slice %arg8[%dma_start3A_400, %dma_start3A_401] : memref<2048x64xf32, #tpu.memory_space<vmem_shared>> -> memref<2048x64xf32, #tpu.memory_space<vmem_shared>>
      tpu.enqueue_indirect_dma source(%arg15 : memref<128x64xf32, #tpu.memory_space<vmem>>) target(%dma_start3A_402 : memref<2048x64xf32, #tpu.memory_space<vmem_shared>>) offsets(%arg19 : memref<128xi32, #tpu.memory_space<vmem>>) semaphore(%run_scoped3A : memref<!tpu.dma_semaphore, #tpu.memory_space<semaphore_mem>>) {add = true}
      %dma_wait3A_403 = arith.constant 0 : i32
      %dma_wait3A_404 = arith.constant 0 : i32
      %dma_wait3A_405 = tpu.memref_slice %arg8[%dma_wait3A_403, %dma_wait3A_404] : memref<2048x64xf32, #tpu.memory_space<vmem_shared>> -> memref<2048x64xf32, #tpu.memory_space<vmem_shared>>
      tpu.wait_indirect_dma semaphore(%run_scoped3A : memref<!tpu.dma_semaphore, #tpu.memory_space<semaphore_mem>>) src(%arg15 : memref<128x64xf32, #tpu.memory_space<vmem>>) dst(%dma_wait3A_405 : memref<2048x64xf32, #tpu.memory_space<vmem_shared>>)
      tpu.yield
    }) : () -> ()
    %dma_wait3A_390 = arith.constant 199 : i32
    %dma_wait3A_391 = arith.constant 0 : i32
    %dma_wait3A_392 = tpu.memref_slice %arg7[%dma_wait3A_390, %dma_wait3A_391] : memref<200x128xi32, #tpu.memory_space<vmem>> -> memref<1x128xi32, #tpu.memory_space<vmem>>
    %dma_wait3A_393 = tpu.memref_squeeze %dma_wait3A_392 : memref<1x128xi32, #tpu.memory_space<vmem>> -> memref<128xi32, #tpu.memory_space<vmem>>
    %dma_wait3A_394 = arith.constant 0 : i32
    %dma_wait3A_395 = arith.constant 0 : i32
    %dma_wait3A_396 = tpu.memref_slice %arg4[%dma_wait3A_394, %dma_wait3A_395] : memref<1015808x64xf32, #tpu.memory_space<hbm>> -> memref<1015808x64xf32, #tpu.memory_space<hbm>>
    tpu.wait_indirect_dma semaphore(%arg27 : memref<!tpu.dma_semaphore, #tpu.memory_space<semaphore_mem>>) src(%dma_wait3A_396 : memref<1015808x64xf32, #tpu.memory_space<hbm>>) dst(%arg16 : memref<128x64xf32, #tpu.memory_space<vmem>>)
    "tpu.region"() ({
      %run_scoped3A = tpu.sem_alloc : memref<!tpu.dma_semaphore, #tpu.memory_space<semaphore_mem>>
      %dma_start3A_400 = arith.constant 0 : i32
      %dma_start3A_401 = arith.constant 0 : i32
      %dma_start3A_402 = tpu.memref_slice %arg8[%dma_start3A_400, %dma_start3A_401] : memref<2048x64xf32, #tpu.memory_space<vmem_shared>> -> memref<2048x64xf32, #tpu.memory_space<vmem_shared>>
      tpu.enqueue_indirect_dma source(%arg16 : memref<128x64xf32, #tpu.memory_space<vmem>>) target(%dma_start3A_402 : memref<2048x64xf32, #tpu.memory_space<vmem_shared>>) offsets(%arg19 : memref<128xi32, #tpu.memory_space<vmem>>) semaphore(%run_scoped3A : memref<!tpu.dma_semaphore, #tpu.memory_space<semaphore_mem>>) {add = true}
      %dma_wait3A_403 = arith.constant 0 : i32
      %dma_wait3A_404 = arith.constant 0 : i32
      %dma_wait3A_405 = tpu.memref_slice %arg8[%dma_wait3A_403, %dma_wait3A_404] : memref<2048x64xf32, #tpu.memory_space<vmem_shared>> -> memref<2048x64xf32, #tpu.memory_space<vmem_shared>>
      tpu.wait_indirect_dma semaphore(%run_scoped3A : memref<!tpu.dma_semaphore, #tpu.memory_space<semaphore_mem>>) src(%arg16 : memref<128x64xf32, #tpu.memory_space<vmem>>) dst(%dma_wait3A_405 : memref<2048x64xf32, #tpu.memory_space<vmem_shared>>)
      tpu.yield
    }) : () -> ()
    %dma_wait3A_397 = arith.constant 0 : i32
    %dma_wait3A_398 = arith.constant 0 : i32
    %dma_wait3A_399 = tpu.memref_slice %arg4[%dma_wait3A_397, %dma_wait3A_398] : memref<1015808x64xf32, #tpu.memory_space<hbm>> -> memref<1015808x64xf32, #tpu.memory_space<hbm>>
    tpu.wait_indirect_dma semaphore(%arg28 : memref<!tpu.dma_semaphore, #tpu.memory_space<semaphore_mem>>) src(%dma_wait3A_399 : memref<1015808x64xf32, #tpu.memory_space<hbm>>) dst(%arg17 : memref<128x64xf32, #tpu.memory_space<vmem>>)
    "tpu.region"() ({
      %run_scoped3A = tpu.sem_alloc : memref<!tpu.dma_semaphore, #tpu.memory_space<semaphore_mem>>
      %dma_start3A_400 = arith.constant 0 : i32
      %dma_start3A_401 = tpu.memref_slice %arg5[%mul3A_2, %dma_start3A_400] : memref<4096x64xf32, #tpu.memory_space<hbm>> -> memref<128x64xf32, #tpu.memory_space<hbm>>
      %dma_start3A_402 = arith.constant 0 : i32
      %dma_start3A_403 = tpu.memref_slice %arg5[%mul3A_2, %dma_start3A_402] : memref<4096x64xf32, #tpu.memory_space<hbm>> -> memref<128x64xf32, #tpu.memory_space<hbm>>
      tpu.enqueue_dma source(%arg17 : memref<128x64xf32, #tpu.memory_space<vmem>>) target(%dma_start3A_403 : memref<128x64xf32, #tpu.memory_space<hbm>>) target_semaphore(%run_scoped3A : memref<!tpu.dma_semaphore, #tpu.memory_space<semaphore_mem>>)
      %dma_wait3A_404 = arith.constant 0 : i32
      %dma_wait3A_405 = tpu.memref_slice %arg5[%mul3A_2, %dma_wait3A_404] : memref<4096x64xf32, #tpu.memory_space<hbm>> -> memref<128x64xf32, #tpu.memory_space<hbm>>
      %dma_wait3A_406 = arith.constant 0 : i32
      %dma_wait3A_407 = tpu.memref_slice %arg5[%mul3A_2, %dma_wait3A_406] : memref<4096x64xf32, #tpu.memory_space<hbm>> -> memref<128x64xf32, #tpu.memory_space<hbm>>
      tpu.wait_dma2 semaphore(%run_scoped3A : memref<!tpu.dma_semaphore, #tpu.memory_space<semaphore_mem>>) src(%arg17 : memref<128x64xf32, #tpu.memory_space<vmem>>) dst(%dma_wait3A_407 : memref<128x64xf32, #tpu.memory_space<hbm>>)
      tpu.yield
    }) : () -> ()
    "tpu.region"() ({
      %run_scoped3A = tpu.sem_alloc : memref<!tpu.dma_semaphore, #tpu.memory_space<semaphore_mem>>
      %dma_start3A_400 = arith.constant 0 : i32
      %dma_start3A_401 = tpu.memref_slice %arg6[%mul3A_2, %dma_start3A_400] : memref<4096x64xf32, #tpu.memory_space<hbm>> -> memref<128x64xf32, #tpu.memory_space<hbm>>
      %dma_start3A_402 = arith.constant 0 : i32
      %dma_start3A_403 = tpu.memref_slice %arg8[%mul3A_4, %dma_start3A_402] : memref<2048x64xf32, #tpu.memory_space<vmem_shared>> -> memref<128x64xf32, #tpu.memory_space<vmem_shared>>
      tpu.enqueue_dma source(%dma_start3A_403 : memref<128x64xf32, #tpu.memory_space<vmem_shared>>) target(%dma_start3A_401 : memref<128x64xf32, #tpu.memory_space<hbm>>) target_semaphore(%run_scoped3A : memref<!tpu.dma_semaphore, #tpu.memory_space<semaphore_mem>>)
      %dma_wait3A_404 = arith.constant 0 : i32
      %dma_wait3A_405 = tpu.memref_slice %arg6[%mul3A_2, %dma_wait3A_404] : memref<4096x64xf32, #tpu.memory_space<hbm>> -> memref<128x64xf32, #tpu.memory_space<hbm>>
      %dma_wait3A_406 = arith.constant 0 : i32
      %dma_wait3A_407 = tpu.memref_slice %arg8[%mul3A_4, %dma_wait3A_406] : memref<2048x64xf32, #tpu.memory_space<vmem_shared>> -> memref<128x64xf32, #tpu.memory_space<vmem_shared>>
      tpu.wait_dma2 semaphore(%run_scoped3A : memref<!tpu.dma_semaphore, #tpu.memory_space<semaphore_mem>>) src(%dma_wait3A_407 : memref<128x64xf32, #tpu.memory_space<vmem_shared>>) dst(%dma_wait3A_405 : memref<128x64xf32, #tpu.memory_space<hbm>>)
      tpu.yield
    }) : () -> ()
    return
  }
}

#map = affine_map<(d0, d1) -> (0)>
#map1 = affine_map<(d0, d1) -> (0, 0)>
module attributes {stable_mosaic.version = 14 : i64} {
  func.func @sc_a(%arg0: i32, %arg1: i32, %arg2: memref<4096xi32, #tpu.memory_space<hbm>>, %arg3: memref<4096xi32, #tpu.memory_space<hbm>>, %arg4: memref<131072x64xf32, #tpu.memory_space<hbm>>, %arg5: memref<32768x64xf32, #tpu.memory_space<hbm>>, %arg6: memref<4096x64xf32, #tpu.memory_space<hbm>>, %arg7: memref<4096x64xf32, #tpu.memory_space<hbm>>, %arg8: memref<128x64xf32, #tpu.memory_space<vmem>>, %arg9: memref<128x64xf32, #tpu.memory_space<vmem>>, %arg10: memref<128xi32, #tpu.memory_space<vmem>>, %arg11: memref<128xi32, #tpu.memory_space<vmem>>, %arg12: memref<!tpu.dma_semaphore, #tpu.memory_space<semaphore_mem>>, %arg13: memref<!tpu.dma_semaphore, #tpu.memory_space<semaphore_mem>>) attributes {dimension_semantics = [#tpu.dimension_semantics<core_parallel>, #tpu.dimension_semantics<subcore_parallel>], iteration_bounds = array<i64: 2, 16>, scalar_prefetch = 0 : i64, scratch_operands = 6 : i64, tpu.core_type = #tpu.core_type<sc_vector_subcore>, window_params = [{transform_indices = #map}, {transform_indices = #map}, {transform_indices = #map1}, {transform_indices = #map1}, {transform_indices = #map1}, {transform_indices = #map1}]} {
    %mul3A = arith.constant 2 : i32
    %mul3A_0 = arith.muli %arg1, %mul3A : i32
    %add3A = arith.addi %mul3A_0, %arg0 : i32
    %mul3A_1 = arith.constant 128 : i32
    %mul3A_2 = arith.muli %add3A, %mul3A_1 : i32
    "tpu.region"() ({
      %run_scoped3A = tpu.sem_alloc : memref<!tpu.dma_semaphore, #tpu.memory_space<semaphore_mem>>
      %dma_start3A_391 = tpu.memref_slice %arg2[%mul3A_2] : memref<4096xi32, #tpu.memory_space<hbm>> -> memref<128xi32, #tpu.memory_space<hbm>>
      %dma_start3A_392 = tpu.memref_slice %arg2[%mul3A_2] : memref<4096xi32, #tpu.memory_space<hbm>> -> memref<128xi32, #tpu.memory_space<hbm>>
      tpu.enqueue_dma source(%dma_start3A_392 : memref<128xi32, #tpu.memory_space<hbm>>) target(%arg10 : memref<128xi32, #tpu.memory_space<vmem>>) target_semaphore(%run_scoped3A : memref<!tpu.dma_semaphore, #tpu.memory_space<semaphore_mem>>)
      %dma_wait3A_393 = tpu.memref_slice %arg2[%mul3A_2] : memref<4096xi32, #tpu.memory_space<hbm>> -> memref<128xi32, #tpu.memory_space<hbm>>
      %dma_wait3A_394 = tpu.memref_slice %arg2[%mul3A_2] : memref<4096xi32, #tpu.memory_space<hbm>> -> memref<128xi32, #tpu.memory_space<hbm>>
      tpu.wait_dma2 semaphore(%run_scoped3A : memref<!tpu.dma_semaphore, #tpu.memory_space<semaphore_mem>>) src(%dma_wait3A_394 : memref<128xi32, #tpu.memory_space<hbm>>) dst(%arg10 : memref<128xi32, #tpu.memory_space<vmem>>)
      tpu.yield
    }) : () -> ()
    "tpu.region"() ({
      %run_scoped3A = tpu.sem_alloc : memref<!tpu.dma_semaphore, #tpu.memory_space<semaphore_mem>>
      %dma_start3A_391 = tpu.memref_slice %arg3[%mul3A_2] : memref<4096xi32, #tpu.memory_space<hbm>> -> memref<128xi32, #tpu.memory_space<hbm>>
      %dma_start3A_392 = tpu.memref_slice %arg3[%mul3A_2] : memref<4096xi32, #tpu.memory_space<hbm>> -> memref<128xi32, #tpu.memory_space<hbm>>
      tpu.enqueue_dma source(%dma_start3A_392 : memref<128xi32, #tpu.memory_space<hbm>>) target(%arg11 : memref<128xi32, #tpu.memory_space<vmem>>) target_semaphore(%run_scoped3A : memref<!tpu.dma_semaphore, #tpu.memory_space<semaphore_mem>>)
      %dma_wait3A_393 = tpu.memref_slice %arg3[%mul3A_2] : memref<4096xi32, #tpu.memory_space<hbm>> -> memref<128xi32, #tpu.memory_space<hbm>>
      %dma_wait3A_394 = tpu.memref_slice %arg3[%mul3A_2] : memref<4096xi32, #tpu.memory_space<hbm>> -> memref<128xi32, #tpu.memory_space<hbm>>
      tpu.wait_dma2 semaphore(%run_scoped3A : memref<!tpu.dma_semaphore, #tpu.memory_space<semaphore_mem>>) src(%dma_wait3A_394 : memref<128xi32, #tpu.memory_space<hbm>>) dst(%arg11 : memref<128xi32, #tpu.memory_space<vmem>>)
      tpu.yield
    }) : () -> ()
    %get3A = arith.constant 0 : index
    %get3A_3 = tpu.vector_load %arg10[%get3A] {strides = array<i32>} : memref<128xi32, #tpu.memory_space<vmem>>, vector<16xi32>,
    %get3A_4 = vector.shape_cast %get3A_3 : vector<16xi32> to vector<16xi32>
    %and3A = arith.constant -32768 : i32
    %and3A_5 = vector.broadcast %and3A : i32 to vector<16xi32>
    %and3A_6 = arith.andi %get3A_4, %and3A_5 : vector<16xi32>
    %and3A_7 = arith.constant 16383 : i32
    %and3A_8 = vector.broadcast %and3A_7 : i32 to vector<16xi32>
    %and3A_9 = arith.andi %get3A_4, %and3A_8 : vector<16xi32>
    %shift_left3A = arith.constant 1 : i32
    %shift_left3A_10 = vector.broadcast %shift_left3A : i32 to vector<16xi32>
    %shift_left3A_11 = arith.shli %and3A_9, %shift_left3A_10 : vector<16xi32>
    %or3A = arith.ori %and3A_6, %shift_left3A_11 : vector<16xi32>
    %shift_right_arithmetic3A = arith.constant 14 : i32
    %shift_right_arithmetic3A_12 = vector.broadcast %shift_right_arithmetic3A : i32 to vector<16xi32>
    %shift_right_arithmetic3A_13 = arith.shrsi %get3A_4, %shift_right_arithmetic3A_12 : vector<16xi32>
    %and3A_14 = arith.constant 1 : i32
    %and3A_15 = vector.broadcast %and3A_14 : i32 to vector<16xi32>
    %and3A_16 = arith.andi %shift_right_arithmetic3A_13, %and3A_15 : vector<16xi32>
    %or3A_17 = arith.ori %or3A, %and3A_16 : vector<16xi32>
    %swap3A = arith.constant 0 : index
    %swap3A_18 = tpu.vector_load %arg10[%swap3A] {strides = array<i32>} : memref<128xi32, #tpu.memory_space<vmem>>, vector<16xi32>,
    %swap3A_19 = vector.shape_cast %swap3A_18 : vector<16xi32> to vector<16xi32>
    %swap3A_20 = vector.shape_cast %or3A_17 : vector<16xi32> to vector<16xi32>
    tpu.vector_store %arg10[%swap3A], %swap3A_20 {strides = array<i32>} : memref<128xi32, #tpu.memory_space<vmem>>, vector<16xi32>,
    %get3A_21 = arith.constant 0 : index
    %get3A_22 = tpu.vector_load %arg11[%get3A_21] {strides = array<i32>} : memref<128xi32, #tpu.memory_space<vmem>>, vector<16xi32>,
    %get3A_23 = vector.shape_cast %get3A_22 : vector<16xi32> to vector<16xi32>
    %and3A_24 = arith.constant -32768 : i32
    %and3A_25 = vector.broadcast %and3A_24 : i32 to vector<16xi32>
    %and3A_26 = arith.andi %get3A_23, %and3A_25 : vector<16xi32>
    %and3A_27 = arith.constant 16383 : i32
    %and3A_28 = vector.broadcast %and3A_27 : i32 to vector<16xi32>
    %and3A_29 = arith.andi %get3A_23, %and3A_28 : vector<16xi32>
    %shift_left3A_30 = arith.constant 1 : i32
    %shift_left3A_31 = vector.broadcast %shift_left3A_30 : i32 to vector<16xi32>
    %shift_left3A_32 = arith.shli %and3A_29, %shift_left3A_31 : vector<16xi32>
    %or3A_33 = arith.ori %and3A_26, %shift_left3A_32 : vector<16xi32>
    %shift_right_arithmetic3A_34 = arith.constant 14 : i32
    %shift_right_arithmetic3A_35 = vector.broadcast %shift_right_arithmetic3A_34 : i32 to vector<16xi32>
    %shift_right_arithmetic3A_36 = arith.shrsi %get3A_23, %shift_right_arithmetic3A_35 : vector<16xi32>
    %and3A_37 = arith.constant 1 : i32
    %and3A_38 = vector.broadcast %and3A_37 : i32 to vector<16xi32>
    %and3A_39 = arith.andi %shift_right_arithmetic3A_36, %and3A_38 : vector<16xi32>
    %or3A_40 = arith.ori %or3A_33, %and3A_39 : vector<16xi32>
    %swap3A_41 = arith.constant 0 : index
    %swap3A_42 = tpu.vector_load %arg11[%swap3A_41] {strides = array<i32>} : memref<128xi32, #tpu.memory_space<vmem>>, vector<16xi32>,
    %swap3A_43 = vector.shape_cast %swap3A_42 : vector<16xi32> to vector<16xi32>
    %swap3A_44 = vector.shape_cast %or3A_40 : vector<16xi32> to vector<16xi32>
    tpu.vector_store %arg11[%swap3A_41], %swap3A_44 {strides = array<i32>} : memref<128xi32, #tpu.memory_space<vmem>>, vector<16xi32>,
    %get3A_45 = arith.constant 16 : index
    %get3A_46 = tpu.vector_load %arg10[%get3A_45] {strides = array<i32>} : memref<128xi32, #tpu.memory_space<vmem>>, vector<16xi32>,
    %get3A_47 = vector.shape_cast %get3A_46 : vector<16xi32> to vector<16xi32>
    %and3A_48 = arith.constant -32768 : i32
    %and3A_49 = vector.broadcast %and3A_48 : i32 to vector<16xi32>
    %and3A_50 = arith.andi %get3A_47, %and3A_49 : vector<16xi32>
    %and3A_51 = arith.constant 16383 : i32
    %and3A_52 = vector.broadcast %and3A_51 : i32 to vector<16xi32>
    %and3A_53 = arith.andi %get3A_47, %and3A_52 : vector<16xi32>
    %shift_left3A_54 = arith.constant 1 : i32
    %shift_left3A_55 = vector.broadcast %shift_left3A_54 : i32 to vector<16xi32>
    %shift_left3A_56 = arith.shli %and3A_53, %shift_left3A_55 : vector<16xi32>
    %or3A_57 = arith.ori %and3A_50, %shift_left3A_56 : vector<16xi32>
    %shift_right_arithmetic3A_58 = arith.constant 14 : i32
    %shift_right_arithmetic3A_59 = vector.broadcast %shift_right_arithmetic3A_58 : i32 to vector<16xi32>
    %shift_right_arithmetic3A_60 = arith.shrsi %get3A_47, %shift_right_arithmetic3A_59 : vector<16xi32>
    %and3A_61 = arith.constant 1 : i32
    %and3A_62 = vector.broadcast %and3A_61 : i32 to vector<16xi32>
    %and3A_63 = arith.andi %shift_right_arithmetic3A_60, %and3A_62 : vector<16xi32>
    %or3A_64 = arith.ori %or3A_57, %and3A_63 : vector<16xi32>
    %swap3A_65 = arith.constant 16 : index
    %swap3A_66 = tpu.vector_load %arg10[%swap3A_65] {strides = array<i32>} : memref<128xi32, #tpu.memory_space<vmem>>, vector<16xi32>,
    %swap3A_67 = vector.shape_cast %swap3A_66 : vector<16xi32> to vector<16xi32>
    %swap3A_68 = vector.shape_cast %or3A_64 : vector<16xi32> to vector<16xi32>
    tpu.vector_store %arg10[%swap3A_65], %swap3A_68 {strides = array<i32>} : memref<128xi32, #tpu.memory_space<vmem>>, vector<16xi32>,
    %get3A_69 = arith.constant 16 : index
    %get3A_70 = tpu.vector_load %arg11[%get3A_69] {strides = array<i32>} : memref<128xi32, #tpu.memory_space<vmem>>, vector<16xi32>,
    %get3A_71 = vector.shape_cast %get3A_70 : vector<16xi32> to vector<16xi32>
    %and3A_72 = arith.constant -32768 : i32
    %and3A_73 = vector.broadcast %and3A_72 : i32 to vector<16xi32>
    %and3A_74 = arith.andi %get3A_71, %and3A_73 : vector<16xi32>
    %and3A_75 = arith.constant 16383 : i32
    %and3A_76 = vector.broadcast %and3A_75 : i32 to vector<16xi32>
    %and3A_77 = arith.andi %get3A_71, %and3A_76 : vector<16xi32>
    %shift_left3A_78 = arith.constant 1 : i32
    %shift_left3A_79 = vector.broadcast %shift_left3A_78 : i32 to vector<16xi32>
    %shift_left3A_80 = arith.shli %and3A_77, %shift_left3A_79 : vector<16xi32>
    %or3A_81 = arith.ori %and3A_74, %shift_left3A_80 : vector<16xi32>
    %shift_right_arithmetic3A_82 = arith.constant 14 : i32
    %shift_right_arithmetic3A_83 = vector.broadcast %shift_right_arithmetic3A_82 : i32 to vector<16xi32>
    %shift_right_arithmetic3A_84 = arith.shrsi %get3A_71, %shift_right_arithmetic3A_83 : vector<16xi32>
    %and3A_85 = arith.constant 1 : i32
    %and3A_86 = vector.broadcast %and3A_85 : i32 to vector<16xi32>
    %and3A_87 = arith.andi %shift_right_arithmetic3A_84, %and3A_86 : vector<16xi32>
    %or3A_88 = arith.ori %or3A_81, %and3A_87 : vector<16xi32>
    %swap3A_89 = arith.constant 16 : index
    %swap3A_90 = tpu.vector_load %arg11[%swap3A_89] {strides = array<i32>} : memref<128xi32, #tpu.memory_space<vmem>>, vector<16xi32>,
    %swap3A_91 = vector.shape_cast %swap3A_90 : vector<16xi32> to vector<16xi32>
    %swap3A_92 = vector.shape_cast %or3A_88 : vector<16xi32> to vector<16xi32>
    tpu.vector_store %arg11[%swap3A_89], %swap3A_92 {strides = array<i32>} : memref<128xi32, #tpu.memory_space<vmem>>, vector<16xi32>,
    %get3A_93 = arith.constant 32 : index
    %get3A_94 = tpu.vector_load %arg10[%get3A_93] {strides = array<i32>} : memref<128xi32, #tpu.memory_space<vmem>>, vector<16xi32>,
    %get3A_95 = vector.shape_cast %get3A_94 : vector<16xi32> to vector<16xi32>
    %and3A_96 = arith.constant -32768 : i32
    %and3A_97 = vector.broadcast %and3A_96 : i32 to vector<16xi32>
    %and3A_98 = arith.andi %get3A_95, %and3A_97 : vector<16xi32>
    %and3A_99 = arith.constant 16383 : i32
    %and3A_100 = vector.broadcast %and3A_99 : i32 to vector<16xi32>
    %and3A_101 = arith.andi %get3A_95, %and3A_100 : vector<16xi32>
    %shift_left3A_102 = arith.constant 1 : i32
    %shift_left3A_103 = vector.broadcast %shift_left3A_102 : i32 to vector<16xi32>
    %shift_left3A_104 = arith.shli %and3A_101, %shift_left3A_103 : vector<16xi32>
    %or3A_105 = arith.ori %and3A_98, %shift_left3A_104 : vector<16xi32>
    %shift_right_arithmetic3A_106 = arith.constant 14 : i32
    %shift_right_arithmetic3A_107 = vector.broadcast %shift_right_arithmetic3A_106 : i32 to vector<16xi32>
    %shift_right_arithmetic3A_108 = arith.shrsi %get3A_95, %shift_right_arithmetic3A_107 : vector<16xi32>
    %and3A_109 = arith.constant 1 : i32
    %and3A_110 = vector.broadcast %and3A_109 : i32 to vector<16xi32>
    %and3A_111 = arith.andi %shift_right_arithmetic3A_108, %and3A_110 : vector<16xi32>
    %or3A_112 = arith.ori %or3A_105, %and3A_111 : vector<16xi32>
    %swap3A_113 = arith.constant 32 : index
    %swap3A_114 = tpu.vector_load %arg10[%swap3A_113] {strides = array<i32>} : memref<128xi32, #tpu.memory_space<vmem>>, vector<16xi32>,
    %swap3A_115 = vector.shape_cast %swap3A_114 : vector<16xi32> to vector<16xi32>
    %swap3A_116 = vector.shape_cast %or3A_112 : vector<16xi32> to vector<16xi32>
    tpu.vector_store %arg10[%swap3A_113], %swap3A_116 {strides = array<i32>} : memref<128xi32, #tpu.memory_space<vmem>>, vector<16xi32>,
    %get3A_117 = arith.constant 32 : index
    %get3A_118 = tpu.vector_load %arg11[%get3A_117] {strides = array<i32>} : memref<128xi32, #tpu.memory_space<vmem>>, vector<16xi32>,
    %get3A_119 = vector.shape_cast %get3A_118 : vector<16xi32> to vector<16xi32>
    %and3A_120 = arith.constant -32768 : i32
    %and3A_121 = vector.broadcast %and3A_120 : i32 to vector<16xi32>
    %and3A_122 = arith.andi %get3A_119, %and3A_121 : vector<16xi32>
    %and3A_123 = arith.constant 16383 : i32
    %and3A_124 = vector.broadcast %and3A_123 : i32 to vector<16xi32>
    %and3A_125 = arith.andi %get3A_119, %and3A_124 : vector<16xi32>
    %shift_left3A_126 = arith.constant 1 : i32
    %shift_left3A_127 = vector.broadcast %shift_left3A_126 : i32 to vector<16xi32>
    %shift_left3A_128 = arith.shli %and3A_125, %shift_left3A_127 : vector<16xi32>
    %or3A_129 = arith.ori %and3A_122, %shift_left3A_128 : vector<16xi32>
    %shift_right_arithmetic3A_130 = arith.constant 14 : i32
    %shift_right_arithmetic3A_131 = vector.broadcast %shift_right_arithmetic3A_130 : i32 to vector<16xi32>
    %shift_right_arithmetic3A_132 = arith.shrsi %get3A_119, %shift_right_arithmetic3A_131 : vector<16xi32>
    %and3A_133 = arith.constant 1 : i32
    %and3A_134 = vector.broadcast %and3A_133 : i32 to vector<16xi32>
    %and3A_135 = arith.andi %shift_right_arithmetic3A_132, %and3A_134 : vector<16xi32>
    %or3A_136 = arith.ori %or3A_129, %and3A_135 : vector<16xi32>
    %swap3A_137 = arith.constant 32 : index
    %swap3A_138 = tpu.vector_load %arg11[%swap3A_137] {strides = array<i32>} : memref<128xi32, #tpu.memory_space<vmem>>, vector<16xi32>,
    %swap3A_139 = vector.shape_cast %swap3A_138 : vector<16xi32> to vector<16xi32>
    %swap3A_140 = vector.shape_cast %or3A_136 : vector<16xi32> to vector<16xi32>
    tpu.vector_store %arg11[%swap3A_137], %swap3A_140 {strides = array<i32>} : memref<128xi32, #tpu.memory_space<vmem>>, vector<16xi32>,
    %get3A_141 = arith.constant 48 : index
    %get3A_142 = tpu.vector_load %arg10[%get3A_141] {strides = array<i32>} : memref<128xi32, #tpu.memory_space<vmem>>, vector<16xi32>,
    %get3A_143 = vector.shape_cast %get3A_142 : vector<16xi32> to vector<16xi32>
    %and3A_144 = arith.constant -32768 : i32
    %and3A_145 = vector.broadcast %and3A_144 : i32 to vector<16xi32>
    %and3A_146 = arith.andi %get3A_143, %and3A_145 : vector<16xi32>
    %and3A_147 = arith.constant 16383 : i32
    %and3A_148 = vector.broadcast %and3A_147 : i32 to vector<16xi32>
    %and3A_149 = arith.andi %get3A_143, %and3A_148 : vector<16xi32>
    %shift_left3A_150 = arith.constant 1 : i32
    %shift_left3A_151 = vector.broadcast %shift_left3A_150 : i32 to vector<16xi32>
    %shift_left3A_152 = arith.shli %and3A_149, %shift_left3A_151 : vector<16xi32>
    %or3A_153 = arith.ori %and3A_146, %shift_left3A_152 : vector<16xi32>
    %shift_right_arithmetic3A_154 = arith.constant 14 : i32
    %shift_right_arithmetic3A_155 = vector.broadcast %shift_right_arithmetic3A_154 : i32 to vector<16xi32>
    %shift_right_arithmetic3A_156 = arith.shrsi %get3A_143, %shift_right_arithmetic3A_155 : vector<16xi32>
    %and3A_157 = arith.constant 1 : i32
    %and3A_158 = vector.broadcast %and3A_157 : i32 to vector<16xi32>
    %and3A_159 = arith.andi %shift_right_arithmetic3A_156, %and3A_158 : vector<16xi32>
    %or3A_160 = arith.ori %or3A_153, %and3A_159 : vector<16xi32>
    %swap3A_161 = arith.constant 48 : index
    %swap3A_162 = tpu.vector_load %arg10[%swap3A_161] {strides = array<i32>} : memref<128xi32, #tpu.memory_space<vmem>>, vector<16xi32>,
    %swap3A_163 = vector.shape_cast %swap3A_162 : vector<16xi32> to vector<16xi32>
    %swap3A_164 = vector.shape_cast %or3A_160 : vector<16xi32> to vector<16xi32>
    tpu.vector_store %arg10[%swap3A_161], %swap3A_164 {strides = array<i32>} : memref<128xi32, #tpu.memory_space<vmem>>, vector<16xi32>,
    %get3A_165 = arith.constant 48 : index
    %get3A_166 = tpu.vector_load %arg11[%get3A_165] {strides = array<i32>} : memref<128xi32, #tpu.memory_space<vmem>>, vector<16xi32>,
    %get3A_167 = vector.shape_cast %get3A_166 : vector<16xi32> to vector<16xi32>
    %and3A_168 = arith.constant -32768 : i32
    %and3A_169 = vector.broadcast %and3A_168 : i32 to vector<16xi32>
    %and3A_170 = arith.andi %get3A_167, %and3A_169 : vector<16xi32>
    %and3A_171 = arith.constant 16383 : i32
    %and3A_172 = vector.broadcast %and3A_171 : i32 to vector<16xi32>
    %and3A_173 = arith.andi %get3A_167, %and3A_172 : vector<16xi32>
    %shift_left3A_174 = arith.constant 1 : i32
    %shift_left3A_175 = vector.broadcast %shift_left3A_174 : i32 to vector<16xi32>
    %shift_left3A_176 = arith.shli %and3A_173, %shift_left3A_175 : vector<16xi32>
    %or3A_177 = arith.ori %and3A_170, %shift_left3A_176 : vector<16xi32>
    %shift_right_arithmetic3A_178 = arith.constant 14 : i32
    %shift_right_arithmetic3A_179 = vector.broadcast %shift_right_arithmetic3A_178 : i32 to vector<16xi32>
    %shift_right_arithmetic3A_180 = arith.shrsi %get3A_167, %shift_right_arithmetic3A_179 : vector<16xi32>
    %and3A_181 = arith.constant 1 : i32
    %and3A_182 = vector.broadcast %and3A_181 : i32 to vector<16xi32>
    %and3A_183 = arith.andi %shift_right_arithmetic3A_180, %and3A_182 : vector<16xi32>
    %or3A_184 = arith.ori %or3A_177, %and3A_183 : vector<16xi32>
    %swap3A_185 = arith.constant 48 : index
    %swap3A_186 = tpu.vector_load %arg11[%swap3A_185] {strides = array<i32>} : memref<128xi32, #tpu.memory_space<vmem>>, vector<16xi32>,
    %swap3A_187 = vector.shape_cast %swap3A_186 : vector<16xi32> to vector<16xi32>
    %swap3A_188 = vector.shape_cast %or3A_184 : vector<16xi32> to vector<16xi32>
    tpu.vector_store %arg11[%swap3A_185], %swap3A_188 {strides = array<i32>} : memref<128xi32, #tpu.memory_space<vmem>>, vector<16xi32>,
    %get3A_189 = arith.constant 64 : index
    %get3A_190 = tpu.vector_load %arg10[%get3A_189] {strides = array<i32>} : memref<128xi32, #tpu.memory_space<vmem>>, vector<16xi32>,
    %get3A_191 = vector.shape_cast %get3A_190 : vector<16xi32> to vector<16xi32>
    %and3A_192 = arith.constant -32768 : i32
    %and3A_193 = vector.broadcast %and3A_192 : i32 to vector<16xi32>
    %and3A_194 = arith.andi %get3A_191, %and3A_193 : vector<16xi32>
    %and3A_195 = arith.constant 16383 : i32
    %and3A_196 = vector.broadcast %and3A_195 : i32 to vector<16xi32>
    %and3A_197 = arith.andi %get3A_191, %and3A_196 : vector<16xi32>
    %shift_left3A_198 = arith.constant 1 : i32
    %shift_left3A_199 = vector.broadcast %shift_left3A_198 : i32 to vector<16xi32>
    %shift_left3A_200 = arith.shli %and3A_197, %shift_left3A_199 : vector<16xi32>
    %or3A_201 = arith.ori %and3A_194, %shift_left3A_200 : vector<16xi32>
    %shift_right_arithmetic3A_202 = arith.constant 14 : i32
    %shift_right_arithmetic3A_203 = vector.broadcast %shift_right_arithmetic3A_202 : i32 to vector<16xi32>
    %shift_right_arithmetic3A_204 = arith.shrsi %get3A_191, %shift_right_arithmetic3A_203 : vector<16xi32>
    %and3A_205 = arith.constant 1 : i32
    %and3A_206 = vector.broadcast %and3A_205 : i32 to vector<16xi32>
    %and3A_207 = arith.andi %shift_right_arithmetic3A_204, %and3A_206 : vector<16xi32>
    %or3A_208 = arith.ori %or3A_201, %and3A_207 : vector<16xi32>
    %swap3A_209 = arith.constant 64 : index
    %swap3A_210 = tpu.vector_load %arg10[%swap3A_209] {strides = array<i32>} : memref<128xi32, #tpu.memory_space<vmem>>, vector<16xi32>,
    %swap3A_211 = vector.shape_cast %swap3A_210 : vector<16xi32> to vector<16xi32>
    %swap3A_212 = vector.shape_cast %or3A_208 : vector<16xi32> to vector<16xi32>
    tpu.vector_store %arg10[%swap3A_209], %swap3A_212 {strides = array<i32>} : memref<128xi32, #tpu.memory_space<vmem>>, vector<16xi32>,
    %get3A_213 = arith.constant 64 : index
    %get3A_214 = tpu.vector_load %arg11[%get3A_213] {strides = array<i32>} : memref<128xi32, #tpu.memory_space<vmem>>, vector<16xi32>,
    %get3A_215 = vector.shape_cast %get3A_214 : vector<16xi32> to vector<16xi32>
    %and3A_216 = arith.constant -32768 : i32
    %and3A_217 = vector.broadcast %and3A_216 : i32 to vector<16xi32>
    %and3A_218 = arith.andi %get3A_215, %and3A_217 : vector<16xi32>
    %and3A_219 = arith.constant 16383 : i32
    %and3A_220 = vector.broadcast %and3A_219 : i32 to vector<16xi32>
    %and3A_221 = arith.andi %get3A_215, %and3A_220 : vector<16xi32>
    %shift_left3A_222 = arith.constant 1 : i32
    %shift_left3A_223 = vector.broadcast %shift_left3A_222 : i32 to vector<16xi32>
    %shift_left3A_224 = arith.shli %and3A_221, %shift_left3A_223 : vector<16xi32>
    %or3A_225 = arith.ori %and3A_218, %shift_left3A_224 : vector<16xi32>
    %shift_right_arithmetic3A_226 = arith.constant 14 : i32
    %shift_right_arithmetic3A_227 = vector.broadcast %shift_right_arithmetic3A_226 : i32 to vector<16xi32>
    %shift_right_arithmetic3A_228 = arith.shrsi %get3A_215, %shift_right_arithmetic3A_227 : vector<16xi32>
    %and3A_229 = arith.constant 1 : i32
    %and3A_230 = vector.broadcast %and3A_229 : i32 to vector<16xi32>
    %and3A_231 = arith.andi %shift_right_arithmetic3A_228, %and3A_230 : vector<16xi32>
    %or3A_232 = arith.ori %or3A_225, %and3A_231 : vector<16xi32>
    %swap3A_233 = arith.constant 64 : index
    %swap3A_234 = tpu.vector_load %arg11[%swap3A_233] {strides = array<i32>} : memref<128xi32, #tpu.memory_space<vmem>>, vector<16xi32>,
    %swap3A_235 = vector.shape_cast %swap3A_234 : vector<16xi32> to vector<16xi32>
    %swap3A_236 = vector.shape_cast %or3A_232 : vector<16xi32> to vector<16xi32>
    tpu.vector_store %arg11[%swap3A_233], %swap3A_236 {strides = array<i32>} : memref<128xi32, #tpu.memory_space<vmem>>, vector<16xi32>,
    %get3A_237 = arith.constant 80 : index
    %get3A_238 = tpu.vector_load %arg10[%get3A_237] {strides = array<i32>} : memref<128xi32, #tpu.memory_space<vmem>>, vector<16xi32>,
    %get3A_239 = vector.shape_cast %get3A_238 : vector<16xi32> to vector<16xi32>
    %and3A_240 = arith.constant -32768 : i32
    %and3A_241 = vector.broadcast %and3A_240 : i32 to vector<16xi32>
    %and3A_242 = arith.andi %get3A_239, %and3A_241 : vector<16xi32>
    %and3A_243 = arith.constant 16383 : i32
    %and3A_244 = vector.broadcast %and3A_243 : i32 to vector<16xi32>
    %and3A_245 = arith.andi %get3A_239, %and3A_244 : vector<16xi32>
    %shift_left3A_246 = arith.constant 1 : i32
    %shift_left3A_247 = vector.broadcast %shift_left3A_246 : i32 to vector<16xi32>
    %shift_left3A_248 = arith.shli %and3A_245, %shift_left3A_247 : vector<16xi32>
    %or3A_249 = arith.ori %and3A_242, %shift_left3A_248 : vector<16xi32>
    %shift_right_arithmetic3A_250 = arith.constant 14 : i32
    %shift_right_arithmetic3A_251 = vector.broadcast %shift_right_arithmetic3A_250 : i32 to vector<16xi32>
    %shift_right_arithmetic3A_252 = arith.shrsi %get3A_239, %shift_right_arithmetic3A_251 : vector<16xi32>
    %and3A_253 = arith.constant 1 : i32
    %and3A_254 = vector.broadcast %and3A_253 : i32 to vector<16xi32>
    %and3A_255 = arith.andi %shift_right_arithmetic3A_252, %and3A_254 : vector<16xi32>
    %or3A_256 = arith.ori %or3A_249, %and3A_255 : vector<16xi32>
    %swap3A_257 = arith.constant 80 : index
    %swap3A_258 = tpu.vector_load %arg10[%swap3A_257] {strides = array<i32>} : memref<128xi32, #tpu.memory_space<vmem>>, vector<16xi32>,
    %swap3A_259 = vector.shape_cast %swap3A_258 : vector<16xi32> to vector<16xi32>
    %swap3A_260 = vector.shape_cast %or3A_256 : vector<16xi32> to vector<16xi32>
    tpu.vector_store %arg10[%swap3A_257], %swap3A_260 {strides = array<i32>} : memref<128xi32, #tpu.memory_space<vmem>>, vector<16xi32>,
    %get3A_261 = arith.constant 80 : index
    %get3A_262 = tpu.vector_load %arg11[%get3A_261] {strides = array<i32>} : memref<128xi32, #tpu.memory_space<vmem>>, vector<16xi32>,
    %get3A_263 = vector.shape_cast %get3A_262 : vector<16xi32> to vector<16xi32>
    %and3A_264 = arith.constant -32768 : i32
    %and3A_265 = vector.broadcast %and3A_264 : i32 to vector<16xi32>
    %and3A_266 = arith.andi %get3A_263, %and3A_265 : vector<16xi32>
    %and3A_267 = arith.constant 16383 : i32
    %and3A_268 = vector.broadcast %and3A_267 : i32 to vector<16xi32>
    %and3A_269 = arith.andi %get3A_263, %and3A_268 : vector<16xi32>
    %shift_left3A_270 = arith.constant 1 : i32
    %shift_left3A_271 = vector.broadcast %shift_left3A_270 : i32 to vector<16xi32>
    %shift_left3A_272 = arith.shli %and3A_269, %shift_left3A_271 : vector<16xi32>
    %or3A_273 = arith.ori %and3A_266, %shift_left3A_272 : vector<16xi32>
    %shift_right_arithmetic3A_274 = arith.constant 14 : i32
    %shift_right_arithmetic3A_275 = vector.broadcast %shift_right_arithmetic3A_274 : i32 to vector<16xi32>
    %shift_right_arithmetic3A_276 = arith.shrsi %get3A_263, %shift_right_arithmetic3A_275 : vector<16xi32>
    %and3A_277 = arith.constant 1 : i32
    %and3A_278 = vector.broadcast %and3A_277 : i32 to vector<16xi32>
    %and3A_279 = arith.andi %shift_right_arithmetic3A_276, %and3A_278 : vector<16xi32>
    %or3A_280 = arith.ori %or3A_273, %and3A_279 : vector<16xi32>
    %swap3A_281 = arith.constant 80 : index
    %swap3A_282 = tpu.vector_load %arg11[%swap3A_281] {strides = array<i32>} : memref<128xi32, #tpu.memory_space<vmem>>, vector<16xi32>,
    %swap3A_283 = vector.shape_cast %swap3A_282 : vector<16xi32> to vector<16xi32>
    %swap3A_284 = vector.shape_cast %or3A_280 : vector<16xi32> to vector<16xi32>
    tpu.vector_store %arg11[%swap3A_281], %swap3A_284 {strides = array<i32>} : memref<128xi32, #tpu.memory_space<vmem>>, vector<16xi32>,
    %get3A_285 = arith.constant 96 : index
    %get3A_286 = tpu.vector_load %arg10[%get3A_285] {strides = array<i32>} : memref<128xi32, #tpu.memory_space<vmem>>, vector<16xi32>,
    %get3A_287 = vector.shape_cast %get3A_286 : vector<16xi32> to vector<16xi32>
    %and3A_288 = arith.constant -32768 : i32
    %and3A_289 = vector.broadcast %and3A_288 : i32 to vector<16xi32>
    %and3A_290 = arith.andi %get3A_287, %and3A_289 : vector<16xi32>
    %and3A_291 = arith.constant 16383 : i32
    %and3A_292 = vector.broadcast %and3A_291 : i32 to vector<16xi32>
    %and3A_293 = arith.andi %get3A_287, %and3A_292 : vector<16xi32>
    %shift_left3A_294 = arith.constant 1 : i32
    %shift_left3A_295 = vector.broadcast %shift_left3A_294 : i32 to vector<16xi32>
    %shift_left3A_296 = arith.shli %and3A_293, %shift_left3A_295 : vector<16xi32>
    %or3A_297 = arith.ori %and3A_290, %shift_left3A_296 : vector<16xi32>
    %shift_right_arithmetic3A_298 = arith.constant 14 : i32
    %shift_right_arithmetic3A_299 = vector.broadcast %shift_right_arithmetic3A_298 : i32 to vector<16xi32>
    %shift_right_arithmetic3A_300 = arith.shrsi %get3A_287, %shift_right_arithmetic3A_299 : vector<16xi32>
    %and3A_301 = arith.constant 1 : i32
    %and3A_302 = vector.broadcast %and3A_301 : i32 to vector<16xi32>
    %and3A_303 = arith.andi %shift_right_arithmetic3A_300, %and3A_302 : vector<16xi32>
    %or3A_304 = arith.ori %or3A_297, %and3A_303 : vector<16xi32>
    %swap3A_305 = arith.constant 96 : index
    %swap3A_306 = tpu.vector_load %arg10[%swap3A_305] {strides = array<i32>} : memref<128xi32, #tpu.memory_space<vmem>>, vector<16xi32>,
    %swap3A_307 = vector.shape_cast %swap3A_306 : vector<16xi32> to vector<16xi32>
    %swap3A_308 = vector.shape_cast %or3A_304 : vector<16xi32> to vector<16xi32>
    tpu.vector_store %arg10[%swap3A_305], %swap3A_308 {strides = array<i32>} : memref<128xi32, #tpu.memory_space<vmem>>, vector<16xi32>,
    %get3A_309 = arith.constant 96 : index
    %get3A_310 = tpu.vector_load %arg11[%get3A_309] {strides = array<i32>} : memref<128xi32, #tpu.memory_space<vmem>>, vector<16xi32>,
    %get3A_311 = vector.shape_cast %get3A_310 : vector<16xi32> to vector<16xi32>
    %and3A_312 = arith.constant -32768 : i32
    %and3A_313 = vector.broadcast %and3A_312 : i32 to vector<16xi32>
    %and3A_314 = arith.andi %get3A_311, %and3A_313 : vector<16xi32>
    %and3A_315 = arith.constant 16383 : i32
    %and3A_316 = vector.broadcast %and3A_315 : i32 to vector<16xi32>
    %and3A_317 = arith.andi %get3A_311, %and3A_316 : vector<16xi32>
    %shift_left3A_318 = arith.constant 1 : i32
    %shift_left3A_319 = vector.broadcast %shift_left3A_318 : i32 to vector<16xi32>
    %shift_left3A_320 = arith.shli %and3A_317, %shift_left3A_319 : vector<16xi32>
    %or3A_321 = arith.ori %and3A_314, %shift_left3A_320 : vector<16xi32>
    %shift_right_arithmetic3A_322 = arith.constant 14 : i32
    %shift_right_arithmetic3A_323 = vector.broadcast %shift_right_arithmetic3A_322 : i32 to vector<16xi32>
    %shift_right_arithmetic3A_324 = arith.shrsi %get3A_311, %shift_right_arithmetic3A_323 : vector<16xi32>
    %and3A_325 = arith.constant 1 : i32
    %and3A_326 = vector.broadcast %and3A_325 : i32 to vector<16xi32>
    %and3A_327 = arith.andi %shift_right_arithmetic3A_324, %and3A_326 : vector<16xi32>
    %or3A_328 = arith.ori %or3A_321, %and3A_327 : vector<16xi32>
    %swap3A_329 = arith.constant 96 : index
    %swap3A_330 = tpu.vector_load %arg11[%swap3A_329] {strides = array<i32>} : memref<128xi32, #tpu.memory_space<vmem>>, vector<16xi32>,
    %swap3A_331 = vector.shape_cast %swap3A_330 : vector<16xi32> to vector<16xi32>
    %swap3A_332 = vector.shape_cast %or3A_328 : vector<16xi32> to vector<16xi32>
    tpu.vector_store %arg11[%swap3A_329], %swap3A_332 {strides = array<i32>} : memref<128xi32, #tpu.memory_space<vmem>>, vector<16xi32>,
    %get3A_333 = arith.constant 112 : index
    %get3A_334 = tpu.vector_load %arg10[%get3A_333] {strides = array<i32>} : memref<128xi32, #tpu.memory_space<vmem>>, vector<16xi32>,
    %get3A_335 = vector.shape_cast %get3A_334 : vector<16xi32> to vector<16xi32>
    %and3A_336 = arith.constant -32768 : i32
    %and3A_337 = vector.broadcast %and3A_336 : i32 to vector<16xi32>
    %and3A_338 = arith.andi %get3A_335, %and3A_337 : vector<16xi32>
    %and3A_339 = arith.constant 16383 : i32
    %and3A_340 = vector.broadcast %and3A_339 : i32 to vector<16xi32>
    %and3A_341 = arith.andi %get3A_335, %and3A_340 : vector<16xi32>
    %shift_left3A_342 = arith.constant 1 : i32
    %shift_left3A_343 = vector.broadcast %shift_left3A_342 : i32 to vector<16xi32>
    %shift_left3A_344 = arith.shli %and3A_341, %shift_left3A_343 : vector<16xi32>
    %or3A_345 = arith.ori %and3A_338, %shift_left3A_344 : vector<16xi32>
    %shift_right_arithmetic3A_346 = arith.constant 14 : i32
    %shift_right_arithmetic3A_347 = vector.broadcast %shift_right_arithmetic3A_346 : i32 to vector<16xi32>
    %shift_right_arithmetic3A_348 = arith.shrsi %get3A_335, %shift_right_arithmetic3A_347 : vector<16xi32>
    %and3A_349 = arith.constant 1 : i32
    %and3A_350 = vector.broadcast %and3A_349 : i32 to vector<16xi32>
    %and3A_351 = arith.andi %shift_right_arithmetic3A_348, %and3A_350 : vector<16xi32>
    %or3A_352 = arith.ori %or3A_345, %and3A_351 : vector<16xi32>
    %swap3A_353 = arith.constant 112 : index
    %swap3A_354 = tpu.vector_load %arg10[%swap3A_353] {strides = array<i32>} : memref<128xi32, #tpu.memory_space<vmem>>, vector<16xi32>,
    %swap3A_355 = vector.shape_cast %swap3A_354 : vector<16xi32> to vector<16xi32>
    %swap3A_356 = vector.shape_cast %or3A_352 : vector<16xi32> to vector<16xi32>
    tpu.vector_store %arg10[%swap3A_353], %swap3A_356 {strides = array<i32>} : memref<128xi32, #tpu.memory_space<vmem>>, vector<16xi32>,
    %get3A_357 = arith.constant 112 : index
    %get3A_358 = tpu.vector_load %arg11[%get3A_357] {strides = array<i32>} : memref<128xi32, #tpu.memory_space<vmem>>, vector<16xi32>,
    %get3A_359 = vector.shape_cast %get3A_358 : vector<16xi32> to vector<16xi32>
    %and3A_360 = arith.constant -32768 : i32
    %and3A_361 = vector.broadcast %and3A_360 : i32 to vector<16xi32>
    %and3A_362 = arith.andi %get3A_359, %and3A_361 : vector<16xi32>
    %and3A_363 = arith.constant 16383 : i32
    %and3A_364 = vector.broadcast %and3A_363 : i32 to vector<16xi32>
    %and3A_365 = arith.andi %get3A_359, %and3A_364 : vector<16xi32>
    %shift_left3A_366 = arith.constant 1 : i32
    %shift_left3A_367 = vector.broadcast %shift_left3A_366 : i32 to vector<16xi32>
    %shift_left3A_368 = arith.shli %and3A_365, %shift_left3A_367 : vector<16xi32>
    %or3A_369 = arith.ori %and3A_362, %shift_left3A_368 : vector<16xi32>
    %shift_right_arithmetic3A_370 = arith.constant 14 : i32
    %shift_right_arithmetic3A_371 = vector.broadcast %shift_right_arithmetic3A_370 : i32 to vector<16xi32>
    %shift_right_arithmetic3A_372 = arith.shrsi %get3A_359, %shift_right_arithmetic3A_371 : vector<16xi32>
    %and3A_373 = arith.constant 1 : i32
    %and3A_374 = vector.broadcast %and3A_373 : i32 to vector<16xi32>
    %and3A_375 = arith.andi %shift_right_arithmetic3A_372, %and3A_374 : vector<16xi32>
    %or3A_376 = arith.ori %or3A_369, %and3A_375 : vector<16xi32>
    %swap3A_377 = arith.constant 112 : index
    %swap3A_378 = tpu.vector_load %arg11[%swap3A_377] {strides = array<i32>} : memref<128xi32, #tpu.memory_space<vmem>>, vector<16xi32>,
    %swap3A_379 = vector.shape_cast %swap3A_378 : vector<16xi32> to vector<16xi32>
    %swap3A_380 = vector.shape_cast %or3A_376 : vector<16xi32> to vector<16xi32>
    tpu.vector_store %arg11[%swap3A_377], %swap3A_380 {strides = array<i32>} : memref<128xi32, #tpu.memory_space<vmem>>, vector<16xi32>,
    %dma_start3A = arith.constant 0 : i32
    %dma_start3A_381 = arith.constant 0 : i32
    %dma_start3A_382 = tpu.memref_slice %arg4[%dma_start3A, %dma_start3A_381] : memref<131072x64xf32, #tpu.memory_space<hbm>> -> memref<131072x64xf32, #tpu.memory_space<hbm>>
    tpu.enqueue_indirect_dma source(%dma_start3A_382 : memref<131072x64xf32, #tpu.memory_space<hbm>>) target(%arg8 : memref<128x64xf32, #tpu.memory_space<vmem>>) offsets(%arg10 : memref<128xi32, #tpu.memory_space<vmem>>) semaphore(%arg12 : memref<!tpu.dma_semaphore, #tpu.memory_space<semaphore_mem>>)
    %dma_start3A_383 = arith.constant 0 : i32
    %dma_start3A_384 = arith.constant 0 : i32
    %dma_start3A_385 = tpu.memref_slice %arg5[%dma_start3A_383, %dma_start3A_384] : memref<32768x64xf32, #tpu.memory_space<hbm>> -> memref<32768x64xf32, #tpu.memory_space<hbm>>
    tpu.enqueue_indirect_dma source(%dma_start3A_385 : memref<32768x64xf32, #tpu.memory_space<hbm>>) target(%arg9 : memref<128x64xf32, #tpu.memory_space<vmem>>) offsets(%arg11 : memref<128xi32, #tpu.memory_space<vmem>>) semaphore(%arg13 : memref<!tpu.dma_semaphore, #tpu.memory_space<semaphore_mem>>)
    %dma_wait3A = arith.constant 0 : i32
    %dma_wait3A_386 = arith.constant 0 : i32
    %dma_wait3A_387 = tpu.memref_slice %arg4[%dma_wait3A, %dma_wait3A_386] : memref<131072x64xf32, #tpu.memory_space<hbm>> -> memref<131072x64xf32, #tpu.memory_space<hbm>>
    tpu.wait_indirect_dma semaphore(%arg12 : memref<!tpu.dma_semaphore, #tpu.memory_space<semaphore_mem>>) src(%dma_wait3A_387 : memref<131072x64xf32, #tpu.memory_space<hbm>>) dst(%arg8 : memref<128x64xf32, #tpu.memory_space<vmem>>)
    "tpu.region"() ({
      %run_scoped3A = tpu.sem_alloc : memref<!tpu.dma_semaphore, #tpu.memory_space<semaphore_mem>>
      %dma_start3A_391 = arith.constant 0 : i32
      %dma_start3A_392 = tpu.memref_slice %arg6[%mul3A_2, %dma_start3A_391] : memref<4096x64xf32, #tpu.memory_space<hbm>> -> memref<128x64xf32, #tpu.memory_space<hbm>>
      %dma_start3A_393 = arith.constant 0 : i32
      %dma_start3A_394 = tpu.memref_slice %arg6[%mul3A_2, %dma_start3A_393] : memref<4096x64xf32, #tpu.memory_space<hbm>> -> memref<128x64xf32, #tpu.memory_space<hbm>>
      tpu.enqueue_dma source(%arg8 : memref<128x64xf32, #tpu.memory_space<vmem>>) target(%dma_start3A_394 : memref<128x64xf32, #tpu.memory_space<hbm>>) target_semaphore(%run_scoped3A : memref<!tpu.dma_semaphore, #tpu.memory_space<semaphore_mem>>)
      %dma_wait3A_395 = arith.constant 0 : i32
      %dma_wait3A_396 = tpu.memref_slice %arg6[%mul3A_2, %dma_wait3A_395] : memref<4096x64xf32, #tpu.memory_space<hbm>> -> memref<128x64xf32, #tpu.memory_space<hbm>>
      %dma_wait3A_397 = arith.constant 0 : i32
      %dma_wait3A_398 = tpu.memref_slice %arg6[%mul3A_2, %dma_wait3A_397] : memref<4096x64xf32, #tpu.memory_space<hbm>> -> memref<128x64xf32, #tpu.memory_space<hbm>>
      tpu.wait_dma2 semaphore(%run_scoped3A : memref<!tpu.dma_semaphore, #tpu.memory_space<semaphore_mem>>) src(%arg8 : memref<128x64xf32, #tpu.memory_space<vmem>>) dst(%dma_wait3A_398 : memref<128x64xf32, #tpu.memory_space<hbm>>)
      tpu.yield
    }) : () -> ()
    %dma_wait3A_388 = arith.constant 0 : i32
    %dma_wait3A_389 = arith.constant 0 : i32
    %dma_wait3A_390 = tpu.memref_slice %arg5[%dma_wait3A_388, %dma_wait3A_389] : memref<32768x64xf32, #tpu.memory_space<hbm>> -> memref<32768x64xf32, #tpu.memory_space<hbm>>
    tpu.wait_indirect_dma semaphore(%arg13 : memref<!tpu.dma_semaphore, #tpu.memory_space<semaphore_mem>>) src(%dma_wait3A_390 : memref<32768x64xf32, #tpu.memory_space<hbm>>) dst(%arg9 : memref<128x64xf32, #tpu.memory_space<vmem>>)
    "tpu.region"() ({
      %run_scoped3A = tpu.sem_alloc : memref<!tpu.dma_semaphore, #tpu.memory_space<semaphore_mem>>
      %dma_start3A_391 = arith.constant 0 : i32
      %dma_start3A_392 = tpu.memref_slice %arg7[%mul3A_2, %dma_start3A_391] : memref<4096x64xf32, #tpu.memory_space<hbm>> -> memref<128x64xf32, #tpu.memory_space<hbm>>
      %dma_start3A_393 = arith.constant 0 : i32
      %dma_start3A_394 = tpu.memref_slice %arg7[%mul3A_2, %dma_start3A_393] : memref<4096x64xf32, #tpu.memory_space<hbm>> -> memref<128x64xf32, #tpu.memory_space<hbm>>
      tpu.enqueue_dma source(%arg9 : memref<128x64xf32, #tpu.memory_space<vmem>>) target(%dma_start3A_394 : memref<128x64xf32, #tpu.memory_space<hbm>>) target_semaphore(%run_scoped3A : memref<!tpu.dma_semaphore, #tpu.memory_space<semaphore_mem>>)
      %dma_wait3A_395 = arith.constant 0 : i32
      %dma_wait3A_396 = tpu.memref_slice %arg7[%mul3A_2, %dma_wait3A_395] : memref<4096x64xf32, #tpu.memory_space<hbm>> -> memref<128x64xf32, #tpu.memory_space<hbm>>
      %dma_wait3A_397 = arith.constant 0 : i32
      %dma_wait3A_398 = tpu.memref_slice %arg7[%mul3A_2, %dma_wait3A_397] : memref<4096x64xf32, #tpu.memory_space<hbm>> -> memref<128x64xf32, #tpu.memory_space<hbm>>
      tpu.wait_dma2 semaphore(%run_scoped3A : memref<!tpu.dma_semaphore, #tpu.memory_space<semaphore_mem>>) src(%arg9 : memref<128x64xf32, #tpu.memory_space<vmem>>) dst(%dma_wait3A_398 : memref<128x64xf32, #tpu.memory_space<hbm>>)
      tpu.yield
    }) : () -> ()
    return
  }
}

module attributes {stable_mosaic.version = 14 : i64} {
  func.func @_detile_body(%arg0: i32, %arg1: memref<64x16384xf32, #tpu.memory_space<vmem>>, %arg2: memref<64x16384xf32, #tpu.memory_space<vmem>>, %arg3: memref<16384x128xf32, #tpu.memory_space<vmem>>) attributes {dimension_semantics = [#tpu.dimension_semantics<arbitrary>], iteration_bounds = array<i64: 1>, scalar_prefetch = 0 : i64, scratch_operands = 0 : i64, tpu.core_type = #tpu.core_type<tc>, window_params = [{transform_indices = @transform_0, window_bounds = array<i64: 64, 16384>}, {transform_indices = @transform_1, window_bounds = array<i64: 64, 16384>}, {transform_indices = @transform_2, window_bounds = array<i64: 16384, 128>}]} {
    %get3A = arith.constant 0 : index
    %get3A_0 = arith.constant 0 : index
    %get3A_1 = vector.load %arg1[%get3A, %get3A_0] : memref<64x16384xf32, #tpu.memory_space<vmem>>, vector<64x16384xf32>
    %get3A_2 = arith.constant 0 : index
    %get3A_3 = arith.constant 0 : index
    %get3A_4 = vector.load %arg2[%get3A_2, %get3A_3] : memref<64x16384xf32, #tpu.memory_space<vmem>>, vector<64x16384xf32>
    %concatenate3A = tpu.concatenate %get3A_1, %get3A_4 in 0 : vector<64x16384xf32>, vector<64x16384xf32> -> vector<128x16384xf32>
    %transpose3A = tpu.transpose %concatenate3A, [1, 0] : vector<128x16384xf32> -> vector<16384x128xf32>
    %swap3A = arith.constant 0 : index
    %swap3A_5 = arith.constant 0 : index
    %swap3A_6 = vector.load %arg3[%swap3A, %swap3A_5] : memref<16384x128xf32, #tpu.memory_space<vmem>>, vector<16384x128xf32>
    tpu.vector_store %arg3[%swap3A, %swap3A_5], %transpose3A {strides = array<i32>} : memref<16384x128xf32, #tpu.memory_space<vmem>>, vector<16384x128xf32>,
    return
  }
  func.func @transform_0(%arg0: i32) -> (i32, i32) {
    %mul3A = arith.constant 2 : i32
    %mul3A_0 = arith.muli %mul3A, %arg0 : i32
    %min3A = arith.constant 0 : i32
    %min3A_1 = arith.minsi %mul3A_0, %min3A : i32
    %c0_i32 = arith.constant 0 : i32
    %c0_i32_2 = arith.constant 0 : i32
    return %c0_i32, %min3A_1 : i32, i32
  }
  func.func @transform_1(%arg0: i32) -> (i32, i32) {
    %mul3A = arith.constant 2 : i32
    %mul3A_0 = arith.muli %mul3A, %arg0 : i32
    %add3A = arith.constant 1 : i32
    %add3A_1 = arith.addi %mul3A_0, %add3A : i32
    %min3A = arith.constant 0 : i32
    %min3A_2 = arith.minsi %add3A_1, %min3A : i32
    %c0_i32 = arith.constant 0 : i32
    %c0_i32_3 = arith.constant 0 : i32
    return %c0_i32, %min3A_2 : i32, i32
  }
  func.func @transform_2(%arg0: i32) -> (i32, i32) {
    %c0_i32 = arith.constant 0 : i32
    %c0_i32_0 = arith.constant 0 : i32
    return %arg0, %c0_i32 : i32, i32
  }
}

module attributes {stable_mosaic.version = 14 : i64} {
  func.func @_detile_body(%arg0: i32, %arg1: memref<64x16384xf32, #tpu.memory_space<vmem>>, %arg2: memref<64x16384xf32, #tpu.memory_space<vmem>>, %arg3: memref<16384x128xf32, #tpu.memory_space<vmem>>) attributes {dimension_semantics = [#tpu.dimension_semantics<arbitrary>], iteration_bounds = array<i64: 31>, scalar_prefetch = 0 : i64, scratch_operands = 0 : i64, tpu.core_type = #tpu.core_type<tc>, window_params = [{transform_indices = @transform_0, window_bounds = array<i64: 64, 16384>}, {transform_indices = @transform_1, window_bounds = array<i64: 64, 16384>}, {transform_indices = @transform_2, window_bounds = array<i64: 16384, 128>}]} {
    %get3A = arith.constant 0 : index
    %get3A_0 = arith.constant 0 : index
    %get3A_1 = vector.load %arg1[%get3A, %get3A_0] : memref<64x16384xf32, #tpu.memory_space<vmem>>, vector<64x16384xf32>
    %get3A_2 = arith.constant 0 : index
    %get3A_3 = arith.constant 0 : index
    %get3A_4 = vector.load %arg2[%get3A_2, %get3A_3] : memref<64x16384xf32, #tpu.memory_space<vmem>>, vector<64x16384xf32>
    %concatenate3A = tpu.concatenate %get3A_1, %get3A_4 in 0 : vector<64x16384xf32>, vector<64x16384xf32> -> vector<128x16384xf32>
    %transpose3A = tpu.transpose %concatenate3A, [1, 0] : vector<128x16384xf32> -> vector<16384x128xf32>
    %swap3A = arith.constant 0 : index
    %swap3A_5 = arith.constant 0 : index
    %swap3A_6 = vector.load %arg3[%swap3A, %swap3A_5] : memref<16384x128xf32, #tpu.memory_space<vmem>>, vector<16384x128xf32>
    tpu.vector_store %arg3[%swap3A, %swap3A_5], %transpose3A {strides = array<i32>} : memref<16384x128xf32, #tpu.memory_space<vmem>>, vector<16384x128xf32>,
    return
  }
  func.func @transform_0(%arg0: i32) -> (i32, i32) {
    %mul3A = arith.constant 2 : i32
    %mul3A_0 = arith.muli %mul3A, %arg0 : i32
    %min3A = arith.constant 61 : i32
    %min3A_1 = arith.minsi %mul3A_0, %min3A : i32
    %c0_i32 = arith.constant 0 : i32
    %c0_i32_2 = arith.constant 0 : i32
    return %c0_i32, %min3A_1 : i32, i32
  }
  func.func @transform_1(%arg0: i32) -> (i32, i32) {
    %mul3A = arith.constant 2 : i32
    %mul3A_0 = arith.muli %mul3A, %arg0 : i32
    %add3A = arith.constant 1 : i32
    %add3A_1 = arith.addi %mul3A_0, %add3A : i32
    %min3A = arith.constant 61 : i32
    %min3A_2 = arith.minsi %add3A_1, %min3A : i32
    %c0_i32 = arith.constant 0 : i32
    %c0_i32_3 = arith.constant 0 : i32
    return %c0_i32, %min3A_2 : i32, i32
  }
  func.func @transform_2(%arg0: i32) -> (i32, i32) {
    %c0_i32 = arith.constant 0 : i32
    %c0_i32_0 = arith.constant 0 : i32
    return %arg0, %c0_i32 : i32, i32
  }
}

module attributes {stable_mosaic.version = 14 : i64} {
  func.func @_detile_body(%arg0: i32, %arg1: memref<64x16384xf32, #tpu.memory_space<vmem>>, %arg2: memref<64x16384xf32, #tpu.memory_space<vmem>>, %arg3: memref<16384x128xf32, #tpu.memory_space<vmem>>) attributes {dimension_semantics = [#tpu.dimension_semantics<arbitrary>], iteration_bounds = array<i64: 4>, scalar_prefetch = 0 : i64, scratch_operands = 0 : i64, tpu.core_type = #tpu.core_type<tc>, window_params = [{transform_indices = @transform_0, window_bounds = array<i64: 64, 16384>}, {transform_indices = @transform_1, window_bounds = array<i64: 64, 16384>}, {transform_indices = @transform_2, window_bounds = array<i64: 16384, 128>}]} {
    %get3A = arith.constant 0 : index
    %get3A_0 = arith.constant 0 : index
    %get3A_1 = vector.load %arg1[%get3A, %get3A_0] : memref<64x16384xf32, #tpu.memory_space<vmem>>, vector<64x16384xf32>
    %get3A_2 = arith.constant 0 : index
    %get3A_3 = arith.constant 0 : index
    %get3A_4 = vector.load %arg2[%get3A_2, %get3A_3] : memref<64x16384xf32, #tpu.memory_space<vmem>>, vector<64x16384xf32>
    %concatenate3A = tpu.concatenate %get3A_1, %get3A_4 in 0 : vector<64x16384xf32>, vector<64x16384xf32> -> vector<128x16384xf32>
    %transpose3A = tpu.transpose %concatenate3A, [1, 0] : vector<128x16384xf32> -> vector<16384x128xf32>
    %swap3A = arith.constant 0 : index
    %swap3A_5 = arith.constant 0 : index
    %swap3A_6 = vector.load %arg3[%swap3A, %swap3A_5] : memref<16384x128xf32, #tpu.memory_space<vmem>>, vector<16384x128xf32>
    tpu.vector_store %arg3[%swap3A, %swap3A_5], %transpose3A {strides = array<i32>} : memref<16384x128xf32, #tpu.memory_space<vmem>>, vector<16384x128xf32>,
    return
  }
  func.func @transform_0(%arg0: i32) -> (i32, i32) {
    %mul3A = arith.constant 2 : i32
    %mul3A_0 = arith.muli %mul3A, %arg0 : i32
    %min3A = arith.constant 6 : i32
    %min3A_1 = arith.minsi %mul3A_0, %min3A : i32
    %c0_i32 = arith.constant 0 : i32
    %c0_i32_2 = arith.constant 0 : i32
    return %c0_i32, %min3A_1 : i32, i32
  }
  func.func @transform_1(%arg0: i32) -> (i32, i32) {
    %mul3A = arith.constant 2 : i32
    %mul3A_0 = arith.muli %mul3A, %arg0 : i32
    %add3A = arith.constant 1 : i32
    %add3A_1 = arith.addi %mul3A_0, %add3A : i32
    %min3A = arith.constant 6 : i32
    %min3A_2 = arith.minsi %add3A_1, %min3A : i32
    %c0_i32 = arith.constant 0 : i32
    %c0_i32_3 = arith.constant 0 : i32
    return %c0_i32, %min3A_2 : i32, i32
  }
  func.func @transform_2(%arg0: i32) -> (i32, i32) {
    %c0_i32 = arith.constant 0 : i32
    %c0_i32_0 = arith.constant 0 : i32
    return %arg0, %c0_i32 : i32, i32
  }
}

module attributes {stable_mosaic.version = 14 : i64} {
  func.func @_mlp_body(%arg0: memref<4096x64xf32, #tpu.memory_space<vmem>>, %arg1: memref<4096x64xf32, #tpu.memory_space<vmem>>, %arg2: memref<4096x64xf32, #tpu.memory_space<vmem>>, %arg3: memref<4096x64xf32, #tpu.memory_space<vmem>>, %arg4: memref<256x80xf32, #tpu.memory_space<vmem>>, %arg5: memref<1x80xf32, #tpu.memory_space<vmem>>, %arg6: memref<1x80xf32, #tpu.memory_space<vmem>>, %arg7: memref<80x40xf32, #tpu.memory_space<vmem>>, %arg8: memref<1x40xf32, #tpu.memory_space<vmem>>, %arg9: memref<1x40xf32, #tpu.memory_space<vmem>>, %arg10: memref<40x2xf32, #tpu.memory_space<vmem>>, %arg11: memref<1x2xf32, #tpu.memory_space<vmem>>, %arg12: memref<4096x2xf32, #tpu.memory_space<vmem>>) attributes {dimension_semantics = [], scalar_prefetch = 0 : i64, scratch_operands = 0 : i64, tpu.core_type = #tpu.core_type<tc>} {
    %get3A = arith.constant 0 : index
    %get3A_0 = arith.constant 0 : index
    %get3A_1 = vector.load %arg0[%get3A, %get3A_0] : memref<4096x64xf32, #tpu.memory_space<vmem>>, vector<4096x64xf32>
    %get3A_2 = arith.constant 0 : index
    %get3A_3 = arith.constant 0 : index
    %get3A_4 = vector.load %arg4[%get3A_2, %get3A_3] : memref<256x80xf32, #tpu.memory_space<vmem>>, vector<64x80xf32>
    %dot_general3A = arith.constant dense<0.000000e+00> : vector<4096x80xf32>
    %dot_general3A_5 = tpu.matmul %get3A_1, %get3A_4, %dot_general3A {dimension_numbers = #tpu.dot_dimension_numbers<[1], [0], [0], [1], [0, 0, 1, 1], [], []>, transpose_lhs_hint = false} : vector<4096x64xf32>, vector<64x80xf32>, vector<4096x80xf32> -> vector<4096x80xf32>
    %get3A_6 = arith.constant 0 : index
    %get3A_7 = arith.constant 0 : index
    %get3A_8 = vector.load %arg1[%get3A_6, %get3A_7] : memref<4096x64xf32, #tpu.memory_space<vmem>>, vector<4096x64xf32>
    %get3A_9 = arith.constant 64 : index
    %get3A_10 = arith.constant 0 : index
    %get3A_11 = vector.load %arg4[%get3A_9, %get3A_10] : memref<256x80xf32, #tpu.memory_space<vmem>>, vector<64x80xf32>
    %dot_general3A_12 = arith.constant dense<0.000000e+00> : vector<4096x80xf32>
    %dot_general3A_13 = tpu.matmul %get3A_8, %get3A_11, %dot_general3A_12 {dimension_numbers = #tpu.dot_dimension_numbers<[1], [0], [0], [1], [0, 0, 1, 1], [], []>, transpose_lhs_hint = false} : vector<4096x64xf32>, vector<64x80xf32>, vector<4096x80xf32> -> vector<4096x80xf32>
    %add3A = arith.addf %dot_general3A_5, %dot_general3A_13 : vector<4096x80xf32>
    %get3A_14 = arith.constant 0 : index
    %get3A_15 = arith.constant 0 : index
    %get3A_16 = vector.load %arg2[%get3A_14, %get3A_15] : memref<4096x64xf32, #tpu.memory_space<vmem>>, vector<4096x64xf32>
    %get3A_17 = arith.constant 128 : index
    %get3A_18 = arith.constant 0 : index
    %get3A_19 = vector.load %arg4[%get3A_17, %get3A_18] : memref<256x80xf32, #tpu.memory_space<vmem>>, vector<64x80xf32>
    %dot_general3A_20 = arith.constant dense<0.000000e+00> : vector<4096x80xf32>
    %dot_general3A_21 = tpu.matmul %get3A_16, %get3A_19, %dot_general3A_20 {dimension_numbers = #tpu.dot_dimension_numbers<[1], [0], [0], [1], [0, 0, 1, 1], [], []>, transpose_lhs_hint = false} : vector<4096x64xf32>, vector<64x80xf32>, vector<4096x80xf32> -> vector<4096x80xf32>
    %add3A_22 = arith.addf %add3A, %dot_general3A_21 : vector<4096x80xf32>
    %get3A_23 = arith.constant 0 : index
    %get3A_24 = arith.constant 0 : index
    %get3A_25 = vector.load %arg3[%get3A_23, %get3A_24] : memref<4096x64xf32, #tpu.memory_space<vmem>>, vector<4096x64xf32>
    %get3A_26 = arith.constant 192 : index
    %get3A_27 = arith.constant 0 : index
    %get3A_28 = vector.load %arg4[%get3A_26, %get3A_27] : memref<256x80xf32, #tpu.memory_space<vmem>>, vector<64x80xf32>
    %dot_general3A_29 = arith.constant dense<0.000000e+00> : vector<4096x80xf32>
    %dot_general3A_30 = tpu.matmul %get3A_25, %get3A_28, %dot_general3A_29 {dimension_numbers = #tpu.dot_dimension_numbers<[1], [0], [0], [1], [0, 0, 1, 1], [], []>, transpose_lhs_hint = false} : vector<4096x64xf32>, vector<64x80xf32>, vector<4096x80xf32> -> vector<4096x80xf32>
    %add3A_31 = arith.addf %add3A_22, %dot_general3A_30 : vector<4096x80xf32>
    %get3A_32 = arith.constant 0 : index
    %get3A_33 = arith.constant 0 : index
    %get3A_34 = vector.load %arg5[%get3A_32, %get3A_33] : memref<1x80xf32, #tpu.memory_space<vmem>>, vector<1x80xf32>
    %add3A_35 = vector.broadcast %get3A_34 : vector<1x80xf32> to vector<4096x80xf32>
    %add3A_36 = arith.addf %add3A_31, %add3A_35 : vector<4096x80xf32>
    %get3A_37 = arith.constant 0 : index
    %get3A_38 = arith.constant 0 : index
    %get3A_39 = vector.load %arg6[%get3A_37, %get3A_38] : memref<1x80xf32, #tpu.memory_space<vmem>>, vector<1x80xf32>
    %reduce_sum3A = arith.constant dense<0.000000e+00> : vector<80xf32>
    %reduce_sum3A_40 = vector.multi_reduction <add>, %add3A_36, %reduce_sum3A [0] : vector<4096x80xf32> to vector<80xf32>
    %broadcast_in_dim3A = vector.shape_cast %reduce_sum3A_40 : vector<80xf32> to vector<1x80xf32>
    %div3A = arith.constant 4.096000e+03 : f32
    %div3A_41 = vector.broadcast %div3A : f32 to vector<1x80xf32>
    %div3A_42 = arith.divf %broadcast_in_dim3A, %div3A_41 : vector<1x80xf32>
    %sub3A = vector.broadcast %div3A_42 : vector<1x80xf32> to vector<4096x80xf32>
    %sub3A_43 = arith.subf %add3A_36, %sub3A : vector<4096x80xf32>
    %integer_pow3A = arith.mulf %sub3A_43, %sub3A_43 : vector<4096x80xf32>
    %reduce_sum3A_44 = arith.constant dense<0.000000e+00> : vector<80xf32>
    %reduce_sum3A_45 = vector.multi_reduction <add>, %integer_pow3A, %reduce_sum3A_44 [0] : vector<4096x80xf32> to vector<80xf32>
    %broadcast_in_dim3A_46 = vector.shape_cast %reduce_sum3A_45 : vector<80xf32> to vector<1x80xf32>
    %div3A_47 = arith.constant 4.096000e+03 : f32
    %div3A_48 = vector.broadcast %div3A_47 : f32 to vector<1x80xf32>
    %div3A_49 = arith.divf %broadcast_in_dim3A_46, %div3A_48 : vector<1x80xf32>
    %sub3A_50 = vector.broadcast %div3A_42 : vector<1x80xf32> to vector<4096x80xf32>
    %sub3A_51 = arith.subf %add3A_36, %sub3A_50 : vector<4096x80xf32>
    %add3A_52 = arith.constant 9.99999993E-9 : f32
    %add3A_53 = vector.broadcast %add3A_52 : f32 to vector<1x80xf32>
    %add3A_54 = arith.addf %div3A_49, %add3A_53 : vector<1x80xf32>
    %sqrt3A = math.sqrt %add3A_54 : vector<1x80xf32>
    %div3A_55 = vector.broadcast %sqrt3A : vector<1x80xf32> to vector<4096x80xf32>
    %div3A_56 = arith.divf %sub3A_51, %div3A_55 : vector<4096x80xf32>
    %logistic3A = arith.negf %div3A_56 : vector<4096x80xf32>
    %logistic3A_57 = math.exp %logistic3A : vector<4096x80xf32>
    %logistic3A_58 = arith.constant 1.000000e+00 : f32
    %logistic3A_59 = vector.broadcast %logistic3A_58 : f32 to vector<4096x80xf32>
    %logistic3A_60 = arith.addf %logistic3A_59, %logistic3A_57 : vector<4096x80xf32>
    %logistic3A_61 = arith.divf %logistic3A_59, %logistic3A_60 : vector<4096x80xf32>
    %mul3A = arith.mulf %logistic3A_61, %add3A_36 : vector<4096x80xf32>
    %sub3A_62 = arith.constant 1.000000e+00 : f32
    %sub3A_63 = vector.broadcast %sub3A_62 : f32 to vector<4096x80xf32>
    %sub3A_64 = arith.subf %sub3A_63, %logistic3A_61 : vector<4096x80xf32>
    %mul3A_65 = vector.broadcast %get3A_39 : vector<1x80xf32> to vector<4096x80xf32>
    %mul3A_66 = arith.mulf %sub3A_64, %mul3A_65 : vector<4096x80xf32>
    %mul3A_67 = arith.mulf %mul3A_66, %add3A_36 : vector<4096x80xf32>
    %add3A_68 = arith.addf %mul3A, %mul3A_67 : vector<4096x80xf32>
    %get3A_69 = arith.constant 0 : index
    %get3A_70 = arith.constant 0 : index
    %get3A_71 = vector.load %arg7[%get3A_69, %get3A_70] : memref<80x40xf32, #tpu.memory_space<vmem>>, vector<80x40xf32>
    %dot_general3A_72 = arith.constant dense<0.000000e+00> : vector<4096x40xf32>
    %dot_general3A_73 = tpu.matmul %add3A_68, %get3A_71, %dot_general3A_72 {dimension_numbers = #tpu.dot_dimension_numbers<[1], [0], [0], [1], [0, 0, 1, 1], [], []>, transpose_lhs_hint = false} : vector<4096x80xf32>, vector<80x40xf32>, vector<4096x40xf32> -> vector<4096x40xf32>
    %get3A_74 = arith.constant 0 : index
    %get3A_75 = arith.constant 0 : index
    %get3A_76 = vector.load %arg8[%get3A_74, %get3A_75] : memref<1x40xf32, #tpu.memory_space<vmem>>, vector<1x40xf32>
    %add3A_77 = vector.broadcast %get3A_76 : vector<1x40xf32> to vector<4096x40xf32>
    %add3A_78 = arith.addf %dot_general3A_73, %add3A_77 : vector<4096x40xf32>
    %get3A_79 = arith.constant 0 : index
    %get3A_80 = arith.constant 0 : index
    %get3A_81 = vector.load %arg9[%get3A_79, %get3A_80] : memref<1x40xf32, #tpu.memory_space<vmem>>, vector<1x40xf32>
    %reduce_sum3A_82 = arith.constant dense<0.000000e+00> : vector<40xf32>
    %reduce_sum3A_83 = vector.multi_reduction <add>, %add3A_78, %reduce_sum3A_82 [0] : vector<4096x40xf32> to vector<40xf32>
    %broadcast_in_dim3A_84 = vector.shape_cast %reduce_sum3A_83 : vector<40xf32> to vector<1x40xf32>
    %div3A_85 = arith.constant 4.096000e+03 : f32
    %div3A_86 = vector.broadcast %div3A_85 : f32 to vector<1x40xf32>
    %div3A_87 = arith.divf %broadcast_in_dim3A_84, %div3A_86 : vector<1x40xf32>
    %sub3A_88 = vector.broadcast %div3A_87 : vector<1x40xf32> to vector<4096x40xf32>
    %sub3A_89 = arith.subf %add3A_78, %sub3A_88 : vector<4096x40xf32>
    %integer_pow3A_90 = arith.mulf %sub3A_89, %sub3A_89 : vector<4096x40xf32>
    %reduce_sum3A_91 = arith.constant dense<0.000000e+00> : vector<40xf32>
    %reduce_sum3A_92 = vector.multi_reduction <add>, %integer_pow3A_90, %reduce_sum3A_91 [0] : vector<4096x40xf32> to vector<40xf32>
    %broadcast_in_dim3A_93 = vector.shape_cast %reduce_sum3A_92 : vector<40xf32> to vector<1x40xf32>
    %div3A_94 = arith.constant 4.096000e+03 : f32
    %div3A_95 = vector.broadcast %div3A_94 : f32 to vector<1x40xf32>
    %div3A_96 = arith.divf %broadcast_in_dim3A_93, %div3A_95 : vector<1x40xf32>
    %sub3A_97 = vector.broadcast %div3A_87 : vector<1x40xf32> to vector<4096x40xf32>
    %sub3A_98 = arith.subf %add3A_78, %sub3A_97 : vector<4096x40xf32>
    %add3A_99 = arith.constant 9.99999993E-9 : f32
    %add3A_100 = vector.broadcast %add3A_99 : f32 to vector<1x40xf32>
    %add3A_101 = arith.addf %div3A_96, %add3A_100 : vector<1x40xf32>
    %sqrt3A_102 = math.sqrt %add3A_101 : vector<1x40xf32>
    %div3A_103 = vector.broadcast %sqrt3A_102 : vector<1x40xf32> to vector<4096x40xf32>
    %div3A_104 = arith.divf %sub3A_98, %div3A_103 : vector<4096x40xf32>
    %logistic3A_105 = arith.negf %div3A_104 : vector<4096x40xf32>
    %logistic3A_106 = math.exp %logistic3A_105 : vector<4096x40xf32>
    %logistic3A_107 = arith.constant 1.000000e+00 : f32
    %logistic3A_108 = vector.broadcast %logistic3A_107 : f32 to vector<4096x40xf32>
    %logistic3A_109 = arith.addf %logistic3A_108, %logistic3A_106 : vector<4096x40xf32>
    %logistic3A_110 = arith.divf %logistic3A_108, %logistic3A_109 : vector<4096x40xf32>
    %mul3A_111 = arith.mulf %logistic3A_110, %add3A_78 : vector<4096x40xf32>
    %sub3A_112 = arith.constant 1.000000e+00 : f32
    %sub3A_113 = vector.broadcast %sub3A_112 : f32 to vector<4096x40xf32>
    %sub3A_114 = arith.subf %sub3A_113, %logistic3A_110 : vector<4096x40xf32>
    %mul3A_115 = vector.broadcast %get3A_81 : vector<1x40xf32> to vector<4096x40xf32>
    %mul3A_116 = arith.mulf %sub3A_114, %mul3A_115 : vector<4096x40xf32>
    %mul3A_117 = arith.mulf %mul3A_116, %add3A_78 : vector<4096x40xf32>
    %add3A_118 = arith.addf %mul3A_111, %mul3A_117 : vector<4096x40xf32>
    %get3A_119 = arith.constant 0 : index
    %get3A_120 = arith.constant 0 : index
    %get3A_121 = vector.load %arg10[%get3A_119, %get3A_120] : memref<40x2xf32, #tpu.memory_space<vmem>>, vector<40x2xf32>
    %dot_general3A_122 = arith.constant dense<0.000000e+00> : vector<4096x2xf32>
    %dot_general3A_123 = tpu.matmul %add3A_118, %get3A_121, %dot_general3A_122 {dimension_numbers = #tpu.dot_dimension_numbers<[1], [0], [0], [1], [0, 0, 1, 1], [], []>, transpose_lhs_hint = false} : vector<4096x40xf32>, vector<40x2xf32>, vector<4096x2xf32> -> vector<4096x2xf32>
    %get3A_124 = arith.constant 0 : index
    %get3A_125 = arith.constant 0 : index
    %get3A_126 = vector.load %arg11[%get3A_124, %get3A_125] : memref<1x2xf32, #tpu.memory_space<vmem>>, vector<1x2xf32>
    %add3A_127 = vector.broadcast %get3A_126 : vector<1x2xf32> to vector<4096x2xf32>
    %add3A_128 = arith.addf %dot_general3A_123, %add3A_127 : vector<4096x2xf32>
    %swap3A = arith.constant 0 : index
    %swap3A_129 = arith.constant 0 : index
    %swap3A_130 = vector.load %arg12[%swap3A, %swap3A_129] : memref<4096x2xf32, #tpu.memory_space<vmem>>, vector<4096x2xf32>
    tpu.vector_store %arg12[%swap3A, %swap3A_129], %add3A_128 {strides = array<i32>} : memref<4096x2xf32, #tpu.memory_space<vmem>>, vector<4096x2xf32>,
    return
  }
}

</mosaic_0001>

<sc_bundles>
// kernel: kernel.11.cloned.1.call-start
scs
__scs_entry_jumppad:
0x0: {  	(pc) =	sbr.rel $0x88, $3  }
0x1: {  	(tag) =	ssettag $0x0;
	lr =	simm.s32 $0x1  }
0x2: {  	[smem:$0x3F92] =	sst lr;
	_ =	strace $0xD0000000  }
0x3: {  	_ = 	snop  }
0x4: {  	_ = 	snop  }
0x5: {  	_ = 	snop  }
0x6: {  	_ = 	snop  }
0x7: {  	_ = 	snop  }
__scs_overlays_trampoline_lowered:
0x8: {  	[smem:$0x3FA1] =	sst s0  }
0x9: {  	[smem:$0x3FA2] =	sst s1  }
0xa: {  	[smem:$0x3FA3] =	sst s2  }
0xb: {  	[smem:$0x3FA4] =	sst s3  }
0xc: {  	[smem:$0x3FA5] =	sst s4  }
0xd: {  	[smem:$0x3FA6] =	sst s5  }
0xe: {  	[smem:$0x3FA7] =	sst s6  }
0xf: {  	[smem:$0x3FA8] =	sst s7  }
0x10: {  	[smem:$0x3FA9] =	sst s8  }
0x11: {  	[smem:$0x3FAA] =	sst s9;
	s0 =	simm.s32 @!p0 $0x0  }
0x12: {  	s1 =	sld [smem:$0x3F90];
	s0 =	simm.s32 @p0 $0x1  }
0x13: {  	[smem:$0x3FAB] =	sst s0;
	s0 =	simm.s32 @!p1 $0x0  }
0x14: {  	s2 =	sld [smem:$0x3F8F];
	s0 =	simm.s32 @p1 $0x1  }
0x15: {  	[smem:$0x3FAC] =	sst s0;
	s0 =	simm.s32 @!p2 $0x0  }
0x16: {  	s3 =	sld [smem:$0x3FDB];
	s0 =	simm.s32 @p2 $0x1  }
0x17: {  	s4 =	simm.s32 $0x1BF5;
	[smem:$0x3FAE] =	sst s0  }
0x18: {  	s0 =	sld [smem:$0x3F91];
	_ =	swait.ge [sflag:s4], $0x0  }
0x19: {  	s7 =	sld [smem:$0x3F92]  }
0x1a: {  	s8 =	sadd.s32 $0xFFFFE003, lr  }
0x1b: {  	s9 =	sadd.s32 $0xFFFFFEF7, lr;
	s5 =	simm.s32 $0xFFFFFFFF;
	p2 =	slt.u32 s8, $0xFFFFF086  }
0x1c: {  	p1 =	slt.u32 s9, $0xF7A;
	s5 =	simm.s32 @!p2 $0x0  }
0x1d: {  	s5 =	simm.s32 @p1 $0x1;
	p0 =	seq.s32 s7, s2  }
0x1e: {  	s7 =	smul.u32 @!p0 $0xF7A, s2;
	p2 =	seq.s32 @!p0 s5, $0x0  }
0x1f: {  	s9 =	smul.u32 $0xF7A, s1;
	s8 =	simm.s32 @!p0 $0x1BF5;
	p2 =	por !p2, p0  }
0x20: {  	[sflag:s8] =	ssyncset.s32 @!p0 $0xFFFFF086;
	s6 =	sadd.s32 @!p0 s3, s7;
	s7 =	simm.s32 @!p0 $0x108  }
0x21: {  	s3 =	sadd.s32 s3, s9;
	s6 =	sadd.s32 @!p0 $0x88, s6;
	s7 =	simm.s32 @p2 $0x1082  }
0x22: {  	[simem:s7], [sflag:s8] =	dma.local @!p0 [hbm:s6], $0xF7A  }
0x23: {  	s9 =	sor.u32 $0xD0000000, s2;
	s6 =	simm.s32 $0x108;
	_ =	swait.ge @!p0 [sflag:s8], $0x0  }
0x24: {  	s3 =	sadd.s32 $0x88, s3;
	s6 =	simm.s32 @!p1 $0x1082;
	[sflag:s4] =	ssyncset.s32 $0xFFFFF086  }
0x25: {  	[simem:s6], [sflag:s4] =	dma.local [hbm:s3], $0xF7A  }
0x26: {  	[smem:$0x3F92] =	sst s1;
	(tag) =	ssettag s2;
	_ =	strace s9  }
0x27: {  	s1 =	sld [smem:$0x3FA2]  }
0x28: {  	s2 =	sld [smem:$0x3FA3]  }
0x29: {  	s4 =	sld [smem:$0x3FA5]  }
0x2a: {  	p0 =	seq.s32 s5, $0x0;
	s5 =	sld [smem:$0x3FA6]  }
0x2b: {  	s6 =	sld [smem:$0x3FA7]  }
0x2c: {  	s7 =	sld [smem:$0x3FA8]  }
0x2d: {  	s3 =	simm.s32 $0x108;
	s8 =	sld [smem:$0x3FA9]  }
0x2e: {  	s3 =	simm.s32 @!p0 $0x1082;
	s9 =	sld [smem:$0x3FAA]  }
0x2f: {  	lr =	sadd.s32 s0, s3;
	s0 =	sld [smem:$0x3FA1]  }
0x30: {  	s3 =	sld [smem:$0x3FA4]  }
0x31: {  	[smem:$0x3FAD] =	sst s10  }
0x32: {  	s10 =	sld [smem:$0x3FAB];
	_ =	sdelay $0x3  }
0x33: {  	p0 =	seq.s32 s10, $0x1;
	s10 =	sld [smem:$0x3FAD];
	_ =	sdelay $0x3  }
0x34: {  	[smem:$0x3FAD] =	sst s10  }
0x35: {  	s10 =	sld [smem:$0x3FAC];
	_ =	sdelay $0x3  }
0x36: {  	p1 =	seq.s32 s10, $0x1;
	s10 =	sld [smem:$0x3FAD];
	_ =	sdelay $0x3  }
0x37: {  	[smem:$0x3FAD] =	sst s10  }
0x38: {  	s10 =	sld [smem:$0x3FAE]  }
0x39: {  	_ = 	snop;
	(pc) =	sbr.ind lr, $3  }
0x3a: {  	_ = 	snop  }
0x3b: {  	_ = 	snop  }
0x3c: {  	p2 =	seq.s32 s10, $0x1;
	s10 =	sld [smem:$0x3FAD]  }
0x3d: {  	_ =	shalt  }
0x3e: {  	_ =	shalt  }
0x3f: {  	_ =	shalt  }
0x40: {  	_ =	shalt  }
0x41: {  	_ =	shalt  }
0x42: {  	_ =	shalt  }
0x43: {  	_ =	shalt  }
0x44: {  	_ =	shalt  }
0x45: {  	_ =	shalt  }
0x46: {  	_ =	shalt  }
0x47: {  	_ =	shalt  }
0x48: {  	_ =	shalt  }
0x49: {  	_ =	shalt  }
0x4a: {  	_ =	shalt  }
0x4b: {  	_ =	shalt  }
0x4c: {  	_ =	shalt  }
0x4d: {  	_ =	shalt  }
0x4e: {  	_ =	shalt  }
0x4f: {  	_ =	shalt  }
0x50: {  	_ =	shalt  }
0x51: {  	_ =	shalt  }
0x52: {  	_ =	shalt  }
0x53: {  	_ =	shalt  }
0x54: {  	_ =	shalt  }
0x55: {  	_ =	shalt  }
0x56: {  	_ =	shalt  }
0x57: {  	_ =	shalt  }
0x58: {  	_ =	shalt  }
0x59: {  	_ =	shalt  }
0x5a: {  	_ =	shalt  }
0x5b: {  	_ =	shalt  }
0x5c: {  	_ =	shalt  }
0x5d: {  	_ =	shalt  }
0x5e: {  	_ =	shalt  }
0x5f: {  	_ =	shalt  }
0x60: {  	_ =	shalt  }
0x61: {  	_ =	shalt  }
0x62: {  	_ =	shalt  }
0x63: {  	_ =	shalt  }
0x64: {  	_ =	shalt  }
0x65: {  	_ =	shalt  }
0x66: {  	_ =	shalt  }
0x67: {  	_ =	shalt  }
0x68: {  	_ =	shalt  }
0x69: {  	_ =	shalt  }
0x6a: {  	_ =	shalt  }
0x6b: {  	_ =	shalt  }
0x6c: {  	_ =	shalt  }
0x6d: {  	_ =	shalt  }
0x6e: {  	_ =	shalt  }
0x6f: {  	_ =	shalt  }
0x70: {  	_ =	shalt  }
0x71: {  	_ =	shalt  }
0x72: {  	_ =	shalt  }
0x73: {  	_ =	shalt  }
0x74: {  	_ =	shalt  }
0x75: {  	_ =	shalt  }
0x76: {  	_ =	shalt  }
0x77: {  	_ =	shalt  }
0x78: {  	_ =	shalt  }
0x79: {  	_ =	shalt  }
0x7a: {  	_ =	shalt  }
0x7b: {  	_ =	shalt  }
0x7c: {  	_ =	shalt  }
0x7d: {  	_ =	shalt  }
0x7e: {  	_ =	shalt  }
0x7f: {  	_ =	shalt  }
0x80: {  	_ =	shalt  }
0x81: {  	_ =	shalt  }
0x82: {  	_ =	shalt  }
0x83: {  	_ =	shalt  }
0x84: {  	_ =	shalt  }
0x85: {  	_ =	shalt  }
0x86: {  	_ =	shalt  }
0x87: {  	_ =	shalt  }
.Lfunc_end0:
.L_simem_size_0:
called_computation.1_lowered:
.L_overlay_start_0:
0x88: {  	s2 =	sld [smem:$0x3FD9]  }
0x89: {  	s3 =	sld [smem:$0x3FFE];
	_ =	sdelay $0x1  }
0x8a: {  	s1 =	srdreg.scid  }
0x8b: {  	s0 =	sand.u32 $0x1, s1  }
0x8c: {  	s17 =	sshll.u32 s0, $0xA;
	s2 =	sadd.s32 s3, s2  }
0x8d: {  	s2 =	sadd.s32 s2, s17  }
0x8e: {  	[smem:$0x3FB9] =	sst s2  }
0x8f: {  	_ = 	snop  }
0x90: {  	s2 =	sld [smem:$0x3FC7];
	(tm) =	ssettm $0x1  }
0x91: {  	s18 =	sld [smem:$0x3FFB];
	_ =	sdelay $0x3  }
0x92: {  	_ =	strace s18  }
0x93: {  	s3 =	sld [smem:$0x3FFC];
	_ =	sdelay $0x3  }
0x94: {  	_ =	strace s3  }
0x95: {  	s3 =	sld [smem:$0x3FFD];
	_ =	sdelay $0x3  }
0x96: {  	_ =	strace s3  }
0x97: {  	_ =	strace $0x8FFFFFFF  }
0x98: {  	s19 =	sld [smem:$0x3FDB];
	_ =	sdelay $0x1  }
0x99: {  	s4 =	simm.s32 $_scs_section_size  }
0x9a: {  	s5 =	simm.s32 $_size__tile_overlayer_lowered;
	s6 =	simm.s32 $_tile_overlayer_lowered  }
0x9b: {  	s22 =	simm.s32 $0x1BFF;
	s21 =	sshll.u32 s6, $0x1;
	s3 =	sadd.s32 s4, s19  }
0x9c: {  	s7 =	simm.s32 $0x0;
	s20 =	sshll.u32 s5, $0x1;
	s5 =	sadd.s32 s21, s3  }
0x9d: {  	[timem:s7], [sflag:s22] =	dma.local [hbm:s5], s20  }
0x9e: {  	_ =	swait.ge [sflag:s22], s20  }
0x9f: {  	s4 =	ssub.s32 $0x0, s20;
	[sflag:s22] =	ssyncset.done $0x0  }
0xa0: {  	[sflag:s22] =	ssyncadd.s32 s4;
	_ =	sdelay $0x1  }
0xa1: {  	s23 =	simm.s32 $0x1B8B  }
0xa2: {  	_ =	swait.ge [sflag:s23], $0x1  }
0xa3: {  	[sflag:s23] =	ssyncset.done $0x0  }
0xa4: {  	s25 =	simm.s32 $0x1B8E;
	s24 =	sld [smem:$0x3FFE];
	[sflag:s23] =	ssyncadd.s32 $0xFFFFFFFF  }
0xa5: {  	s26 =	simm.s32 $execute0_lowered;
	[smem:$0x3FD2] =	sst s25  }
0xa6: {  	s5 =	sshll.u32 s26, $0x1;
	_ =	strace $0x80000046;
	[dreg:$0x1] =	wrdreg $0xFFFFFFFF  }
0xa7: {  	s28 =	simm.s32 $_size_execute0_lowered;
	s3 =	sadd.s32 s3, s5;
	[dreg:$0x0] =	wrdreg $0x0  }
0xa8: {  	s5 =	sshll.u32 s28, $0x1;
	[dreg:$0x2] =	wrdreg s3  }
0xa9: {  	[dreg:$0x3] =	wrdreg s5  }
0xaa: {  	[dreg:$0x4] =	wrdreg $0xC0  }
0xab: {  	_ =	task [dreg:s7], $0x5FFFF  }
0xac: {  	[dreg:$0x1] =	wrdreg $0xFFFFFFFF  }
0xad: {  	[dreg:$0x0] =	wrdreg $0x60  }
0xae: {  	[dreg:$0x2] =	wrdreg s2  }
0xaf: {  	[dreg:$0x3] =	wrdreg s24  }
0xb0: {  	[dreg:$0x4] =	wrdreg $0x64000  }
0xb1: {  	[dreg:$0x5] =	wrdreg $0xA  }
0xb2: {  	_ =	task.clear_ibuf [dreg:s7], $0x6FFFF;
	_ =	strace $0x90000046  }
0xb3: {  	s29 =	simm.s32 $0xA;
	_ =	strace $0x80000048  }
0xb4: {  	_ =	swait.ge [sflag:s29], $0x1  }
0xb5: {  	[sflag:s29] =	ssyncadd.s32 $0xFFFFFFFF  }
0xb6: {  	_ =	strace $0x90000048  }
0xb7: {  	_ =	sfence  }
0xb8: {  	s30 =	sld [smem:$0x0];
	_ =	sdelay $0x2  }
0xb9: {  	s31 =	sshll.u32 s1, $0xD;
	s1 =	sshrl.u32 s1, $0x2  }
0xba: {  	s3 =	sand.u32 $0x4000, s31;
	s1 =	sadd.s32 s1, s30  }
0xbb: {  	s0 =	sor.u32 s3, s0;
	s1 =	sshll.u32 s1, $0x11  }
0xbc: {  	s0 =	sor.u32 s1, s0  }
0xbd: {  	s0 =	sadd.s32 $0x8F2B, s0  }
0xbe: {  	[sflag:s0] =	ssyncadd.remote.s32 $0x1  }
0xbf: {  	_ =	sfence.sel $0xFFFF  }
0xc0: {  	[dreg:$0x0] =	wrdreg $0xFFFFFFFF;
	(pc) =	sbr.abs _section_cstart, $3  }
0xc1: {  	[dreg:$0x1] =	wrdreg $0xFFFFFFFF  }
0xc2: {  	_ =	task.clear_ibuf [dreg:s7], $0x2FFFF;
	_ =	strace $0x9FFFFFFF  }
0xc3: {  	(tm) =	ssettm $0x7FFFFFFF  }
tec
execute0_lowered:
.L_overlay_start_1:
0x0: {  	(tag) =	ssettag $0x1  }
0x1: {  	s0 =	rddreg [dreg:$0x0]  }
0x2: {  	s1 =	rddreg [dreg:$0x1]  }
0x3: {  	s2 =	rddreg [dreg:$0x2]  }
0x4: {  	s3 =	srdreg.scid;
	s9 =	stileid.u32;
	s11 =	simm.s32 $0x80  }
0x5: {  	s13 =	simm.s32 $0xA;
	s16 =	simm.s32 $0x8400;
	s17 =	simm.s32 $0xA400  }
0x6: {  	s19 =	simm.s32 $0xC400;
	s21 =	simm.s32 $0xE400;
	s23 =	simm.s32 $0x10400  }
0x7: {  	s28 =	simm.s32 $0x14400;
	s30 =	simm.s32 $0x16400;
	s31 =	simm.s32 $0x1  }
0x8: {  	v6 =	vlaneseq.u32;
	s12 =	simm.s32 $0x2;
	s18 =	simm.s32 $0x3;
	s20 =	simm.s32 $0x4  }
0x9: {  	s22 =	simm.s32 $0x5;
	s24 =	simm.s32 $0x6;
	s29 =	simm.s32 $0x8;
	v1 =	vor.u32 $0x10, v6;
	v2 =	vor.u32 $0x20, v6;
	v3 =	vor.u32 $0x30, v6  }
0xa: {  	s4 =	sand.u32 $0x1, s3;
	s3 =	simm.s32 $0x0;
	s14 =	sshll.u32 s9, $0x7;
	v4 =	vor.u32 $0x40, v6;
	v5 =	vor.u32 $0x50, v6;
	v7 =	vor.u32 $0x60, v6  }
0xb: {  	s5 =	sshll.u32 s9, $0x8;
	s26 =	sshll.u32 s9, $0xD;
	v8 =	vor.u32 $0x70, v6;
	s6 =	sshll.u32 s4, $0x7;
	v0 =	vor.u32 s14, v6;
	v1 =	vor.u32 s14, v1  }
0xc: {  	[smem:$0x7FF] =	sst s3;
	s8 =	ssub.s32 $0x2, s4;
	s4 =	sadd.s32 $0x2A00, s1;
	v2 =	vor.u32 s14, v2;
	v3 =	vor.u32 s14, v3;
	v4 =	vor.u32 s14, v4  }
0xd: {  	v5 =	vor.u32 s14, v5;
	v6 =	vor.u32 s14, v7;
	v7 =	vor.u32 s14, v8;
	s14 =	simm.s32 $0x0;
	s5 =	sor.u32 s6, s5;
	_ =	strace $0x80000047  }
0xe: {  	s25 =	sshrl.u32 s8, $0x1;
	s6 =	sshrl.u32 s5, $0x3;
	s5 =	sshll.u32 s5, $0x3  }
0xf: {  	s7 =	sadd.s32 s6, s1;
	s1 =	sadd.s32 s5, s1;
	s5 =	ssub.s32 s8, s25  }
0x10: {  	s0 =	sadd.s32 s0, s6;
	s25 =	simm.s32 $0x12400;
	s7 =	sadd.s32 $0x7C2A00, s7  }
0x11: {  	[dreg:$0x5] =	wrdreg s0;
	s8 =	sadd.s32 $0x7E3A00, s1;
	s9 =	sadd.s32 $0x7DBA00, s1  }
0x12: {  	s10 =	smax.u32 s5, $0x1;
	s0 =	simm.s32 $0x1A480;
	s1 =	simm.s32 $0x9  }
0x13: {  	v8 =	vimm.f32 $0.0e+00;
	[dreg:$0x4] =	wrdreg s7;
	s7 =	sadd.s32 s26, s2;
	s26 =	simm.s32 $0x7  }
.LBB2_1:
0x14: {  	s5 =	rddreg [dreg:$0x4];
	s6 =	simm.s32 $0x1000  }
0x15: {  	[tilespmem:s3], [sflag:$0xA] =	stream.strided.gather [hbm4b:s5+s11], $0x6400, s6, s11, $0x38;
	[tilespmem:$0x1A500] =	vst v63  }
0x16: {  	_ =	swait.ge [sflag:s13], $0x6400  }
0x17: {  	[sflag:s13] =	ssyncset.done $0x0  }
0x18: {  	s15 =	simm.s32 $0x1A400;
	s6 =	rddreg [dreg:$0x5];
	[sflag:s13] =	ssyncadd.s32 $0xFFFF9C00  }
0x19: {  	[tilespmem:s15], [sflag:$0xA] =	stream.linear.gather [hbm4b:s6+s3], $0x80, $0x38;
	[tilespmem:$0x1A500] =	vst v63  }
0x1a: {  	_ =	swait.ge [sflag:s13], $0x80  }
0x1b: {  	[sflag:s13] =	ssyncset.done $0x0  }
0x1c: {  	s15 =	simm.s32 $0x0;
	[sflag:s13] =	ssyncadd.s32 $0xFFFFFF80  }
0x1d: {  	v9 =	vld [tilespmem:s15+$0x0]  }
0x1e: {  	v10 =	vld [tilespmem:s15+$0x10]  }
0x1f: {  	v14 =	vld [tilespmem:s15+$0x30];
	_ =	sdelay $0x2  }
0x20: {  	v11 =	vshll.u32 v9, $0x1  }
0x21: {  	v12 =	vld [tilespmem:s15+$0x20];
	v13 =	vand.u32 $0xFFFF8000, v9;
	v9 =	vshrl.u32 v9, $0xE;
	v15 =	vand.u32 $0xFFFF8000, v10  }
0x22: {  	v16 =	vshll.u32 v14, $0x1;
	v18 =	vand.u32 $0xFFFF8000, v14;
	v14 =	vshrl.u32 v14, $0xE  }
0x23: {  	v11 =	vand.u32 $0x7FFE, v11;
	v9 =	vand.u32 $0x1, v9;
	v16 =	vand.u32 $0x7FFE, v16  }
0x24: {  	v17 =	vld [tilespmem:s15+$0x40];
	v11 =	vor.u32 v13, v11;
	v13 =	vshll.u32 v10, $0x1;
	v10 =	vshrl.u32 v10, $0xE  }
0x25: {  	v16 =	vor.u32 v18, v16;
	v18 =	vand.u32 $0x1, v14;
	v13 =	vand.u32 $0x7FFE, v13  }
0x26: {  	v14 =	vld [tilespmem:s15+$0x50];
	v9 =	vor.u32 v9, v11;
	v11 =	vor.u32 v15, v13;
	v15 =	vshll.u32 v12, $0x1  }
0x27: {  	v13 =	vand.u32 $0xFFFF8000, v12;
	v12 =	vshrl.u32 v12, $0xE;
	v15 =	vand.u32 $0x7FFE, v15  }
0x28: {  	v10 =	vand.u32 $0x1, v10;
	v12 =	vand.u32 $0x1, v12;
	v15 =	vor.u32 v13, v15  }
0x29: {  	v13 =	vor.u32 v10, v11;
	v10 =	vor.u32 v18, v16;
	v11 =	vld [tilespmem:s15+$0x60];
	v16 =	vshll.u32 v17, $0x1  }
0x2a: {  	s5 =	simm.s32 $0x200;
	v12 =	vor.u32 v12, v15;
	v15 =	vand.u32 $0xFFFF8000, v17;
	v17 =	vshrl.u32 v17, $0xE  }
.LBB2_2:
0x2b: {  	p0 =	sne.s32 s5, $0x18E00;
	v16 =	vand.u32 $0x7FFE, v16;
	v17 =	vand.u32 $0x1, v17;
	v18 =	vshll.u32 v14, $0x1;
	v19 =	vld [tilespmem:s15+$0x70]  }
0x2c: {  	v20 =	vand.u32 $0xFFFF8000, v14;
	v14 =	vshrl.u32 v14, $0xE;
	v18 =	vand.u32 $0x7FFE, v18  }
0x2d: {  	s6 =	sshra.s32 s5, $0x2;
	v14 =	vand.u32 $0x1, v14;
	[tilespmem:s15+$0x0] =	vst v9;
	v9 =	vor.u32 v15, v16;
	v15 =	vor.u32 v20, v18  }
0x2e: {  	v16 =	vld [tilespmem:s6+$0x0];
	[tilespmem:s15+$0x10] =	vst v13;
	v9 =	vor.u32 v17, v9;
	v13 =	vor.u32 v14, v15;
	v14 =	vshll.u32 v11, $0x1  }
0x2f: {  	[tilespmem:s15+$0x20] =	vst v12;
	v12 =	vand.u32 $0xFFFF8000, v11;
	v14 =	vand.u32 $0x7FFE, v14;
	v11 =	vshrl.u32 v11, $0xE  }
0x30: {  	v15 =	vld [tilespmem:s6+$0x10];
	[tilespmem:s15+$0x30] =	vst v10;
	v10 =	vor.u32 v12, v14;
	v11 =	vand.u32 $0x1, v11;
	v12 =	vshll.u32 v19, $0x1  }
0x31: {  	v14 =	vshrl.u32 v19, $0xE;
	[tilespmem:s15+$0x40] =	vst v9;
	v9 =	vand.u32 $0xFFFF8000, v19;
	v12 =	vand.u32 $0x7FFE, v12  }
0x32: {  	v10 =	vor.u32 v11, v10;
	v11 =	vand.u32 $0x1, v14;
	[tilespmem:s15+$0x50] =	vst v13;
	v9 =	vor.u32 v9, v12  }
0x33: {  	v12 =	vshll.u32 v16, $0x1;
	v13 =	vld [tilespmem:s6+$0x20];
	[tilespmem:s15+$0x60] =	vst v10;
	v9 =	vor.u32 v11, v9  }
0x34: {  	v10 =	vand.u32 $0xFFFF8000, v16;
	v11 =	vand.u32 $0x7FFE, v12;
	v12 =	vshrl.u32 v16, $0xE;
	v16 =	vld [tilespmem:s6+$0x30];
	[tilespmem:s15+$0x70] =	vst v9;
	s15 =	smov.u32 s6  }
0x35: {  	v9 =	vor.u32 v10, v11;
	v10 =	vand.u32 $0x1, v12;
	v11 =	vshll.u32 v15, $0x1  }
0x36: {  	v12 =	vand.u32 $0xFFFF8000, v15;
	v14 =	vshrl.u32 v15, $0xE;
	v11 =	vand.u32 $0x7FFE, v11  }
0x37: {  	v9 =	vor.u32 v10, v9;
	v10 =	vor.u32 v12, v11;
	v11 =	vand.u32 $0x1, v14  }
0x38: {  	v12 =	vand.u32 $0xFFFF8000, v13;
	v14 =	vshll.u32 v13, $0x1;
	v13 =	vshrl.u32 v13, $0xE;
	v17 =	vld [tilespmem:s15+$0x40]  }
.Ltmp0:
0x39: {  	v15 =	vand.u32 $0x7FFE, v14;
	v18 =	vand.u32 $0x1, v13;
	v13 =	vshll.u32 v16, $0x1;
	v14 =	vld [tilespmem:s15+$0x50];
	(pc) =	sbr.rel @p0 .LBB2_2-.Ltmp0, $4  }
0x3a: {  	v19 =	vand.u32 $0xFFFF8000, v16;
	v16 =	vshrl.u32 v16, $0xE;
	v13 =	vand.u32 $0x7FFE, v13  }
0x3b: {  	v12 =	vor.u32 v12, v15;
	v16 =	vand.u32 $0x1, v16;
	v15 =	vor.u32 v19, v13  }
0x3c: {  	v13 =	vor.u32 v11, v10;
	v12 =	vor.u32 v18, v12;
	v10 =	vor.u32 v16, v15;
	v11 =	vld [tilespmem:s15+$0x60]  }
0x3d: {  	s5 =	sadd.s32 $0x200, s5;
	v15 =	vand.u32 $0xFFFF8000, v17;
	v16 =	vshll.u32 v17, $0x1;
	v17 =	vshrl.u32 v17, $0xE  }
0x3e: {  	v16 =	vand.u32 $0x7FFE, v16;
	v17 =	vand.u32 $0x1, v17;
	v18 =	vshll.u32 v14, $0x1;
	v19 =	vld [tilespmem:s15+$0x70]  }
0x3f: {  	v20 =	vand.u32 $0xFFFF8000, v14;
	v31 =	vshrl.u32 v14, $0xE;
	v18 =	vand.u32 $0x7FFE, v18  }
0x40: {  	[tilespmem:s15+$0x0] =	vst v9;
	v9 =	vor.u32 v15, v16;
	v14 =	vand.u32 $0x1, v31;
	v32 =	vor.u32 v20, v18  }
0x41: {  	[tilespmem:s15+$0x10] =	vst v13;
	v9 =	vor.u32 v17, v9;
	v33 =	vor.u32 v14, v32;
	v34 =	vshll.u32 v11, $0x1  }
0x42: {  	[tilespmem:s15+$0x20] =	vst v12;
	v35 =	vand.u32 $0xFFFF8000, v11;
	v11 =	vshrl.u32 v11, $0xE;
	v14 =	vand.u32 $0x7FFE, v34  }
0x43: {  	[tilespmem:s15+$0x30] =	vst v10;
	v11 =	vand.u32 $0x1, v11;
	v10 =	vor.u32 v35, v14;
	v36 =	vshll.u32 v19, $0x1  }
0x44: {  	[tilespmem:s15+$0x40] =	vst v9;
	v9 =	vand.u32 $0xFFFF8000, v19;
	v37 =	vshrl.u32 v19, $0xE;
	v12 =	vand.u32 $0x7FFE, v36  }
0x45: {  	[tilespmem:s15+$0x50] =	vst v33;
	v10 =	vor.u32 v11, v10;
	v11 =	vand.u32 $0x1, v37;
	v9 =	vor.u32 v9, v12  }
0x46: {  	[tilespmem:s15+$0x60] =	vst v10;
	v9 =	vor.u32 v11, v9  }
0x47: {  	[tilespmem:s15+$0x70] =	vst v9  }
0x48: {  	v9 =	vld [tilespmem:$0x1A400]  }
0x49: {  	v10 =	vld [tilespmem:$0x1A410]  }
0x4a: {  	v11 =	vld [tilespmem:$0x1A420]  }
0x4b: {  	v41 =	vld [tilespmem:$0x1A430]  }
0x4c: {  	v44 =	vld [tilespmem:$0x1A440]  }
0x4d: {  	v46 =	vld [tilespmem:$0x1A450];
	v38 =	vshll.u32 v9, $0x1  }
0x4e: {  	v51 =	vld [tilespmem:$0x1A460];
	v39 =	vand.u32 $0xFFFF8000, v9;
	v9 =	vshrl.u32 v9, $0xE;
	v40 =	vshll.u32 v10, $0x1  }
0x4f: {  	v55 =	vld [tilespmem:$0x1A470];
	v42 =	vand.u32 $0xFFFF8000, v10;
	v10 =	vshrl.u32 v10, $0xE;
	v43 =	vshll.u32 v11, $0x1  }
0x50: {  	v45 =	vand.u32 $0xFFFF8000, v11;
	v11 =	vshrl.u32 v11, $0xE;
	v47 =	vshll.u32 v41, $0x1  }
0x51: {  	v48 =	vand.u32 $0xFFFF8000, v41;
	v14 =	vshrl.u32 v41, $0xE;
	v50 =	vshll.u32 v44, $0x1  }
0x52: {  	v52 =	vand.u32 $0xFFFF8000, v44;
	v53 =	vshrl.u32 v44, $0xE;
	v54 =	vshll.u32 v46, $0x1  }
0x53: {  	v56 =	vand.u32 $0xFFFF8000, v46;
	v16 =	vshrl.u32 v46, $0xE;
	v59 =	vshll.u32 v51, $0x1  }
0x54: {  	v60 =	vshrl.u32 v51, $0xE;
	v62 =	vshll.u32 v55, $0x1;
	v63 =	vshrl.u32 v55, $0xE  }
0x55: {  	v12 =	vand.u32 $0x7FFE, v38;
	v9 =	vand.u32 $0x1, v9;
	v13 =	vand.u32 $0x7FFE, v40  }
0x56: {  	v10 =	vand.u32 $0x1, v10;
	v11 =	vand.u32 $0x1, v11;
	v49 =	vand.u32 $0x1, v14  }
0x57: {  	v14 =	vand.u32 $0x7FFE, v50;
	v15 =	vand.u32 $0x7FFE, v54;
	v58 =	vand.u32 $0x1, v16  }
0x58: {  	v61 =	vand.u32 $0x1, v60;
	v12 =	vor.u32 v39, v12;
	v57 =	vor.u32 v56, v15  }
0x59: {  	v9 =	vor.u32 v9, v12;
	v12 =	vor.u32 v42, v13;
	v13 =	vand.u32 $0x7FFE, v43  }
0x5a: {  	v13 =	vor.u32 v45, v13;
	v10 =	vor.u32 v10, v12;
	v12 =	vand.u32 $0x7FFE, v47;
	[tilespmem:$0x1A400] =	vst v9  }
0x5b: {  	v9 =	vand.u32 $0x1, v53;
	v11 =	vor.u32 v11, v13;
	v12 =	vor.u32 v48, v12;
	[tilespmem:$0x1A410] =	vst v10  }
0x5c: {  	v13 =	vor.u32 v52, v14;
	v10 =	vor.u32 v58, v57;
	v12 =	vor.u32 v49, v12;
	[tilespmem:$0x1A420] =	vst v11  }
0x5d: {  	v9 =	vor.u32 v9, v13;
	v11 =	vand.u32 $0xFFFF8000, v51;
	v13 =	vand.u32 $0x7FFE, v59;
	[tilespmem:$0x1A450] =	vst v10  }
0x5e: {  	v11 =	vor.u32 v11, v13;
	[tilespmem:$0x1A440] =	vst v9;
	v9 =	vand.u32 $0xFFFF8000, v55;
	v13 =	vand.u32 $0x7FFE, v62  }
0x5f: {  	[tilespmem:$0x1A430] =	vst v12;
	v10 =	vor.u32 v61, v11;
	v9 =	vor.u32 v9, v13;
	v11 =	vand.u32 $0x1, v63  }
0x60: {  	[tilespmem:$0x1A460] =	vst v10;
	v9 =	vor.u32 v11, v9  }
0x61: {  	s5 =	simm.s32 $0x1A400;
	s6 =	simm.s32 $0x18400;
	[tilespmem:$0x1A470] =	vst v9  }
0x62: {  	[tilespmem:s6], [sflag:$0x9] =	stream.indirect.gather [hbm4b:s4+s11], $0x40, s5, s11, $0xb8;
	[tilespmem:$0x1A500] =	vst v63  }
0x63: {  	[tilespmem:$0x1A480] =	vst v0  }
0x64: {  	[tilespmem:$0x1A490] =	vst v1  }
0x65: {  	[tilespmem:$0x1A4A0] =	vst v2  }
0x66: {  	[tilespmem:$0x1A4B0] =	vst v3  }
0x67: {  	[tilespmem:$0x1A4C0] =	vst v4  }
0x68: {  	[tilespmem:$0x1A4D0] =	vst v5  }
0x69: {  	[tilespmem:$0x1A4E0] =	vst v6  }
0x6a: {  	s15 =	simm.s32 $0x100;
	s5 =	simm.s32 $0x0;
	[tilespmem:$0x1A4F0] =	vst v7  }
.LBB2_4:
0x6b: {  	p0 =	sne.s32 s15, $0x7F00;
	[tilespmem:s5+$0x8430] =	vst v8;
	s6 =	smov.u32 s15;
	s15 =	sadd.s32 $0x100, s15  }
.Ltmp1:
0x6c: {  	[tilespmem:s5+$0x8420] =	vst v8;
	(pc) =	sbr.rel @p0 .LBB2_4-.Ltmp1, $3  }
0x6d: {  	[tilespmem:s5+$0x8400] =	vst v8  }
0x6e: {  	[tilespmem:s5+$0x8410] =	vst v8;
	_ =	sdelay $0x1  }
0x6f: {  	s5 =	sshra.s32 s6, $0x2  }
0x70: {  	[tilespmem:s5+$0x8430] =	vst v8  }
0x71: {  	[tilespmem:s5+$0x8420] =	vst v8  }
0x72: {  	[tilespmem:s5+$0x8400] =	vst v8  }
0x73: {  	[tilespmem:s5+$0x8410] =	vst v8  }
0x74: {  	[spmem:s7] =	stream.linear.scatter [tilespmem:s16], [sflag:$0xA], $0x2000, $0x38;
	[tilespmem:$0x1A500] =	vst v63  }
0x75: {  	_ =	swait.ge [sflag:s13], $0x2000  }
0x76: {  	[sflag:s13] =	ssyncset.done $0x0  }
0x77: {  	s6 =	simm.s32 $0x0;
	[sflag:s13] =	ssyncadd.s32 $0xFFFFE000  }
0x78: {  	[tilespmem:s16], [sflag:$0x1] =	stream.indirect.gather [hbm4b:s4+s11], $0x40, s6, s11, $0xb8;
	[tilespmem:$0x1A500] =	vst v63  }
0x79: {  	_ = 	snop  }
0x7a: {  	[tilespmem:s17], [sflag:$0x2] =	stream.indirect.gather [hbm4b:s4+s11], $0x40, s11, s11, $0xb8;
	[tilespmem:$0x1A500] =	vst v63  }
0x7b: {  	s15 =	simm.s32 $0x100  }
0x7c: {  	[tilespmem:s19], [sflag:$0x3] =	stream.indirect.gather [hbm4b:s4+s11], $0x40, s15, s11, $0xb8;
	[tilespmem:$0x1A500] =	vst v63  }
0x7d: {  	s6 =	simm.s32 $0x180  }
0x7e: {  	[tilespmem:s21], [sflag:$0x4] =	stream.indirect.gather [hbm4b:s4+s11], $0x40, s6, s11, $0xb8;
	[tilespmem:$0x1A500] =	vst v63  }
0x7f: {  	s15 =	simm.s32 $0x200  }
0x80: {  	[tilespmem:s23], [sflag:$0x5] =	stream.indirect.gather [hbm4b:s4+s11], $0x40, s15, s11, $0xb8;
	[tilespmem:$0x1A500] =	vst v63  }
0x81: {  	s6 =	simm.s32 $0x280  }
0x82: {  	[tilespmem:s25], [sflag:$0x6] =	stream.indirect.gather [hbm4b:s4+s11], $0x40, s6, s11, $0xb8;
	[tilespmem:$0x1A500] =	vst v63  }
0x83: {  	s15 =	simm.s32 $0x300  }
0x84: {  	[tilespmem:s28], [sflag:$0x7] =	stream.indirect.gather [hbm4b:s4+s11], $0x40, s15, s11, $0xb8;
	[tilespmem:$0x1A500] =	vst v63  }
0x85: {  	s6 =	simm.s32 $0x380  }
0x86: {  	[tilespmem:s30], [sflag:$0x8] =	stream.indirect.gather [hbm4b:s4+s11], $0x40, s6, s11, $0xb8;
	[tilespmem:$0x1A500] =	vst v63  }
0x87: {  	_ =	swait.ge [sflag:s31], $0x2000  }
0x88: {  	[sflag:s31] =	ssyncset.done $0x0  }
0x89: {  	[sflag:s31] =	ssyncadd.s32 $0xFFFFE000  }
0x8a: {  	[spmem:s2] =	stream.indirect.scatter.add.f32 [tilespmem:s16], [sflag:$0xA], $0x40, s0, s11, $0xb8;
	[tilespmem:$0x1A500] =	vst v63  }
0x8b: {  	_ =	swait.ge [sflag:s13], $0x2000  }
0x8c: {  	[sflag:s13] =	ssyncset.done $0x0  }
0x8d: {  	s15 =	simm.s32 $0x400;
	[sflag:s13] =	ssyncadd.s32 $0xFFFFE000  }
0x8e: {  	[tilespmem:s16], [sflag:$0x1] =	stream.indirect.gather [hbm4b:s4+s11], $0x40, s15, s11, $0xb8;
	[tilespmem:$0x1A500] =	vst v63  }
0x8f: {  	_ =	swait.ge [sflag:s12], $0x2000  }
0x90: {  	[sflag:s12] =	ssyncset.done $0x0  }
0x91: {  	[sflag:s12] =	ssyncadd.s32 $0xFFFFE000  }
0x92: {  	[spmem:s2] =	stream.indirect.scatter.add.f32 [tilespmem:s17], [sflag:$0xA], $0x40, s0, s11, $0xb8;
	[tilespmem:$0x1A500] =	vst v63  }
0x93: {  	_ =	swait.ge [sflag:s13], $0x2000  }
0x94: {  	[sflag:s13] =	ssyncset.done $0x0  }
0x95: {  	s6 =	simm.s32 $0x480;
	[sflag:s13] =	ssyncadd.s32 $0xFFFFE000  }
0x96: {  	[tilespmem:s17], [sflag:$0x2] =	stream.indirect.gather [hbm4b:s4+s11], $0x40, s6, s11, $0xb8;
	[tilespmem:$0x1A500] =	vst v63  }
0x97: {  	_ =	swait.ge [sflag:s18], $0x2000  }
0x98: {  	[sflag:s18] =	ssyncset.done $0x0  }
0x99: {  	[sflag:s18] =	ssyncadd.s32 $0xFFFFE000  }
0x9a: {  	[spmem:s2] =	stream.indirect.scatter.add.f32 [tilespmem:s19], [sflag:$0xA], $0x40, s0, s11, $0xb8;
	[tilespmem:$0x1A500] =	vst v63  }
0x9b: {  	_ =	swait.ge [sflag:s13], $0x2000  }
0x9c: {  	[sflag:s13] =	ssyncset.done $0x0  }
0x9d: {  	s15 =	simm.s32 $0x500;
	[sflag:s13] =	ssyncadd.s32 $0xFFFFE000  }
0x9e: {  	[tilespmem:s19], [sflag:$0x3] =	stream.indirect.gather [hbm4b:s4+s11], $0x40, s15, s11, $0xb8;
	[tilespmem:$0x1A500] =	vst v63  }
0x9f: {  	_ =	swait.ge [sflag:s20], $0x2000  }
0xa0: {  	[sflag:s20] =	ssyncset.done $0x0  }
0xa1: {  	[sflag:s20] =	ssyncadd.s32 $0xFFFFE000  }
0xa2: {  	[spmem:s2] =	stream.indirect.scatter.add.f32 [tilespmem:s21], [sflag:$0xA], $0x40, s0, s11, $0xb8;
	[tilespmem:$0x1A500] =	vst v63  }
0xa3: {  	_ =	swait.ge [sflag:s13], $0x2000  }
0xa4: {  	[sflag:s13] =	ssyncset.done $0x0  }
0xa5: {  	s6 =	simm.s32 $0x580;
	[sflag:s13] =	ssyncadd.s32 $0xFFFFE000  }
0xa6: {  	[tilespmem:s21], [sflag:$0x4] =	stream.indirect.gather [hbm4b:s4+s11], $0x40, s6, s11, $0xb8;
	[tilespmem:$0x1A500] =	vst v63  }
0xa7: {  	_ =	swait.ge [sflag:s22], $0x2000  }
0xa8: {  	[sflag:s22] =	ssyncset.done $0x0  }
0xa9: {  	[sflag:s22] =	ssyncadd.s32 $0xFFFFE000  }
0xaa: {  	[spmem:s2] =	stream.indirect.scatter.add.f32 [tilespmem:s23], [sflag:$0xA], $0x40, s0, s11, $0xb8;
	[tilespmem:$0x1A500] =	vst v63  }
0xab: {  	_ =	swait.ge [sflag:s13], $0x2000  }
0xac: {  	[sflag:s13] =	ssyncset.done $0x0  }
0xad: {  	s15 =	simm.s32 $0x600;
	[sflag:s13] =	ssyncadd.s32 $0xFFFFE000  }
0xae: {  	[tilespmem:s23], [sflag:$0x5] =	stream.indirect.gather [hbm4b:s4+s11], $0x40, s15, s11, $0xb8;
	[tilespmem:$0x1A500] =	vst v63  }
0xaf: {  	_ =	swait.ge [sflag:s24], $0x2000  }
0xb0: {  	[sflag:s24] =	ssyncset.done $0x0  }
0xb1: {  	[sflag:s24] =	ssyncadd.s32 $0xFFFFE000  }
0xb2: {  	[spmem:s2] =	stream.indirect.scatter.add.f32 [tilespmem:s25], [sflag:$0xA], $0x40, s0, s11, $0xb8;
	[tilespmem:$0x1A500] =	vst v63  }
0xb3: {  	_ =	swait.ge [sflag:s13], $0x2000  }
0xb4: {  	[sflag:s13] =	ssyncset.done $0x0  }
0xb5: {  	s6 =	simm.s32 $0x680;
	[sflag:s13] =	ssyncadd.s32 $0xFFFFE000  }
0xb6: {  	[tilespmem:s25], [sflag:$0x6] =	stream.indirect.gather [hbm4b:s4+s11], $0x40, s6, s11, $0xb8;
	[tilespmem:$0x1A500] =	vst v63  }
0xb7: {  	_ =	swait.ge [sflag:s26], $0x2000  }
0xb8: {  	[sflag:s26] =	ssyncset.done $0x0  }
0xb9: {  	[sflag:s26] =	ssyncadd.s32 $0xFFFFE000  }
0xba: {  	[spmem:s2] =	stream.indirect.scatter.add.f32 [tilespmem:s28], [sflag:$0xA], $0x40, s0, s11, $0xb8;
	[tilespmem:$0x1A500] =	vst v63  }
0xbb: {  	_ =	swait.ge [sflag:s13], $0x2000  }
0xbc: {  	[sflag:s13] =	ssyncset.done $0x0  }
0xbd: {  	s15 =	simm.s32 $0x700;
	[sflag:s13] =	ssyncadd.s32 $0xFFFFE000  }
0xbe: {  	[tilespmem:s28], [sflag:$0x7] =	stream.indirect.gather [hbm4b:s4+s11], $0x40, s15, s11, $0xb8;
	[tilespmem:$0x1A500] =	vst v63  }
0xbf: {  	_ =	swait.ge [sflag:s29], $0x2000  }
0xc0: {  	[sflag:s29] =	ssyncset.done $0x0  }
0xc1: {  	[sflag:s29] =	ssyncadd.s32 $0xFFFFE000  }
0xc2: {  	[spmem:s2] =	stream.indirect.scatter.add.f32 [tilespmem:s30], [sflag:$0xA], $0x40, s0, s11, $0xb8;
	[tilespmem:$0x1A500] =	vst v63  }
0xc3: {  	_ =	swait.ge [sflag:s13], $0x2000  }
0xc4: {  	[sflag:s13] =	ssyncset.done $0x0  }
0xc5: {  	s5 =	simm.s32 $0x780;
	s15 =	simm.s32 $0x1000;
	[sflag:s13] =	ssyncadd.s32 $0xFFFFE000  }
.LBB2_6:
0xc6: {  	[tilespmem:s30], [sflag:$0x8] =	stream.indirect.gather [hbm4b:s4+s11], $0x40, s5, s11, $0xb8;
	[tilespmem:$0x1A500] =	vst v63  }
0xc7: {  	s5 =	smov.u32 s15  }
0xc8: {  	p0 =	sne.s32 s15, $0x17000;
	s15 =	sadd.s32 $0x1000, s15;
	_ =	swait.ge [sflag:s31], $0x2000  }
0xc9: {  	[sflag:s31] =	ssyncset.done $0x0  }
0xca: {  	[sflag:s31] =	ssyncadd.s32 $0xFFFFE000  }
0xcb: {  	[spmem:s2] =	stream.indirect.scatter.add.f32 [tilespmem:s16], [sflag:$0xA], $0x40, s0, s11, $0xb8;
	[tilespmem:$0x1A500] =	vst v63  }
0xcc: {  	_ =	swait.ge [sflag:s13], $0x2000  }
0xcd: {  	s5 =	sshra.s32 s5, $0x2;
	[sflag:s13] =	ssyncset.done $0x0  }
0xce: {  	s6 =	sadd.s32 $0x400, s5;
	[sflag:s13] =	ssyncadd.s32 $0xFFFFE000  }
0xcf: {  	[tilespmem:s16], [sflag:$0x1] =	stream.indirect.gather [hbm4b:s4+s11], $0x40, s6, s11, $0xb8;
	[tilespmem:$0x1A500] =	vst v63  }
0xd0: {  	_ =	swait.ge [sflag:s12], $0x2000  }
0xd1: {  	[sflag:s12] =	ssyncset.done $0x0  }
0xd2: {  	[sflag:s12] =	ssyncadd.s32 $0xFFFFE000  }
0xd3: {  	[spmem:s2] =	stream.indirect.scatter.add.f32 [tilespmem:s17], [sflag:$0xA], $0x40, s0, s11, $0xb8;
	[tilespmem:$0x1A500] =	vst v63  }
0xd4: {  	_ =	swait.ge [sflag:s13], $0x2000  }
0xd5: {  	[sflag:s13] =	ssyncset.done $0x0  }
0xd6: {  	s6 =	sadd.s32 $0x480, s5;
	[sflag:s13] =	ssyncadd.s32 $0xFFFFE000  }
0xd7: {  	[tilespmem:s17], [sflag:$0x2] =	stream.indirect.gather [hbm4b:s4+s11], $0x40, s6, s11, $0xb8;
	[tilespmem:$0x1A500] =	vst v63  }
0xd8: {  	_ =	swait.ge [sflag:s18], $0x2000  }
0xd9: {  	[sflag:s18] =	ssyncset.done $0x0  }
0xda: {  	[sflag:s18] =	ssyncadd.s32 $0xFFFFE000  }
0xdb: {  	[spmem:s2] =	stream.indirect.scatter.add.f32 [tilespmem:s19], [sflag:$0xA], $0x40, s0, s11, $0xb8;
	[tilespmem:$0x1A500] =	vst v63  }
0xdc: {  	_ =	swait.ge [sflag:s13], $0x2000  }
0xdd: {  	[sflag:s13] =	ssyncset.done $0x0  }
0xde: {  	s6 =	sadd.s32 $0x500, s5;
	[sflag:s13] =	ssyncadd.s32 $0xFFFFE000  }
0xdf: {  	[tilespmem:s19], [sflag:$0x3] =	stream.indirect.gather [hbm4b:s4+s11], $0x40, s6, s11, $0xb8;
	[tilespmem:$0x1A500] =	vst v63  }
0xe0: {  	_ =	swait.ge [sflag:s20], $0x2000  }
0xe1: {  	[sflag:s20] =	ssyncset.done $0x0  }
0xe2: {  	[sflag:s20] =	ssyncadd.s32 $0xFFFFE000  }
0xe3: {  	[spmem:s2] =	stream.indirect.scatter.add.f32 [tilespmem:s21], [sflag:$0xA], $0x40, s0, s11, $0xb8;
	[tilespmem:$0x1A500] =	vst v63  }
0xe4: {  	_ =	swait.ge [sflag:s13], $0x2000  }
0xe5: {  	[sflag:s13] =	ssyncset.done $0x0  }
0xe6: {  	s6 =	sadd.s32 $0x580, s5;
	[sflag:s13] =	ssyncadd.s32 $0xFFFFE000  }
0xe7: {  	[tilespmem:s21], [sflag:$0x4] =	stream.indirect.gather [hbm4b:s4+s11], $0x40, s6, s11, $0xb8;
	[tilespmem:$0x1A500] =	vst v63  }
0xe8: {  	_ =	swait.ge [sflag:s22], $0x2000  }
0xe9: {  	[sflag:s22] =	ssyncset.done $0x0  }
0xea: {  	[sflag:s22] =	ssyncadd.s32 $0xFFFFE000  }
0xeb: {  	[spmem:s2] =	stream.indirect.scatter.add.f32 [tilespmem:s23], [sflag:$0xA], $0x40, s0, s11, $0xb8;
	[tilespmem:$0x1A500] =	vst v63  }
0xec: {  	_ =	swait.ge [sflag:s13], $0x2000  }
0xed: {  	[sflag:s13] =	ssyncset.done $0x0  }
0xee: {  	s6 =	sadd.s32 $0x600, s5;
	[sflag:s13] =	ssyncadd.s32 $0xFFFFE000  }
0xef: {  	[tilespmem:s23], [sflag:$0x5] =	stream.indirect.gather [hbm4b:s4+s11], $0x40, s6, s11, $0xb8;
	[tilespmem:$0x1A500] =	vst v63  }
0xf0: {  	_ =	swait.ge [sflag:s24], $0x2000  }
0xf1: {  	[sflag:s24] =	ssyncset.done $0x0  }
0xf2: {  	[sflag:s24] =	ssyncadd.s32 $0xFFFFE000  }
0xf3: {  	[spmem:s2] =	stream.indirect.scatter.add.f32 [tilespmem:s25], [sflag:$0xA], $0x40, s0, s11, $0xb8;
	[tilespmem:$0x1A500] =	vst v63  }
0xf4: {  	_ =	swait.ge [sflag:s13], $0x2000  }
0xf5: {  	[sflag:s13] =	ssyncset.done $0x0  }
0xf6: {  	s6 =	sadd.s32 $0x680, s5;
	[sflag:s13] =	ssyncadd.s32 $0xFFFFE000  }
0xf7: {  	[tilespmem:s25], [sflag:$0x6] =	stream.indirect.gather [hbm4b:s4+s11], $0x40, s6, s11, $0xb8;
	[tilespmem:$0x1A500] =	vst v63  }
0xf8: {  	_ =	swait.ge [sflag:s26], $0x2000  }
0xf9: {  	[sflag:s26] =	ssyncset.done $0x0  }
0xfa: {  	[sflag:s26] =	ssyncadd.s32 $0xFFFFE000  }
0xfb: {  	[spmem:s2] =	stream.indirect.scatter.add.f32 [tilespmem:s28], [sflag:$0xA], $0x40, s0, s11, $0xb8;
	[tilespmem:$0x1A500] =	vst v63  }
0xfc: {  	_ =	swait.ge [sflag:s13], $0x2000  }
0xfd: {  	[sflag:s13] =	ssyncset.done $0x0  }
0xfe: {  	s6 =	sadd.s32 $0x700, s5;
	[sflag:s13] =	ssyncadd.s32 $0xFFFFE000  }
0xff: {  	[tilespmem:s28], [sflag:$0x7] =	stream.indirect.gather [hbm4b:s4+s11], $0x40, s6, s11, $0xb8;
	[tilespmem:$0x1A500] =	vst v63  }
0x100: {  	_ =	swait.ge [sflag:s29], $0x2000  }
0x101: {  	[sflag:s29] =	ssyncset.done $0x0  }
.Ltmp2:
0x102: {  	[sflag:s29] =	ssyncadd.s32 $0xFFFFE000;
	(pc) =	sbr.rel @p0 .LBB2_6-.Ltmp2, $4  }
0x103: {  	[spmem:s2] =	stream.indirect.scatter.add.f32 [tilespmem:s30], [sflag:$0xA], $0x40, s0, s11, $0xb8;
	[tilespmem:$0x1A500] =	vst v63  }
0x104: {  	_ =	swait.ge [sflag:s13], $0x2000  }
0x105: {  	[sflag:s13] =	ssyncset.done $0x0  }
0x106: {  	s5 =	sadd.s32 $0x780, s5;
	[sflag:s13] =	ssyncadd.s32 $0xFFFFE000  }
0x107: {  	[tilespmem:s30], [sflag:$0x8] =	stream.indirect.gather [hbm4b:s4+s11], $0x40, s5, s11, $0xb8;
	[tilespmem:$0x1A500] =	vst v63  }
0x108: {  	_ =	swait.ge [sflag:s31], $0x2000  }
0x109: {  	[sflag:s31] =	ssyncset.done $0x0  }
0x10a: {  	[sflag:s31] =	ssyncadd.s32 $0xFFFFE000  }
0x10b: {  	[spmem:s2] =	stream.indirect.scatter.add.f32 [tilespmem:s16], [sflag:$0xA], $0x40, s0, s11, $0xb8;
	[tilespmem:$0x1A500] =	vst v63  }
0x10c: {  	_ =	swait.ge [sflag:s13], $0x2000  }
0x10d: {  	[sflag:s13] =	ssyncset.done $0x0  }
0x10e: {  	[sflag:s13] =	ssyncadd.s32 $0xFFFFE000  }
0x10f: {  	_ =	swait.ge [sflag:s12], $0x2000  }
0x110: {  	[sflag:s12] =	ssyncset.done $0x0  }
0x111: {  	[sflag:s12] =	ssyncadd.s32 $0xFFFFE000  }
0x112: {  	[spmem:s2] =	stream.indirect.scatter.add.f32 [tilespmem:s17], [sflag:$0xA], $0x40, s0, s11, $0xb8;
	[tilespmem:$0x1A500] =	vst v63  }
0x113: {  	_ =	swait.ge [sflag:s13], $0x2000  }
0x114: {  	[sflag:s13] =	ssyncset.done $0x0  }
0x115: {  	[sflag:s13] =	ssyncadd.s32 $0xFFFFE000  }
0x116: {  	_ =	swait.ge [sflag:s18], $0x2000  }
0x117: {  	[sflag:s18] =	ssyncset.done $0x0  }
0x118: {  	[sflag:s18] =	ssyncadd.s32 $0xFFFFE000  }
0x119: {  	[spmem:s2] =	stream.indirect.scatter.add.f32 [tilespmem:s19], [sflag:$0xA], $0x40, s0, s11, $0xb8;
	[tilespmem:$0x1A500] =	vst v63  }
0x11a: {  	_ =	swait.ge [sflag:s13], $0x2000  }
0x11b: {  	[sflag:s13] =	ssyncset.done $0x0  }
0x11c: {  	[sflag:s13] =	ssyncadd.s32 $0xFFFFE000  }
0x11d: {  	_ =	swait.ge [sflag:s20], $0x2000  }
0x11e: {  	[sflag:s20] =	ssyncset.done $0x0  }
0x11f: {  	[sflag:s20] =	ssyncadd.s32 $0xFFFFE000  }
0x120: {  	[spmem:s2] =	stream.indirect.scatter.add.f32 [tilespmem:s21], [sflag:$0xA], $0x40, s0, s11, $0xb8;
	[tilespmem:$0x1A500] =	vst v63  }
0x121: {  	_ =	swait.ge [sflag:s13], $0x2000  }
0x122: {  	[sflag:s13] =	ssyncset.done $0x0  }
0x123: {  	[sflag:s13] =	ssyncadd.s32 $0xFFFFE000  }
0x124: {  	_ =	swait.ge [sflag:s22], $0x2000  }
0x125: {  	[sflag:s22] =	ssyncset.done $0x0  }
0x126: {  	[sflag:s22] =	ssyncadd.s32 $0xFFFFE000  }
0x127: {  	[spmem:s2] =	stream.indirect.scatter.add.f32 [tilespmem:s23], [sflag:$0xA], $0x40, s0, s11, $0xb8;
	[tilespmem:$0x1A500] =	vst v63  }
0x128: {  	_ =	swait.ge [sflag:s13], $0x2000  }
0x129: {  	[sflag:s13] =	ssyncset.done $0x0  }
0x12a: {  	[sflag:s13] =	ssyncadd.s32 $0xFFFFE000  }
0x12b: {  	_ =	swait.ge [sflag:s24], $0x2000  }
0x12c: {  	[sflag:s24] =	ssyncset.done $0x0  }
0x12d: {  	[sflag:s24] =	ssyncadd.s32 $0xFFFFE000  }
0x12e: {  	[spmem:s2] =	stream.indirect.scatter.add.f32 [tilespmem:s25], [sflag:$0xA], $0x40, s0, s11, $0xb8;
	[tilespmem:$0x1A500] =	vst v63  }
0x12f: {  	_ =	swait.ge [sflag:s13], $0x2000  }
0x130: {  	[sflag:s13] =	ssyncset.done $0x0  }
0x131: {  	[sflag:s13] =	ssyncadd.s32 $0xFFFFE000  }
0x132: {  	_ =	swait.ge [sflag:s26], $0x2000  }
0x133: {  	[sflag:s26] =	ssyncset.done $0x0  }
0x134: {  	[sflag:s26] =	ssyncadd.s32 $0xFFFFE000  }
0x135: {  	[spmem:s2] =	stream.indirect.scatter.add.f32 [tilespmem:s28], [sflag:$0xA], $0x40, s0, s11, $0xb8;
	[tilespmem:$0x1A500] =	vst v63  }
0x136: {  	_ =	swait.ge [sflag:s13], $0x2000  }
0x137: {  	[sflag:s13] =	ssyncset.done $0x0  }
0x138: {  	[sflag:s13] =	ssyncadd.s32 $0xFFFFE000  }
0x139: {  	_ =	swait.ge [sflag:s29], $0x2000  }
0x13a: {  	[sflag:s29] =	ssyncset.done $0x0  }
0x13b: {  	[sflag:s29] =	ssyncadd.s32 $0xFFFFE000  }
0x13c: {  	[spmem:s2] =	stream.indirect.scatter.add.f32 [tilespmem:s30], [sflag:$0xA], $0x40, s0, s11, $0xb8;
	[tilespmem:$0x1A500] =	vst v63  }
0x13d: {  	_ =	swait.ge [sflag:s13], $0x2000  }
0x13e: {  	[sflag:s13] =	ssyncset.done $0x0  }
0x13f: {  	[sflag:s13] =	ssyncadd.s32 $0xFFFFE000  }
0x140: {  	_ =	swait.ge [sflag:s1], $0x2000  }
0x141: {  	[sflag:s1] =	ssyncset.done $0x0  }
0x142: {  	s6 =	simm.s32 $0x18400;
	s15 =	stileid.u32;
	[sflag:s1] =	ssyncadd.s32 $0xFFFFE000  }
0x143: {  	[hbm4b:s8+s3] =	stream.linear.scatter [tilespmem:s6], [sflag:$0xA], $0x2000, $0x38;
	[tilespmem:$0x1A500] =	vst v63  }
0x144: {  	s14 =	sadd.s32 $0x1, s14;
	s5 =	sshll.u32 s15, $0x6;
	_ =	swait.ge [sflag:s13], $0x2000  }
0x145: {  	p0 =	sne.s32 s14, s10;
	s5 =	sor.u32 $0x1C0A, s5;
	[sflag:s13] =	ssyncset.done $0x0  }
.Ltmp3:
0x146: {  	s6 =	sshrl.u32 s7, $0x3;
	[sflag:s13] =	ssyncadd.s32 $0xFFFFE000;
	(pc) =	sbr.rel @p0 .LBB2_1-.Ltmp3, $4  }
0x147: {  	[hbm:s9], [sflag:s5] =	dma.local [spmem:s6], $0x400  }
0x148: {  	_ =	swait.ge [sflag:s13], $0x400  }
0x149: {  	[sflag:s13] =	ssyncset.done $0x0  }
0x14a: {  	[sflag:s13] =	ssyncadd.s32 $0xFFFFFC00  }
0x14b: {  	_ =	sfence.sel $0x180000  }
0x14c: {  	[bflag:$0x0] =	sbarrier.arrive $0xFFFF  }
0x14d: {  	_ =	strace $0x90000047  }
0x14e: {  	s0 =	stileid.u32;
	[bflag:$0x2] =	sbarrier.arrive $0xFFFF  }
0x14f: {  	p0 =	sne.s32 s0, $0x0;
	s0 =	rddreg [dreg:$0x3]  }
0x150: {  	s0 =	sadd.s32 @!p0 $0x100000, s0  }
0x151: {  	[sflag:s0] =	ssyncadd.tile.s32 @!p0 $0x1;
	_ =	shalt  }
.Lfunc_end2:
_tile_overlayer_lowered:
.L_overlay_start_2:
0x152: {  	(tag) =	ssettag $0x2  }
0x153: {  	s0 =	rddreg [dreg:$0x0];
	s2 =	stileid.u32  }
0x154: {  	s1 =	rddreg [dreg:$0x1];
	p0 =	sne.s32 s2, $0x0  }
0x155: {  	s3 =	rddreg [dreg:$0x2];
	[bflag:$0x3] =	sbarrier.arrive $0xFFFF;
	s2 =	simm.s32 @!p0 $0x1C0A  }
0x156: {  	[timem:s3], [sflag:s2] =	dma.local @!p0 [hbm:s0], s1  }
0x157: {  	s0 =	simm.s32 @!p0 $0xA  }
0x158: {  	_ =	swait.ge @!p0 [sflag:s0], s1  }
0x159: {  	s1 =	ssub.s32 @!p0 $0x0, s1;
	[sflag:s0] =	ssyncset.done @!p0 $0x0  }
0x15a: {  	[sflag:s0] =	ssyncadd.s32 @!p0 s1  }
0x15b: {  	[bflag:$0x3] =	sbarrier.arrive $0xFFFF  }
0x15c: {  	_ =	shalt  }

// kernel: kernel.8.cloned.1.call-start
scs
__scs_entry_jumppad:
0x0: {  	(pc) =	sbr.rel $0x88, $3  }
0x1: {  	(tag) =	ssettag $0x0;
	lr =	simm.s32 $0x1  }
0x2: {  	[smem:$0x3F92] =	sst lr;
	_ =	strace $0xD0000000  }
0x3: {  	_ = 	snop  }
0x4: {  	_ = 	snop  }
0x5: {  	_ = 	snop  }
0x6: {  	_ = 	snop  }
0x7: {  	_ = 	snop  }
__scs_overlays_trampoline_lowered:
0x8: {  	[smem:$0x3FA1] =	sst s0  }
0x9: {  	[smem:$0x3FA2] =	sst s1  }
0xa: {  	[smem:$0x3FA3] =	sst s2  }
0xb: {  	[smem:$0x3FA4] =	sst s3  }
0xc: {  	[smem:$0x3FA5] =	sst s4  }
0xd: {  	[smem:$0x3FA6] =	sst s5  }
0xe: {  	[smem:$0x3FA7] =	sst s6  }
0xf: {  	[smem:$0x3FA8] =	sst s7  }
0x10: {  	[smem:$0x3FA9] =	sst s8  }
0x11: {  	[smem:$0x3FAA] =	sst s9;
	s0 =	simm.s32 @!p0 $0x0  }
0x12: {  	s1 =	sld [smem:$0x3F90];
	s0 =	simm.s32 @p0 $0x1  }
0x13: {  	[smem:$0x3FAB] =	sst s0;
	s0 =	simm.s32 @!p1 $0x0  }
0x14: {  	s2 =	sld [smem:$0x3F8F];
	s0 =	simm.s32 @p1 $0x1  }
0x15: {  	[smem:$0x3FAC] =	sst s0;
	s0 =	simm.s32 @!p2 $0x0  }
0x16: {  	s3 =	sld [smem:$0x3FDB];
	s0 =	simm.s32 @p2 $0x1  }
0x17: {  	s4 =	simm.s32 $0x1BF5;
	[smem:$0x3FAE] =	sst s0  }
0x18: {  	s0 =	sld [smem:$0x3F91];
	_ =	swait.ge [sflag:s4], $0x0  }
0x19: {  	s7 =	sld [smem:$0x3F92]  }
0x1a: {  	s8 =	sadd.s32 $0xFFFFE003, lr  }
0x1b: {  	s9 =	sadd.s32 $0xFFFFFEF7, lr;
	s5 =	simm.s32 $0xFFFFFFFF;
	p2 =	slt.u32 s8, $0xFFFFF086  }
0x1c: {  	p1 =	slt.u32 s9, $0xF7A;
	s5 =	simm.s32 @!p2 $0x0  }
0x1d: {  	s5 =	simm.s32 @p1 $0x1;
	p0 =	seq.s32 s7, s2  }
0x1e: {  	s7 =	smul.u32 @!p0 $0xF7A, s2;
	p2 =	seq.s32 @!p0 s5, $0x0  }
0x1f: {  	s9 =	smul.u32 $0xF7A, s1;
	s8 =	simm.s32 @!p0 $0x1BF5;
	p2 =	por !p2, p0  }
0x20: {  	[sflag:s8] =	ssyncset.s32 @!p0 $0xFFFFF086;
	s6 =	sadd.s32 @!p0 s3, s7;
	s7 =	simm.s32 @!p0 $0x108  }
0x21: {  	s3 =	sadd.s32 s3, s9;
	s6 =	sadd.s32 @!p0 $0x88, s6;
	s7 =	simm.s32 @p2 $0x1082  }
0x22: {  	[simem:s7], [sflag:s8] =	dma.local @!p0 [hbm:s6], $0xF7A  }
0x23: {  	s9 =	sor.u32 $0xD0000000, s2;
	s6 =	simm.s32 $0x108;
	_ =	swait.ge @!p0 [sflag:s8], $0x0  }
0x24: {  	s3 =	sadd.s32 $0x88, s3;
	s6 =	simm.s32 @!p1 $0x1082;
	[sflag:s4] =	ssyncset.s32 $0xFFFFF086  }
0x25: {  	[simem:s6], [sflag:s4] =	dma.local [hbm:s3], $0xF7A  }
0x26: {  	[smem:$0x3F92] =	sst s1;
	(tag) =	ssettag s2;
	_ =	strace s9  }
0x27: {  	s1 =	sld [smem:$0x3FA2]  }
0x28: {  	s2 =	sld [smem:$0x3FA3]  }
0x29: {  	s4 =	sld [smem:$0x3FA5]  }
0x2a: {  	p0 =	seq.s32 s5, $0x0;
	s5 =	sld [smem:$0x3FA6]  }
0x2b: {  	s6 =	sld [smem:$0x3FA7]  }
0x2c: {  	s7 =	sld [smem:$0x3FA8]  }
0x2d: {  	s3 =	simm.s32 $0x108;
	s8 =	sld [smem:$0x3FA9]  }
0x2e: {  	s3 =	simm.s32 @!p0 $0x1082;
	s9 =	sld [smem:$0x3FAA]  }
0x2f: {  	lr =	sadd.s32 s0, s3;
	s0 =	sld [smem:$0x3FA1]  }
0x30: {  	s3 =	sld [smem:$0x3FA4]  }
0x31: {  	[smem:$0x3FAD] =	sst s10  }
0x32: {  	s10 =	sld [smem:$0x3FAB];
	_ =	sdelay $0x3  }
0x33: {  	p0 =	seq.s32 s10, $0x1;
	s10 =	sld [smem:$0x3FAD];
	_ =	sdelay $0x3  }
0x34: {  	[smem:$0x3FAD] =	sst s10  }
0x35: {  	s10 =	sld [smem:$0x3FAC];
	_ =	sdelay $0x3  }
0x36: {  	p1 =	seq.s32 s10, $0x1;
	s10 =	sld [smem:$0x3FAD];
	_ =	sdelay $0x3  }
0x37: {  	[smem:$0x3FAD] =	sst s10  }
0x38: {  	s10 =	sld [smem:$0x3FAE]  }
0x39: {  	_ = 	snop;
	(pc) =	sbr.ind lr, $3  }
0x3a: {  	_ = 	snop  }
0x3b: {  	_ = 	snop  }
0x3c: {  	p2 =	seq.s32 s10, $0x1;
	s10 =	sld [smem:$0x3FAD]  }
0x3d: {  	_ =	shalt  }
0x3e: {  	_ =	shalt  }
0x3f: {  	_ =	shalt  }
0x40: {  	_ =	shalt  }
0x41: {  	_ =	shalt  }
0x42: {  	_ =	shalt  }
0x43: {  	_ =	shalt  }
0x44: {  	_ =	shalt  }
0x45: {  	_ =	shalt  }
0x46: {  	_ =	shalt  }
0x47: {  	_ =	shalt  }
0x48: {  	_ =	shalt  }
0x49: {  	_ =	shalt  }
0x4a: {  	_ =	shalt  }
0x4b: {  	_ =	shalt  }
0x4c: {  	_ =	shalt  }
0x4d: {  	_ =	shalt  }
0x4e: {  	_ =	shalt  }
0x4f: {  	_ =	shalt  }
0x50: {  	_ =	shalt  }
0x51: {  	_ =	shalt  }
0x52: {  	_ =	shalt  }
0x53: {  	_ =	shalt  }
0x54: {  	_ =	shalt  }
0x55: {  	_ =	shalt  }
0x56: {  	_ =	shalt  }
0x57: {  	_ =	shalt  }
0x58: {  	_ =	shalt  }
0x59: {  	_ =	shalt  }
0x5a: {  	_ =	shalt  }
0x5b: {  	_ =	shalt  }
0x5c: {  	_ =	shalt  }
0x5d: {  	_ =	shalt  }
0x5e: {  	_ =	shalt  }
0x5f: {  	_ =	shalt  }
0x60: {  	_ =	shalt  }
0x61: {  	_ =	shalt  }
0x62: {  	_ =	shalt  }
0x63: {  	_ =	shalt  }
0x64: {  	_ =	shalt  }
0x65: {  	_ =	shalt  }
0x66: {  	_ =	shalt  }
0x67: {  	_ =	shalt  }
0x68: {  	_ =	shalt  }
0x69: {  	_ =	shalt  }
0x6a: {  	_ =	shalt  }
0x6b: {  	_ =	shalt  }
0x6c: {  	_ =	shalt  }
0x6d: {  	_ =	shalt  }
0x6e: {  	_ =	shalt  }
0x6f: {  	_ =	shalt  }
0x70: {  	_ =	shalt  }
0x71: {  	_ =	shalt  }
0x72: {  	_ =	shalt  }
0x73: {  	_ =	shalt  }
0x74: {  	_ =	shalt  }
0x75: {  	_ =	shalt  }
0x76: {  	_ =	shalt  }
0x77: {  	_ =	shalt  }
0x78: {  	_ =	shalt  }
0x79: {  	_ =	shalt  }
0x7a: {  	_ =	shalt  }
0x7b: {  	_ =	shalt  }
0x7c: {  	_ =	shalt  }
0x7d: {  	_ =	shalt  }
0x7e: {  	_ =	shalt  }
0x7f: {  	_ =	shalt  }
0x80: {  	_ =	shalt  }
0x81: {  	_ =	shalt  }
0x82: {  	_ =	shalt  }
0x83: {  	_ =	shalt  }
0x84: {  	_ =	shalt  }
0x85: {  	_ =	shalt  }
0x86: {  	_ =	shalt  }
0x87: {  	_ =	shalt  }
.Lfunc_end0:
.L_simem_size_0:
called_computation_lowered:
.L_overlay_start_0:
0x88: {  	s2 =	sld [smem:$0x3FD9]  }
0x89: {  	s3 =	sld [smem:$0x3FFE];
	_ =	sdelay $0x1  }
0x8a: {  	s1 =	srdreg.scid  }
0x8b: {  	s0 =	sand.u32 $0x1, s1  }
0x8c: {  	s17 =	sshll.u32 s0, $0xA;
	s2 =	sadd.s32 s3, s2  }
0x8d: {  	s2 =	sadd.s32 s2, s17  }
0x8e: {  	[smem:$0x3FB9] =	sst s2  }
0x8f: {  	_ = 	snop  }
0x90: {  	s18 =	sld [smem:$0x3FC9]  }
0x91: {  	s4 =	sld [smem:$0x3FC6];
	(tm) =	ssettm $0x1  }
0x92: {  	s19 =	sld [smem:$0x3FFB];
	_ =	sdelay $0x3  }
0x93: {  	_ =	strace s19  }
0x94: {  	s2 =	sld [smem:$0x3FFC];
	_ =	sdelay $0x3  }
0x95: {  	_ =	strace s2  }
0x96: {  	s2 =	sld [smem:$0x3FFD];
	_ =	sdelay $0x3  }
0x97: {  	_ =	strace s2  }
0x98: {  	_ =	strace $0x8FFFFFFF  }
0x99: {  	s20 =	sld [smem:$0x3FDB];
	_ =	sdelay $0x1  }
0x9a: {  	s5 =	simm.s32 $_scs_section_size  }
0x9b: {  	s6 =	simm.s32 $_size__tile_overlayer_lowered;
	s7 =	simm.s32 $_tile_overlayer_lowered  }
0x9c: {  	s8 =	simm.s32 $0x1BFF;
	s21 =	sshll.u32 s7, $0x1;
	s5 =	sadd.s32 s5, s20  }
0x9d: {  	s22 =	simm.s32 $0x0;
	s6 =	sshll.u32 s6, $0x1;
	s7 =	sadd.s32 s21, s5  }
0x9e: {  	[timem:s22], [sflag:s8] =	dma.local [hbm:s7], s6  }
0x9f: {  	_ =	swait.ge [sflag:s8], s6  }
0xa0: {  	s6 =	ssub.s32 $0x0, s6;
	[sflag:s8] =	ssyncset.done $0x0  }
0xa1: {  	[sflag:s8] =	ssyncadd.s32 s6;
	_ =	sdelay $0x1  }
0xa2: {  	s23 =	simm.s32 $0x1B8B  }
0xa3: {  	_ =	swait.ge [sflag:s23], $0x1  }
0xa4: {  	[sflag:s23] =	ssyncset.done $0x0  }
0xa5: {  	[sflag:s23] =	ssyncadd.s32 $0xFFFFFFFF  }
0xa6: {  	s6 =	sld [smem:$0x0]  }
0xa7: {  	s7 =	sand.u32 $0xFFFFFFFE, s1  }
0xa8: {  	p0 =	sne.s32 s1, s7  }
0xa9: {  	s7 =	sshll.u32 @p0 s7, $0xE  }
0xaa: {  	s7 =	sadd.s32 @p0 $0x11B8D, s7;
	s8 =	sshll.u32 @p0 s6, $0x11  }
0xab: {  	s7 =	sor.u32 @p0 s8, s7  }
0xac: {  	[sflag:s7] =	ssyncadd.remote.s32 @p0 $0x1;
	_ =	sdelay $0x1  }
0xad: {  	s7 =	simm.s32 @p0 $0x1B8D  }
0xae: {  	_ =	swait.eq @p0 [sflag:s7], $0x1  }
0xaf: {  	[sflag:s7] =	ssyncadd.s32 @p0 $0xFFFFFFFF  }
0xb0: {  	s8 =	sshll.u32 @!p0 s1, $0xE  }
0xb1: {  	s8 =	sor.u32 @!p0 $0x4000, s8;
	s7 =	simm.s32 @!p0 $0x1B8D  }
0xb2: {  	s6 =	sshll.u32 @!p0 s6, $0x11;
	s8 =	sadd.s32 @!p0 $0x11B8D, s8;
	_ =	swait.eq @!p0 [sflag:s7], $0x1  }
0xb3: {  	s6 =	sor.u32 @!p0 s6, s8;
	[sflag:s7] =	ssyncadd.s32 @!p0 $0xFFFFFFFF  }
0xb4: {  	s25 =	simm.s32 $0x1B8E;
	s24 =	sld [smem:$0x3FFE];
	[sflag:s6] =	ssyncadd.remote.s32 @!p0 $0x1  }
0xb5: {  	s26 =	simm.s32 $execute0_lowered;
	[smem:$0x3FD2] =	sst s25  }
0xb6: {  	s7 =	sshll.u32 s26, $0x1;
	_ =	strace $0x80000049;
	[dreg:$0x1] =	wrdreg $0xFFFFFFFF  }
0xb7: {  	s28 =	simm.s32 $_size_execute0_lowered;
	s5 =	sadd.s32 s5, s7;
	[dreg:$0x0] =	wrdreg $0x0  }
0xb8: {  	s7 =	sshll.u32 s28, $0x1;
	[dreg:$0x2] =	wrdreg s5  }
0xb9: {  	[dreg:$0x3] =	wrdreg s7  }
0xba: {  	[dreg:$0x4] =	wrdreg $0xC0  }
0xbb: {  	_ =	task [dreg:s22], $0x5FFFF  }
0xbc: {  	[dreg:$0x1] =	wrdreg $0xFFFFFFFF  }
0xbd: {  	[dreg:$0x0] =	wrdreg $0x60  }
0xbe: {  	[dreg:$0x2] =	wrdreg s18  }
0xbf: {  	[dreg:$0x3] =	wrdreg s4  }
0xc0: {  	[dreg:$0x4] =	wrdreg s24  }
0xc1: {  	[dreg:$0x5] =	wrdreg $0x9  }
0xc2: {  	_ =	task.clear_ibuf [dreg:s22], $0x6FFFF;
	_ =	strace $0x90000049  }
0xc3: {  	s29 =	simm.s32 $0x9;
	_ =	strace $0x8000004B  }
0xc4: {  	_ =	swait.ge [sflag:s29], $0x1  }
0xc5: {  	[sflag:s29] =	ssyncadd.s32 $0xFFFFFFFF  }
0xc6: {  	_ =	strace $0x9000004B  }
0xc7: {  	_ =	sfence  }
0xc8: {  	s30 =	sld [smem:$0x0];
	_ =	sdelay $0x2  }
0xc9: {  	s31 =	sshll.u32 s1, $0xD;
	s1 =	sshrl.u32 s1, $0x2  }
0xca: {  	s4 =	sand.u32 $0x4000, s31;
	s1 =	sadd.s32 s1, s30  }
0xcb: {  	s0 =	sor.u32 s4, s0;
	s1 =	sshll.u32 s1, $0x11  }
0xcc: {  	s0 =	sor.u32 s1, s0  }
0xcd: {  	s0 =	sadd.s32 $0x8F2B, s0  }
0xce: {  	[sflag:s0] =	ssyncadd.remote.s32 $0x1  }
0xcf: {  	_ =	sfence.sel $0xFFFF  }
0xd0: {  	[dreg:$0x0] =	wrdreg $0xFFFFFFFF;
	(pc) =	sbr.abs _section_cstart, $3  }
0xd1: {  	[dreg:$0x1] =	wrdreg $0xFFFFFFFF  }
0xd2: {  	_ =	task.clear_ibuf [dreg:s22], $0x2FFFF;
	_ =	strace $0x9FFFFFFF  }
0xd3: {  	(tm) =	ssettm $0x7FFFFFFF  }
tec
execute0_lowered:
.L_overlay_start_1:
0x0: {  	(tag) =	ssettag $0x1  }
0x1: {  	s4 =	rddreg [dreg:$0x0]  }
0x2: {  	s5 =	rddreg [dreg:$0x1]  }
0x3: {  	s7 =	rddreg [dreg:$0x2];
	s3 =	srdreg.scid  }
0x4: {  	s0 =	rddreg [dreg:$0x3];
	s2 =	simm.s32 $0x0;
	s6 =	sand.u32 $0x1, s3  }
0x5: {  	s1 =	stileid.u32;
	s13 =	simm.s32 $0x80;
	s30 =	ssub.s32 $0x2, s6  }
0x6: {  	s8 =	sshll.u32 s1, $0x8;
	s9 =	sshll.u32 s6, $0x7;
	s11 =	sshrl.u32 s30, $0x1  }
0x7: {  	s12 =	simm.s32 $0x1;
	s8 =	sor.u32 s9, s8;
	s9 =	ssub.s32 s30, s11  }
0x8: {  	p0 =	por $0x0, $0x0;
	[smem:$0x7FF] =	sst s2;
	s16 =	smax.u32 s9, $0x1  }
0x9: {  	s3 =	sadd.s32 $0x7EBA00, s7;
	_ =	strace $0x8000004A;
	p1 =	sne.s32 s16, $0x1  }
.Ltmp0:
0xa: {  	s6 =	sadd.s32 $0x8EBA00, s7;
	s10 =	sshll.u32 s8, $0x3;
	(pc) =	sbr.rel @!p1 .LBB2_3-.Ltmp0, $4  }
0xb: {  	s31 =	sshrl.u32 s8, $0x3;
	s11 =	simm.s32 $0x4080;
	s8 =	simm.s32 $0x2000  }
0xc: {  	s10 =	sadd.s32 s10, s7;
	s15 =	sadd.s32 s4, s31;
	s14 =	sadd.s32 s5, s31  }
0xd: {  	s5 =	simm.s32 $0x3;
	s9 =	simm.s32 $0x2;
	s7 =	sadd.s32 $0x933A00, s10  }
0xe: {  	s4 =	sadd.s32 $0x92BA00, s10;
	s10 =	simm.s32 $0x4000;
	s16 =	sadd.s32 $0xFFFFFFFF, s16  }
0xf: {  	[tilespmem:s10], [sflag:$0x3] =	stream.linear.gather [hbm4b:s15+s2], $0x80, $0x38;
	[tilespmem:$0x4100] =	vst v63  }
0x10: {  	_ =	swait.ge [sflag:s5], $0x80  }
0x11: {  	[sflag:s5] =	ssyncset.done $0x0  }
0x12: {  	[sflag:s5] =	ssyncadd.s32 $0xFFFFFF80  }
0x13: {  	[tilespmem:s11], [sflag:$0x3] =	stream.linear.gather [hbm4b:s14+s2], $0x80, $0x38;
	[tilespmem:$0x4100] =	vst v63  }
0x14: {  	_ =	swait.ge [sflag:s5], $0x80  }
0x15: {  	[sflag:s5] =	ssyncset.done $0x0  }
0x16: {  	[sflag:s5] =	ssyncadd.s32 $0xFFFFFF80  }
0x17: {  	v0 =	vld [tilespmem:$0x4080]  }
0x18: {  	v1 =	vld [tilespmem:$0x40D0]  }
0x19: {  	v2 =	vld [tilespmem:$0x40A0]  }
0x1a: {  	v3 =	vld [tilespmem:$0x4090]  }
0x1b: {  	v8 =	vld [tilespmem:$0x4010]  }
0x1c: {  	v63 =	vld [tilespmem:$0x40B0]  }
0x1d: {  	v10 =	vld [tilespmem:$0x4020]  }
0x1e: {  	v25 =	vld [tilespmem:$0x4060];
	v4 =	vshll.u32 v0, $0x1;
	v5 =	vshrl.u32 v0, $0xE;
	v6 =	vand.u32 $0xFFFF8000, v1  }
0x1f: {  	v14 =	vld [tilespmem:$0x4030];
	v7 =	vshll.u32 v1, $0x1;
	v0 =	vand.u32 $0xFFFF8000, v0;
	v1 =	vshrl.u32 v1, $0xE  }
0x20: {  	v16 =	vld [tilespmem:$0x4040];
	v20 =	vshll.u32 v3, $0x1;
	v9 =	vand.u32 $0xFFFF8000, v2;
	v22 =	vshrl.u32 v3, $0xE  }
0x21: {  	v32 =	vld [tilespmem:$0x40C0];
	v3 =	vand.u32 $0xFFFF8000, v3;
	v11 =	vshrl.u32 v2, $0xE;
	v2 =	vshll.u32 v2, $0x1  }
0x22: {  	v35 =	vld [tilespmem:$0x4050];
	v12 =	vshrl.u32 v8, $0xE;
	v13 =	vshrl.u32 v63, $0xE;
	v23 =	vshll.u32 v8, $0x1  }
0x23: {  	v38 =	vld [tilespmem:$0x40F0];
	v8 =	vand.u32 $0xFFFF8000, v8;
	v26 =	vshrl.u32 v10, $0xE;
	v27 =	vand.u32 $0xFFFF8000, v10  }
0x24: {  	v40 =	vld [tilespmem:$0x40E0];
	v15 =	vshll.u32 v63, $0x1;
	v10 =	vshll.u32 v10, $0x1;
	v30 =	vshrl.u32 v25, $0xE  }
0x25: {  	v49 =	vld [tilespmem:$0x4000];
	v31 =	vshll.u32 v14, $0x1;
	v33 =	vand.u32 $0xFFFF8000, v25;
	v17 =	vshrl.u32 v14, $0xE  }
0x26: {  	v53 =	vld [tilespmem:$0x4070];
	v36 =	vand.u32 $0xFFFF8000, v14;
	v37 =	vand.u32 $0xFFFF8000, v16;
	v18 =	vshll.u32 v16, $0x1  }
0x27: {  	v16 =	vshrl.u32 v16, $0xE;
	v39 =	vshll.u32 v32, $0x1;
	v42 =	vand.u32 $0xFFFF8000, v32  }
0x28: {  	v43 =	vshrl.u32 v35, $0xE;
	v44 =	vand.u32 $0xFFFF8000, v35;
	v45 =	vshrl.u32 v32, $0xE  }
0x29: {  	v47 =	vshrl.u32 v38, $0xE;
	v51 =	vand.u32 $0xFFFF8000, v38;
	v52 =	vshll.u32 v40, $0x1  }
0x2a: {  	v54 =	vshrl.u32 v40, $0xE;
	v55 =	vand.u32 $0xFFFF8000, v40;
	v57 =	vshll.u32 v49, $0x1  }
0x2b: {  	v58 =	vand.u32 $0xFFFF8000, v49;
	v59 =	vshrl.u32 v53, $0xE;
	v61 =	vshrl.u32 v49, $0xE  }
0x2c: {  	v62 =	vand.u32 $0xFFFF8000, v53;
	v4 =	vand.u32 $0x7FFE, v4;
	v7 =	vand.u32 $0x7FFE, v7  }
0x2d: {  	v1 =	vand.u32 $0x1, v1;
	v5 =	vand.u32 $0x1, v5;
	v21 =	vand.u32 $0x7FFE, v20  }
0x2e: {  	v11 =	vand.u32 $0x1, v11;
	v2 =	vand.u32 $0x7FFE, v2;
	v24 =	vand.u32 $0x1, v13  }
0x2f: {  	v12 =	vand.u32 $0x1, v12;
	v28 =	vand.u32 $0x7FFE, v10;
	v29 =	vand.u32 $0x7FFE, v15  }
0x30: {  	v15 =	vand.u32 $0x1, v30;
	v17 =	vand.u32 $0x1, v17;
	v18 =	vand.u32 $0x7FFE, v18  }
0x31: {  	v13 =	vshll.u32 v25, $0x1;
	v16 =	vand.u32 $0x1, v16;
	v41 =	vand.u32 $0x7FFE, v39  }
0x32: {  	v10 =	vand.u32 $0x7FFE, v52;
	v56 =	vand.u32 $0x1, v54;
	v0 =	vor.u32 v0, v4  }
0x33: {  	v6 =	vor.u32 v6, v7;
	v7 =	vand.u32 $0x1, v22;
	v3 =	vor.u32 v3, v21  }
0x34: {  	v2 =	vor.u32 v9, v2;
	v9 =	vand.u32 $0x1, v26;
	v0 =	vor.u32 v5, v0  }
0x35: {  	v4 =	vand.u32 $0xFFFF8000, v63;
	v14 =	vor.u32 v37, v18;
	v1 =	vor.u32 v1, v6;
	[tilespmem:$0x4080] =	vst v0  }
0x36: {  	v46 =	vand.u32 $0x7FFE, v13;
	v10 =	vor.u32 v55, v10;
	v2 =	vor.u32 v11, v2;
	[tilespmem:$0x40D0] =	vst v1  }
0x37: {  	v6 =	vand.u32 $0x7FFE, v23;
	v4 =	vor.u32 v4, v29;
	v14 =	vor.u32 v16, v14;
	[tilespmem:$0x40A0] =	vst v2  }
0x38: {  	v11 =	vand.u32 $0x7FFE, v31;
	v16 =	vor.u32 v42, v41;
	v3 =	vor.u32 v7, v3;
	[tilespmem:$0x4040] =	vst v14  }
0x39: {  	v6 =	vor.u32 v8, v6;
	v8 =	vor.u32 v27, v28;
	v4 =	vor.u32 v24, v4;
	[tilespmem:$0x4090] =	vst v3  }
0x3a: {  	v48 =	vor.u32 v33, v46;
	v5 =	vshll.u32 v53, $0x1;
	v8 =	vor.u32 v9, v8;
	[tilespmem:$0x40B0] =	vst v4  }
0x3b: {  	v11 =	vor.u32 v36, v11;
	v0 =	vand.u32 $0x1, v43;
	v34 =	vor.u32 v12, v6;
	[tilespmem:$0x4020] =	vst v8  }
0x3c: {  	v1 =	vand.u32 $0x1, v45;
	v2 =	vand.u32 $0x1, v47;
	v11 =	vor.u32 v17, v11;
	[tilespmem:$0x4010] =	vst v34  }
0x3d: {  	v6 =	vshll.u32 v35, $0x1;
	v1 =	vor.u32 v1, v16;
	v12 =	vshll.u32 v38, $0x1;
	[tilespmem:$0x4030] =	vst v11  }
0x3e: {  	v50 =	vand.u32 $0x7FFE, v6;
	v12 =	vand.u32 $0x7FFE, v12;
	v8 =	vor.u32 v15, v48;
	[tilespmem:$0x40C0] =	vst v1  }
0x3f: {  	v1 =	vor.u32 v56, v10;
	v4 =	vor.u32 v44, v50;
	v6 =	vor.u32 v51, v12;
	[tilespmem:$0x4060] =	vst v8  }
0x40: {  	[tilespmem:$0x40E0] =	vst v1;
	v2 =	vor.u32 v2, v6;
	v6 =	vand.u32 $0x7FFE, v57;
	v0 =	vor.u32 v0, v4  }
0x41: {  	v63 =	vand.u32 $0x1, v61;
	v5 =	vand.u32 $0x7FFE, v5;
	v60 =	vor.u32 v58, v6;
	[tilespmem:$0x4050] =	vst v0  }
0x42: {  	p1 =	sne.s32 s16, $0x1;
	v1 =	vand.u32 $0x1, v59;
	[tilespmem:$0x40F0] =	vst v2;
	v0 =	vor.u32 v62, v5;
	v2 =	vor.u32 v63, v60  }
.Ltmp1:
0x43: {  	v0 =	vor.u32 v1, v0;
	[tilespmem:$0x4000] =	vst v2;
	(pc) =	sbr.rel @!p1 .LBB2_3-.Ltmp1, $4  }
0x44: {  	[tilespmem:$0x4070] =	vst v0  }
0x45: {  	[tilespmem:s2], [sflag:$0x1] =	stream.indirect.gather [hbm4b:s3+s13], $0x40, s10, s13, $0xb8;
	[tilespmem:$0x4100] =	vst v63  }
0x46: {  	s16 =	sadd.s32 $0xFFFFFFFF, s16;
	p0 =	por $0x1, $0x1  }
0x47: {  	[tilespmem:s8], [sflag:$0x2] =	stream.indirect.gather [hbm4b:s6+s13], $0x40, s11, s13, $0xb8;
	[tilespmem:$0x4100] =	vst v63  }
.LBB2_2:
0x48: {  	p1 =	sne.s32 s16, $0x1;
	s16 =	sadd.s32 $0xFFFFFFFF, s16;
	_ =	swait.ge [sflag:s12], $0x2000  }
0x49: {  	[sflag:s12] =	ssyncset.done $0x0  }
0x4a: {  	[sflag:s12] =	ssyncadd.s32 $0xFFFFE000  }
0x4b: {  	[hbm4b:s7+s2] =	stream.linear.scatter [tilespmem:s2], [sflag:$0x3], $0x2000, $0x38;
	[tilespmem:$0x4100] =	vst v63  }
0x4c: {  	_ =	swait.ge [sflag:s5], $0x2000  }
0x4d: {  	[sflag:s5] =	ssyncset.done $0x0  }
0x4e: {  	[sflag:s5] =	ssyncadd.s32 $0xFFFFE000  }
0x4f: {  	_ =	swait.ge [sflag:s9], $0x2000  }
0x50: {  	[sflag:s9] =	ssyncset.done $0x0  }
0x51: {  	[sflag:s9] =	ssyncadd.s32 $0xFFFFE000  }
0x52: {  	[hbm4b:s4+s2] =	stream.linear.scatter [tilespmem:s8], [sflag:$0x3], $0x2000, $0x38;
	[tilespmem:$0x4100] =	vst v63  }
0x53: {  	_ =	swait.ge [sflag:s5], $0x2000  }
0x54: {  	[sflag:s5] =	ssyncset.done $0x0  }
0x55: {  	[sflag:s5] =	ssyncadd.s32 $0xFFFFE000  }
0x56: {  	[tilespmem:s10], [sflag:$0x3] =	stream.linear.gather [hbm4b:s15+s2], $0x80, $0x38;
	[tilespmem:$0x4100] =	vst v63  }
0x57: {  	_ =	swait.ge [sflag:s5], $0x80  }
0x58: {  	[sflag:s5] =	ssyncset.done $0x0  }
0x59: {  	[sflag:s5] =	ssyncadd.s32 $0xFFFFFF80  }
0x5a: {  	[tilespmem:s11], [sflag:$0x3] =	stream.linear.gather [hbm4b:s14+s2], $0x80, $0x38;
	[tilespmem:$0x4100] =	vst v63  }
0x5b: {  	_ =	swait.ge [sflag:s5], $0x80  }
0x5c: {  	[sflag:s5] =	ssyncset.done $0x0  }
0x5d: {  	[sflag:s5] =	ssyncadd.s32 $0xFFFFFF80  }
0x5e: {  	v0 =	vld [tilespmem:$0x4080]  }
0x5f: {  	v1 =	vld [tilespmem:$0x40D0]  }
0x60: {  	v2 =	vld [tilespmem:$0x40A0]  }
0x61: {  	v3 =	vld [tilespmem:$0x4090];
	_ =	sdelay $0x1  }
0x62: {  	v4 =	vshll.u32 v0, $0x1;
	v5 =	vshrl.u32 v0, $0xE  }
0x63: {  	v6 =	vand.u32 $0xFFFF8000, v1;
	v7 =	vshll.u32 v1, $0x1;
	v1 =	vshrl.u32 v1, $0xE  }
0x64: {  	v0 =	vand.u32 $0xFFFF8000, v0;
	v4 =	vand.u32 $0x7FFE, v4;
	v8 =	vld [tilespmem:$0x4010];
	v7 =	vand.u32 $0x7FFE, v7  }
0x65: {  	v0 =	vor.u32 v0, v4;
	v1 =	vand.u32 $0x1, v1;
	v4 =	vld [tilespmem:$0x40B0];
	v6 =	vor.u32 v6, v7  }
0x66: {  	v5 =	vand.u32 $0x1, v5;
	v10 =	vand.u32 $0xFFFF8000, v2;
	v7 =	vshll.u32 v3, $0x1;
	v9 =	vld [tilespmem:$0x4020]  }
0x67: {  	v0 =	vor.u32 v5, v0;
	v5 =	vand.u32 $0x7FFE, v7;
	v7 =	vshrl.u32 v3, $0xE  }
0x68: {  	v3 =	vand.u32 $0xFFFF8000, v3;
	[tilespmem:$0x4080] =	vst v0;
	v0 =	vand.u32 $0x1, v7;
	v7 =	vshrl.u32 v2, $0xE  }
0x69: {  	v2 =	vshll.u32 v2, $0x1;
	v11 =	vshrl.u32 v8, $0xE;
	v7 =	vand.u32 $0x1, v7  }
0x6a: {  	v1 =	vor.u32 v1, v6;
	v2 =	vand.u32 $0x7FFE, v2;
	v12 =	vld [tilespmem:$0x4030];
	v13 =	vshrl.u32 v4, $0xE  }
0x6b: {  	v3 =	vor.u32 v3, v5;
	v6 =	vshll.u32 v8, $0x1;
	v5 =	vand.u32 $0x1, v13;
	[tilespmem:$0x40D0] =	vst v1;
	v1 =	vld [tilespmem:$0x4060]  }
0x6c: {  	v6 =	vand.u32 $0x7FFE, v6;
	v11 =	vand.u32 $0x1, v11;
	v2 =	vor.u32 v10, v2;
	v10 =	vld [tilespmem:$0x4040]  }
0x6d: {  	v8 =	vand.u32 $0xFFFF8000, v8;
	v13 =	vshrl.u32 v9, $0xE;
	v2 =	vor.u32 v7, v2  }
0x6e: {  	v7 =	vand.u32 $0xFFFF8000, v9;
	v13 =	vand.u32 $0x1, v13;
	[tilespmem:$0x40A0] =	vst v2;
	v2 =	vshll.u32 v4, $0x1  }
0x6f: {  	v6 =	vor.u32 v8, v6;
	v8 =	vshll.u32 v9, $0x1;
	v4 =	vand.u32 $0xFFFF8000, v4  }
0x70: {  	v8 =	vand.u32 $0x7FFE, v8;
	v2 =	vand.u32 $0x7FFE, v2;
	v9 =	vshrl.u32 v1, $0xE  }
0x71: {  	v7 =	vor.u32 v7, v8;
	v8 =	vshll.u32 v12, $0x1;
	v14 =	vld [tilespmem:$0x4050];
	v9 =	vand.u32 $0x1, v9  }
0x72: {  	v7 =	vor.u32 v13, v7;
	v2 =	vor.u32 v4, v2;
	v13 =	vand.u32 $0xFFFF8000, v1;
	v4 =	vld [tilespmem:$0x40C0]  }
0x73: {  	v2 =	vor.u32 v5, v2;
	[tilespmem:$0x4020] =	vst v7;
	v7 =	vand.u32 $0x7FFE, v8;
	v8 =	vshrl.u32 v12, $0xE  }
0x74: {  	v5 =	vor.u32 v11, v6;
	v6 =	vand.u32 $0xFFFF8000, v12;
	[tilespmem:$0x40B0] =	vst v2;
	v2 =	vand.u32 $0xFFFF8000, v10  }
0x75: {  	[tilespmem:$0x4010] =	vst v5;
	v5 =	vand.u32 $0x1, v8;
	v8 =	vshll.u32 v10, $0x1;
	v10 =	vshrl.u32 v10, $0xE;
	v11 =	vld [tilespmem:$0x40F0]  }
0x76: {  	v1 =	vshll.u32 v1, $0x1;
	v6 =	vor.u32 v6, v7;
	v7 =	vand.u32 $0x7FFE, v8;
	v8 =	vld [tilespmem:$0x40E0]  }
0x77: {  	v2 =	vor.u32 v2, v7;
	v7 =	vand.u32 $0x1, v10;
	v10 =	vshrl.u32 v14, $0xE  }
0x78: {  	v5 =	vor.u32 v5, v6;
	v6 =	vand.u32 $0xFFFF8000, v14;
	v2 =	vor.u32 v7, v2  }
0x79: {  	v7 =	vshrl.u32 v4, $0xE;
	v10 =	vand.u32 $0x1, v10;
	[tilespmem:$0x4030] =	vst v5;
	v5 =	vshll.u32 v4, $0x1  }
0x7a: {  	v1 =	vand.u32 $0x7FFE, v1;
	[tilespmem:$0x4040] =	vst v2;
	v2 =	vand.u32 $0x7FFE, v5;
	v5 =	vshrl.u32 v11, $0xE  }
0x7b: {  	v12 =	vshll.u32 v14, $0x1;
	v4 =	vand.u32 $0xFFFF8000, v4;
	v7 =	vand.u32 $0x1, v7  }
0x7c: {  	v1 =	vor.u32 v13, v1;
	v2 =	vor.u32 v4, v2;
	v4 =	vand.u32 $0x1, v5  }
0x7d: {  	v2 =	vor.u32 v7, v2;
	v7 =	vand.u32 $0x7FFE, v12;
	v12 =	vand.u32 $0xFFFF8000, v11;
	v5 =	vld [tilespmem:$0x4000]  }
0x7e: {  	v11 =	vshll.u32 v11, $0x1;
	[tilespmem:$0x40C0] =	vst v2;
	v2 =	vor.u32 v6, v7;
	v6 =	vshll.u32 v8, $0x1;
	v7 =	vld [tilespmem:$0x4070]  }
0x7f: {  	v13 =	vshrl.u32 v8, $0xE;
	v11 =	vand.u32 $0x7FFE, v11;
	v6 =	vand.u32 $0x7FFE, v6  }
0x80: {  	v1 =	vor.u32 v9, v1;
	v8 =	vand.u32 $0xFFFF8000, v8;
	v9 =	vor.u32 v12, v11  }
0x81: {  	v4 =	vor.u32 v4, v9;
	v6 =	vor.u32 v8, v6;
	v8 =	vand.u32 $0x1, v13  }
0x82: {  	v2 =	vor.u32 v10, v2;
	v9 =	vshll.u32 v5, $0x1;
	[tilespmem:$0x4060] =	vst v1;
	v1 =	vor.u32 v8, v6  }
0x83: {  	v6 =	vand.u32 $0xFFFF8000, v5;
	v8 =	vand.u32 $0x7FFE, v9;
	[tilespmem:$0x40E0] =	vst v1;
	v1 =	vshrl.u32 v7, $0xE  }
0x84: {  	v5 =	vshrl.u32 v5, $0xE;
	v6 =	vor.u32 v6, v8;
	[tilespmem:$0x4050] =	vst v2;
	v2 =	vand.u32 $0xFFFF8000, v7  }
0x85: {  	v0 =	vor.u32 v0, v3;
	v3 =	vshll.u32 v7, $0x1;
	[tilespmem:$0x40F0] =	vst v4  }
0x86: {  	v4 =	vand.u32 $0x1, v5;
	[tilespmem:$0x4090] =	vst v0;
	v0 =	vand.u32 $0x7FFE, v3  }
0x87: {  	v1 =	vand.u32 $0x1, v1;
	v3 =	vor.u32 v4, v6;
	v0 =	vor.u32 v2, v0  }
.Ltmp2:
0x88: {  	[tilespmem:$0x4000] =	vst v3;
	v0 =	vor.u32 v1, v0;
	(pc) =	sbr.rel @p1 .LBB2_2-.Ltmp2, $4  }
0x89: {  	[tilespmem:$0x4070] =	vst v0  }
0x8a: {  	[tilespmem:s2], [sflag:$0x1] =	stream.indirect.gather [hbm4b:s3+s13], $0x40, s10, s13, $0xb8;
	[tilespmem:$0x4100] =	vst v63  }
0x8b: {  	_ = 	snop  }
0x8c: {  	[tilespmem:s8], [sflag:$0x2] =	stream.indirect.gather [hbm4b:s6+s13], $0x40, s11, s13, $0xb8;
	[tilespmem:$0x4100] =	vst v63  }
.LBB2_3:
0x8d: {  	_ =	swait.ge @p0 [sflag:s12], $0x2000  }
0x8e: {  	[sflag:s12] =	ssyncset.done @p0 $0x0  }
0x8f: {  	[sflag:s12] =	ssyncadd.s32 @p0 $0xFFFFE000  }
0x90: {  	[hbm4b:s7+s2] =	stream.linear.scatter @p0 [tilespmem:s2], [sflag:$0x3], $0x2000, $0x38;
	[tilespmem:$0x4100] =	vst v63  }
0x91: {  	_ =	swait.ge @p0 [sflag:s5], $0x2000  }
0x92: {  	[sflag:s5] =	ssyncset.done @p0 $0x0  }
0x93: {  	[sflag:s5] =	ssyncadd.s32 @p0 $0xFFFFE000  }
0x94: {  	_ =	swait.ge @p0 [sflag:s9], $0x2000  }
0x95: {  	[sflag:s9] =	ssyncset.done @p0 $0x0  }
0x96: {  	[sflag:s9] =	ssyncadd.s32 @p0 $0xFFFFE000  }
0x97: {  	[hbm4b:s4+s2] =	stream.linear.scatter @p0 [tilespmem:s8], [sflag:$0x3], $0x2000, $0x38;
	[tilespmem:$0x4100] =	vst v63  }
0x98: {  	_ =	swait.ge @p0 [sflag:s5], $0x2000  }
0x99: {  	[sflag:s5] =	ssyncset.done @p0 $0x0  }
0x9a: {  	[sflag:s5] =	ssyncadd.s32 @p0 $0xFFFFE000  }
0x9b: {  	[tilespmem:s10], [sflag:$0x3] =	stream.linear.gather [hbm4b:s15+s2], $0x80, $0x38;
	[tilespmem:$0x4100] =	vst v63  }
0x9c: {  	_ =	swait.ge [sflag:s5], $0x80  }
0x9d: {  	[sflag:s5] =	ssyncset.done $0x0  }
0x9e: {  	[sflag:s5] =	ssyncadd.s32 $0xFFFFFF80  }
0x9f: {  	[tilespmem:s11], [sflag:$0x3] =	stream.linear.gather [hbm4b:s14+s2], $0x80, $0x38;
	[tilespmem:$0x4100] =	vst v63  }
0xa0: {  	_ =	swait.ge [sflag:s5], $0x80  }
0xa1: {  	[sflag:s5] =	ssyncset.done $0x0  }
0xa2: {  	[sflag:s5] =	ssyncadd.s32 $0xFFFFFF80  }
0xa3: {  	v0 =	vld [tilespmem:$0x4080]  }
0xa4: {  	v1 =	vld [tilespmem:$0x40D0]  }
0xa5: {  	v2 =	vld [tilespmem:$0x40A0]  }
0xa6: {  	v3 =	vld [tilespmem:$0x4090]  }
0xa7: {  	v8 =	vld [tilespmem:$0x4010]  }
0xa8: {  	v63 =	vld [tilespmem:$0x40B0]  }
0xa9: {  	v10 =	vld [tilespmem:$0x4020]  }
0xaa: {  	v25 =	vld [tilespmem:$0x4060];
	v4 =	vshll.u32 v0, $0x1;
	v5 =	vshrl.u32 v0, $0xE;
	v6 =	vand.u32 $0xFFFF8000, v1  }
0xab: {  	v14 =	vld [tilespmem:$0x4030];
	v7 =	vshll.u32 v1, $0x1;
	v0 =	vand.u32 $0xFFFF8000, v0;
	v1 =	vshrl.u32 v1, $0xE  }
0xac: {  	v16 =	vld [tilespmem:$0x4040];
	v20 =	vshll.u32 v3, $0x1;
	v9 =	vand.u32 $0xFFFF8000, v2;
	v22 =	vshrl.u32 v3, $0xE  }
0xad: {  	v32 =	vld [tilespmem:$0x40C0];
	v3 =	vand.u32 $0xFFFF8000, v3;
	v11 =	vshrl.u32 v2, $0xE;
	v2 =	vshll.u32 v2, $0x1  }
0xae: {  	v35 =	vld [tilespmem:$0x4050];
	v12 =	vshrl.u32 v8, $0xE;
	v13 =	vshrl.u32 v63, $0xE;
	v23 =	vshll.u32 v8, $0x1  }
0xaf: {  	v38 =	vld [tilespmem:$0x40F0];
	v8 =	vand.u32 $0xFFFF8000, v8;
	v26 =	vshrl.u32 v10, $0xE;
	v27 =	vand.u32 $0xFFFF8000, v10  }
0xb0: {  	v40 =	vld [tilespmem:$0x40E0];
	v15 =	vshll.u32 v63, $0x1;
	v10 =	vshll.u32 v10, $0x1;
	v30 =	vshrl.u32 v25, $0xE  }
0xb1: {  	v49 =	vld [tilespmem:$0x4000];
	v31 =	vshll.u32 v14, $0x1;
	v33 =	vand.u32 $0xFFFF8000, v25;
	v17 =	vshrl.u32 v14, $0xE  }
0xb2: {  	v53 =	vld [tilespmem:$0x4070];
	v36 =	vand.u32 $0xFFFF8000, v14;
	v37 =	vand.u32 $0xFFFF8000, v16;
	v18 =	vshll.u32 v16, $0x1  }
0xb3: {  	v16 =	vshrl.u32 v16, $0xE;
	v39 =	vshll.u32 v32, $0x1;
	v42 =	vand.u32 $0xFFFF8000, v32  }
0xb4: {  	v43 =	vshrl.u32 v35, $0xE;
	v44 =	vand.u32 $0xFFFF8000, v35;
	v45 =	vshrl.u32 v32, $0xE  }
0xb5: {  	v47 =	vshrl.u32 v38, $0xE;
	v51 =	vand.u32 $0xFFFF8000, v38;
	v52 =	vshll.u32 v40, $0x1  }
0xb6: {  	v54 =	vshrl.u32 v40, $0xE;
	v55 =	vand.u32 $0xFFFF8000, v40;
	v57 =	vshll.u32 v49, $0x1  }
0xb7: {  	v58 =	vand.u32 $0xFFFF8000, v49;
	v59 =	vshrl.u32 v53, $0xE;
	v61 =	vshrl.u32 v49, $0xE  }
0xb8: {  	v62 =	vand.u32 $0xFFFF8000, v53;
	v4 =	vand.u32 $0x7FFE, v4;
	v7 =	vand.u32 $0x7FFE, v7  }
0xb9: {  	v1 =	vand.u32 $0x1, v1;
	v5 =	vand.u32 $0x1, v5;
	v21 =	vand.u32 $0x7FFE, v20  }
0xba: {  	v11 =	vand.u32 $0x1, v11;
	v2 =	vand.u32 $0x7FFE, v2;
	v24 =	vand.u32 $0x1, v13  }
0xbb: {  	v12 =	vand.u32 $0x1, v12;
	v28 =	vand.u32 $0x7FFE, v10;
	v29 =	vand.u32 $0x7FFE, v15  }
0xbc: {  	v15 =	vand.u32 $0x1, v30;
	v17 =	vand.u32 $0x1, v17;
	v18 =	vand.u32 $0x7FFE, v18  }
0xbd: {  	v13 =	vshll.u32 v25, $0x1;
	v16 =	vand.u32 $0x1, v16;
	v41 =	vand.u32 $0x7FFE, v39  }
0xbe: {  	v10 =	vand.u32 $0x7FFE, v52;
	v56 =	vand.u32 $0x1, v54;
	v0 =	vor.u32 v0, v4  }
0xbf: {  	v6 =	vor.u32 v6, v7;
	v7 =	vand.u32 $0x1, v22;
	v3 =	vor.u32 v3, v21  }
0xc0: {  	v2 =	vor.u32 v9, v2;
	v9 =	vand.u32 $0x1, v26;
	v0 =	vor.u32 v5, v0  }
0xc1: {  	v4 =	vand.u32 $0xFFFF8000, v63;
	v14 =	vor.u32 v37, v18;
	v1 =	vor.u32 v1, v6;
	[tilespmem:$0x4080] =	vst v0  }
0xc2: {  	v46 =	vand.u32 $0x7FFE, v13;
	v10 =	vor.u32 v55, v10;
	v2 =	vor.u32 v11, v2;
	[tilespmem:$0x40D0] =	vst v1  }
0xc3: {  	v6 =	vand.u32 $0x7FFE, v23;
	v4 =	vor.u32 v4, v29;
	v14 =	vor.u32 v16, v14;
	[tilespmem:$0x40A0] =	vst v2  }
0xc4: {  	v11 =	vand.u32 $0x7FFE, v31;
	v16 =	vor.u32 v42, v41;
	v3 =	vor.u32 v7, v3;
	[tilespmem:$0x4040] =	vst v14  }
0xc5: {  	v6 =	vor.u32 v8, v6;
	v8 =	vor.u32 v27, v28;
	v4 =	vor.u32 v24, v4;
	[tilespmem:$0x4090] =	vst v3  }
0xc6: {  	v48 =	vor.u32 v33, v46;
	v5 =	vshll.u32 v53, $0x1;
	v8 =	vor.u32 v9, v8;
	[tilespmem:$0x40B0] =	vst v4  }
0xc7: {  	v11 =	vor.u32 v36, v11;
	v0 =	vand.u32 $0x1, v43;
	v34 =	vor.u32 v12, v6;
	[tilespmem:$0x4020] =	vst v8  }
0xc8: {  	v1 =	vand.u32 $0x1, v45;
	v2 =	vand.u32 $0x1, v47;
	v11 =	vor.u32 v17, v11;
	[tilespmem:$0x4010] =	vst v34  }
0xc9: {  	v6 =	vshll.u32 v35, $0x1;
	v1 =	vor.u32 v1, v16;
	v12 =	vshll.u32 v38, $0x1;
	[tilespmem:$0x4030] =	vst v11  }
0xca: {  	v50 =	vand.u32 $0x7FFE, v6;
	v12 =	vand.u32 $0x7FFE, v12;
	v8 =	vor.u32 v15, v48;
	[tilespmem:$0x40C0] =	vst v1  }
0xcb: {  	v1 =	vor.u32 v56, v10;
	v4 =	vor.u32 v44, v50;
	v6 =	vor.u32 v51, v12;
	[tilespmem:$0x4060] =	vst v8  }
0xcc: {  	[tilespmem:$0x40E0] =	vst v1;
	v2 =	vor.u32 v2, v6;
	v6 =	vand.u32 $0x7FFE, v57;
	v0 =	vor.u32 v0, v4  }
0xcd: {  	v63 =	vand.u32 $0x1, v61;
	v5 =	vand.u32 $0x7FFE, v5;
	v60 =	vor.u32 v58, v6;
	[tilespmem:$0x4050] =	vst v0  }
0xce: {  	v1 =	vand.u32 $0x1, v59;
	[tilespmem:$0x40F0] =	vst v2;
	v0 =	vor.u32 v62, v5;
	v2 =	vor.u32 v63, v60  }
0xcf: {  	v0 =	vor.u32 v1, v0;
	[tilespmem:$0x4000] =	vst v2  }
0xd0: {  	[tilespmem:$0x4070] =	vst v0  }
0xd1: {  	[tilespmem:s2], [sflag:$0x1] =	stream.indirect.gather [hbm4b:s3+s13], $0x40, s10, s13, $0xb8;
	[tilespmem:$0x4100] =	vst v63  }
0xd2: {  	_ = 	snop  }
0xd3: {  	[tilespmem:s8], [sflag:$0x2] =	stream.indirect.gather [hbm4b:s6+s13], $0x40, s11, s13, $0xb8;
	[tilespmem:$0x4100] =	vst v63  }
0xd4: {  	_ =	swait.ge [sflag:s12], $0x2000  }
0xd5: {  	[sflag:s12] =	ssyncset.done $0x0  }
0xd6: {  	[sflag:s12] =	ssyncadd.s32 $0xFFFFE000  }
0xd7: {  	[hbm4b:s7+s2] =	stream.linear.scatter [tilespmem:s2], [sflag:$0x3], $0x2000, $0x38;
	[tilespmem:$0x4100] =	vst v63  }
0xd8: {  	_ =	swait.ge [sflag:s5], $0x2000  }
0xd9: {  	[sflag:s5] =	ssyncset.done $0x0  }
0xda: {  	[sflag:s5] =	ssyncadd.s32 $0xFFFFE000  }
0xdb: {  	_ =	swait.ge [sflag:s9], $0x2000  }
0xdc: {  	[sflag:s9] =	ssyncset.done $0x0  }
0xdd: {  	[sflag:s9] =	ssyncadd.s32 $0xFFFFE000  }
0xde: {  	[hbm4b:s4+s2] =	stream.linear.scatter [tilespmem:s8], [sflag:$0x3], $0x2000, $0x38;
	[tilespmem:$0x4100] =	vst v63  }
0xdf: {  	_ =	swait.ge [sflag:s5], $0x2000  }
0xe0: {  	[sflag:s5] =	ssyncset.done $0x0  }
0xe1: {  	[sflag:s5] =	ssyncadd.s32 $0xFFFFE000  }
0xe2: {  	_ =	sfence.sel $0x180000  }
0xe3: {  	[bflag:$0x0] =	sbarrier.arrive $0xFFFF  }
0xe4: {  	p0 =	sne.s32 s1, $0x0;
	_ =	strace $0x9000004A  }
0xe5: {  	s0 =	sadd.s32 @!p0 $0x100000, s0;
	[bflag:$0x2] =	sbarrier.arrive $0xFFFF  }
0xe6: {  	[sflag:s0] =	ssyncadd.tile.s32 @!p0 $0x1;
	_ =	shalt  }
.Lfunc_end2:
_tile_overlayer_lowered:
.L_overlay_start_2:
0xe7: {  	(tag) =	ssettag $0x2  }
0xe8: {  	s0 =	rddreg [dreg:$0x0];
	s2 =	stileid.u32  }
0xe9: {  	s1 =	rddreg [dreg:$0x1];
	p0 =	sne.s32 s2, $0x0  }
0xea: {  	s3 =	rddreg [dreg:$0x2];
	[bflag:$0x3] =	sbarrier.arrive $0xFFFF;
	s2 =	simm.s32 @!p0 $0x1C03  }
0xeb: {  	[timem:s3], [sflag:s2] =	dma.local @!p0 [hbm:s0], s1  }
0xec: {  	s0 =	simm.s32 @!p0 $0x3  }
0xed: {  	_ =	swait.ge @!p0 [sflag:s0], s1  }
0xee: {  	s1 =	ssub.s32 @!p0 $0x0, s1;
	[sflag:s0] =	ssyncset.done @!p0 $0x0  }
0xef: {  	[sflag:s0] =	ssyncadd.s32 @!p0 s1  }
0xf0: {  	[bflag:$0x3] =	sbarrier.arrive $0xFFFF  }
0xf1: {  	_ =	shalt  }

</sc_bundles>
